<compile_context>
chip_gen: v7x
topology: tpu7x:2x2x1
jax: 0.10.2.dev20260603
libtpu: 0.0.44.dev20260713+nightly
codegen_flags: <defaults>
</compile_context>

<pallas_src>
import functools

import jax
import jax.numpy as jnp
from jax import lax
from jax.experimental import pallas as pl
from jax.experimental.pallas import tpu as pltpu
from jax.experimental.pallas import tpu_sc as plsc

N = 10000
E = 320000
D = 128
G = 64

NC = 2
NS = 16
NW = NC * NS
EPW = E // NW
K = 64
NCHUNK = 156
NBUF = 4
NGRP = NCHUNK // NBUF
ETAIL0 = NCHUNK * K
ETAILN = EPW - ETAIL0
RPS = 624
TAIL0 = NS * RPS
TAILN = N - TAIL0

_sc_mesh = plsc.VectorSubcoreMesh(core_axis_name="c", subcore_axis_name="s")


@functools.partial(
    pl.kernel,
    out_type=jax.ShapeDtypeStruct((NC, N, D), jnp.float32),
    mesh=_sc_mesh,
    scratch_types=[
        pltpu.VMEM((EPW,), jnp.int32),
        pltpu.VMEM((K, D), jnp.float32),
        pltpu.VMEM((K, D), jnp.float32),
        pltpu.VMEM((K, D), jnp.float32),
        pltpu.VMEM((K, D), jnp.float32),
        pltpu.VMEM((K,), jnp.int32),
        pltpu.VMEM((K,), jnp.int32),
        pltpu.VMEM((K,), jnp.int32),
        pltpu.VMEM((K,), jnp.int32),
        pltpu.VMEM_SHARED((N, D), jnp.float32),
        pltpu.SemaphoreType.DMA,
        pltpu.SemaphoreType.DMA,
        pltpu.SemaphoreType.DMA,
        pltpu.SemaphoreType.DMA,
        pltpu.SemaphoreType.DMA,
        pltpu.SemaphoreType.DMA,
        pltpu.SemaphoreType.DMA,
        pltpu.SemaphoreType.DMA,
    ],
)
def _segsum_sc(h_hbm, src_hbm, dst_hbm, zero_hbm, out_hbm,
               srcall_v, rows0_v, rows1_v, rows2_v, rows3_v,
               dst0_v, dst1_v, dst2_v, dst3_v, acc_sh,
               gsem0, gsem1, gsem2, gsem3, dsem0, dsem1, dsem2, dsem3):
    cid = lax.axis_index("c")
    sid = lax.axis_index("s")
    wid = sid * NC + cid
    r0 = sid * RPS
    base = wid * EPW

    pltpu.async_copy(zero_hbm.at[pl.ds(r0, RPS)], acc_sh.at[pl.ds(r0, RPS)],
                     gsem0)
    pltpu.async_copy(src_hbm.at[pl.ds(base, EPW)], srcall_v, gsem1)

    @pl.when(sid == NS - 1)
    def _():
        pltpu.async_copy(zero_hbm.at[pl.ds(TAIL0, TAILN)],
                         acc_sh.at[pl.ds(TAIL0, TAILN)], gsem2)
        pltpu.make_async_copy(zero_hbm.at[pl.ds(TAIL0, TAILN)],
                              acc_sh.at[pl.ds(TAIL0, TAILN)], gsem2).wait()

    pltpu.make_async_copy(zero_hbm.at[pl.ds(r0, RPS)],
                          acc_sh.at[pl.ds(r0, RPS)], gsem0).wait()
    pltpu.make_async_copy(src_hbm.at[pl.ds(base, EPW)], srcall_v,
                          gsem1).wait()
    plsc.subcore_barrier()

    rows = (rows0_v, rows1_v, rows2_v, rows3_v)
    dstb = (dst0_v, dst1_v, dst2_v, dst3_v)
    gsem = (gsem0, gsem1, gsem2, gsem3)
    dsem = (dsem0, dsem1, dsem2, dsem3)

    def gat_start(c, b):
        pltpu.async_copy(h_hbm.at[srcall_v.at[pl.ds(c * K, K)]],
                         rows[b], gsem[b])

    def gat_wait(c, b):
        pltpu.make_async_copy(h_hbm.at[srcall_v.at[pl.ds(c * K, K)]],
                              rows[b], gsem[b]).wait()

    def dst_start(c, b):
        pltpu.async_copy(dst_hbm.at[pl.ds(base + c * K, K)], dstb[b],
                         dsem[b])

    def dst_wait(c, b):
        pltpu.make_async_copy(dst_hbm.at[pl.ds(base + c * K, K)], dstb[b],
                              dsem[b]).wait()

    def scat(b):
        pltpu.sync_copy(rows[b], acc_sh.at[dstb[b]], add=True)

    pltpu.sync_copy(dst_hbm.at[pl.ds(base + ETAIL0, ETAILN)],
                    dst0_v.at[pl.ds(0, ETAILN)])
    pltpu.async_copy(h_hbm.at[srcall_v.at[pl.ds(ETAIL0, ETAILN)]],
                     rows0_v.at[pl.ds(0, ETAILN)], gsem0)
    pltpu.make_async_copy(h_hbm.at[srcall_v.at[pl.ds(ETAIL0, ETAILN)]],
                          rows0_v.at[pl.ds(0, ETAILN)], gsem0).wait()
    pltpu.sync_copy(rows0_v.at[pl.ds(0, ETAILN)],
                    acc_sh.at[dst0_v.at[pl.ds(0, ETAILN)]], add=True)

    for b in range(NBUF):
        dst_start(b, b)
        gat_start(b, b)

    def grp(g, carry):
        c = NBUF * g
        for b in range(NBUF):
            gat_wait(c + b, b)
            dst_wait(c + b, b)
            scat(b)

            @pl.when(c + b + NBUF < NCHUNK)
            def _():
                dst_start(c + b + NBUF, b)
                gat_start(c + b + NBUF, b)

        return carry

    lax.fori_loop(0, NGRP, grp, 0)
    plsc.subcore_barrier()
    pltpu.sync_copy(acc_sh.at[pl.ds(r0, RPS)], out_hbm.at[cid, pl.ds(r0, RPS)])

    @pl.when(sid == NS - 1)
    def _():
        pltpu.sync_copy(acc_sh.at[pl.ds(TAIL0, TAILN)],
                        out_hbm.at[cid, pl.ds(TAIL0, TAILN)])


BR = 2000
NBLK = N // BR


def _layer_body(relu, p0_ref, p1_ref, h_ref, wl_ref, bl_ref, wr_ref, o_ref):
    agg = p0_ref[0] + p1_ref[0]
    acc = jnp.dot(agg, wl_ref[...], preferred_element_type=jnp.float32)
    acc = acc + jnp.dot(h_ref[...], wr_ref[...], preferred_element_type=jnp.float32)
    acc = acc + bl_ref[...]
    if relu:
        acc = jnp.maximum(acc, 0.0)
    o_ref[...] = acc


def _tc_layer(p, h, Wl, bl2, Wr, relu):
    body = functools.partial(_layer_body, relu)
    return pl.pallas_call(
        body,
        grid=(NBLK,),
        in_specs=[
            pl.BlockSpec((1, BR, D), lambda i: (0, i, 0)),
            pl.BlockSpec((1, BR, D), lambda i: (1, i, 0)),
            pl.BlockSpec((BR, D), lambda i: (i, 0)),
            pl.BlockSpec((D, D), lambda i: (0, 0)),
            pl.BlockSpec((1, D), lambda i: (0, 0)),
            pl.BlockSpec((D, D), lambda i: (0, 0)),
        ],
        out_specs=pl.BlockSpec((BR, D), lambda i: (i, 0)),
        out_shape=jax.ShapeDtypeStruct((N, D), jnp.float32),
    )(p, p, h, Wl, bl2, Wr)


def _layer3_pool_body(p0_ref, p1_ref, h_ref, wl_ref, bl_ref, wr_ref, b_ref,
                      wlin_ref, blin_ref, o_ref, sums_ref, cnt_ref):
    i = pl.program_id(0)
    agg = p0_ref[0] + p1_ref[0]
    acc = jnp.dot(agg, wl_ref[...], preferred_element_type=jnp.float32)
    acc = acc + jnp.dot(h_ref[...], wr_ref[...],
                        preferred_element_type=jnp.float32)
    h3 = acc + bl_ref[...]
    gids = lax.broadcasted_iota(jnp.int32, (G, BR), 0)
    onehot = (b_ref[0] == gids).astype(jnp.float32)
    psum = jnp.dot(onehot, h3, preferred_element_type=jnp.float32)
    pcnt = jnp.broadcast_to(jnp.sum(onehot, axis=1, keepdims=True), (G, D))

    @pl.when(i == 0)
    def _():
        sums_ref[...] = psum
        cnt_ref[...] = pcnt

    @pl.when(i > 0)
    def _():
        sums_ref[...] += psum
        cnt_ref[...] += pcnt

    @pl.when(i == NBLK - 1)
    def _():
        pooled = sums_ref[...] / jnp.maximum(cnt_ref[...], 1.0)
        o_ref[...] = (jnp.dot(pooled, wlin_ref[...],
                              preferred_element_type=jnp.float32)
                      + blin_ref[...])


def _tc_layer3_pool(p, h, Wl, bl2, Wr, batch2, Wlin, blin2):
    return pl.pallas_call(
        _layer3_pool_body,
        grid=(NBLK,),
        in_specs=[
            pl.BlockSpec((1, BR, D), lambda i: (0, i, 0)),
            pl.BlockSpec((1, BR, D), lambda i: (1, i, 0)),
            pl.BlockSpec((BR, D), lambda i: (i, 0)),
            pl.BlockSpec((D, D), lambda i: (0, 0)),
            pl.BlockSpec((1, D), lambda i: (0, 0)),
            pl.BlockSpec((D, D), lambda i: (0, 0)),
            pl.BlockSpec((1, 1, BR), lambda i: (i, 0, 0)),
            pl.BlockSpec((D, D), lambda i: (0, 0)),
            pl.BlockSpec((1, D), lambda i: (0, 0)),
        ],
        out_specs=pl.BlockSpec((G, D), lambda i: (0, 0)),
        out_shape=jax.ShapeDtypeStruct((G, D), jnp.float32),
        scratch_shapes=[
            pltpu.VMEM((G, D), jnp.float32),
            pltpu.VMEM((G, D), jnp.float32),
        ],
    )(p, p, h, Wl, bl2, Wr, batch2, Wlin, blin2)


def kernel(x, edge_index, batch, W1l, b1, W1r, W2l, b2, W2r, W3l, b3, W3r,
           Wlin, blin):
    src = edge_index[0].astype(jnp.int32)
    dst = edge_index[1].astype(jnp.int32)
    zeros = jnp.zeros((N, D), jnp.float32)

    p = _segsum_sc(x, src, dst, zeros)
    h = _tc_layer(p, x, W1l, b1.reshape(1, D), W1r, True)
    p = _segsum_sc(h, src, dst, zeros)
    h = _tc_layer(p, h, W2l, b2.reshape(1, D), W2r, True)
    p = _segsum_sc(h, src, dst, zeros)
    return _tc_layer3_pool(p, h, W3l, b3.reshape(1, D), W3r,
                           batch.astype(jnp.int32).reshape(NBLK, 1, BR), Wlin,
                           blin.reshape(1, D))

# --- scband reference (transcript-rebuilt; emitter-appended) ---
"""Pipeline reference for scband-hierarchical-graph-sage-1133871366810 (READ-ONLY COPY).

The authoritative reference and input builder live on the scoring server;
editing this copy changes nothing except your own understanding.
"""

import jax, jax.numpy as jnp
import numpy as np

N_NODES = 10000
N_EDGES = 320000
D = 128
HIDDEN = 128
OUT = 128
NUM_GRAPHS = 64


def setup_inputs(seed: int = 0) -> dict:
    key = jax.random.key(seed)
    ks = [jax.random.fold_in(key, i) for i in range(20)]
    inp = {}
    inp['x'] = jax.random.normal(ks[0], (N_NODES, D), dtype=jnp.float32)
    inp['edge_index'] = jax.random.randint(ks[1], (2, N_EDGES), 0, N_NODES, dtype=jnp.int64)
    inp['batch'] = jnp.sort(jax.random.randint(ks[2], (N_NODES,), 0, NUM_GRAPHS, dtype=jnp.int64))
    # SAGEConv params: lin_l (with bias) applied to aggregated neighbors, lin_r (no bias) applied to root
    s = 1.0 / np.sqrt(D)
    inp['W1l'] = jax.random.uniform(ks[3], (D, HIDDEN), minval=-s, maxval=s, dtype=jnp.float32)
    inp['b1'] = jnp.zeros((HIDDEN,), dtype=jnp.float32)
    inp['W1r'] = jax.random.uniform(ks[4], (D, HIDDEN), minval=-s, maxval=s, dtype=jnp.float32)
    sh = 1.0 / np.sqrt(HIDDEN)
    inp['W2l'] = jax.random.uniform(ks[5], (HIDDEN, HIDDEN), minval=-sh, maxval=sh, dtype=jnp.float32)
    inp['b2'] = jnp.zeros((HIDDEN,), dtype=jnp.float32)
    inp['W2r'] = jax.random.uniform(ks[6], (HIDDEN, HIDDEN), minval=-sh, maxval=sh, dtype=jnp.float32)
    inp['W3l'] = jax.random.uniform(ks[7], (HIDDEN, HIDDEN), minval=-sh, maxval=sh, dtype=jnp.float32)
    inp['b3'] = jnp.zeros((HIDDEN,), dtype=jnp.float32)
    inp['W3r'] = jax.random.uniform(ks[8], (HIDDEN, HIDDEN), minval=-sh, maxval=sh, dtype=jnp.float32)
    inp['Wlin'] = jax.random.uniform(ks[9], (HIDDEN, OUT), minval=-sh, maxval=sh, dtype=jnp.float32)
    inp['blin'] = jnp.zeros((OUT,), dtype=jnp.float32)
    return inp


def reference(x, edge_index, batch, W1l, b1, W1r, W2l, b2, W2r, W3l, b3, W3r, Wlin, blin):
    src = edge_index[0]
    dst = edge_index[1]

    def sage(h, Wl, bl, Wr):
        # aggr='add': sum messages from source nodes into destination nodes
        agg = jax.ops.segment_sum(h[src], dst, num_segments=N_NODES)
        return agg @ Wl + bl + h @ Wr

    h = jax.nn.relu(sage(x, W1l, b1, W1r))
    # dropout p=0.3 is identity in eval mode
    h = jax.nn.relu(sage(h, W2l, b2, W2r))
    h = sage(h, W3l, b3, W3r)
    # global_mean_pool over batch assignment
    sums = jax.ops.segment_sum(h, batch, num_segments=NUM_GRAPHS)
    counts = jax.ops.segment_sum(jnp.ones((N_NODES, 1), dtype=h.dtype), batch, num_segments=NUM_GRAPHS)
    pooled = sums / jnp.maximum(counts, 1.0)
    out = pooled @ Wlin + blin
    return out

if __name__ == "__main__":
    import jax
    _d = setup_inputs()
    print(jax.jit(kernel)(*tuple(_d.values())))

</pallas_src>

<mosaic_0001>
#map = affine_map<(d0, d1) -> (0, 0)>
#map1 = affine_map<(d0, d1) -> (0)>
#map2 = affine_map<(d0, d1) -> (0, 0, 0)>
module attributes {stable_mosaic.version = 14 : i64} {
  func.func @_segsum_sc(%arg0: i32, %arg1: i32, %arg2: memref<10000x128xf32, #tpu.memory_space<hbm>>, %arg3: memref<320000xi32, #tpu.memory_space<hbm>>, %arg4: memref<320000xi32, #tpu.memory_space<hbm>>, %arg5: memref<10000x128xf32, #tpu.memory_space<hbm>>, %arg6: memref<2x10000x128xf32, #tpu.memory_space<hbm>>, %arg7: memref<10000xi32, #tpu.memory_space<vmem>>, %arg8: memref<64x128xf32, #tpu.memory_space<vmem>>, %arg9: memref<64x128xf32, #tpu.memory_space<vmem>>, %arg10: memref<64x128xf32, #tpu.memory_space<vmem>>, %arg11: memref<64x128xf32, #tpu.memory_space<vmem>>, %arg12: memref<64xi32, #tpu.memory_space<vmem>>, %arg13: memref<64xi32, #tpu.memory_space<vmem>>, %arg14: memref<64xi32, #tpu.memory_space<vmem>>, %arg15: memref<64xi32, #tpu.memory_space<vmem>>, %arg16: memref<10000x128xf32, #tpu.memory_space<vmem_shared>>, %arg17: memref<!tpu.dma_semaphore, #tpu.memory_space<semaphore_mem>>, %arg18: memref<!tpu.dma_semaphore, #tpu.memory_space<semaphore_mem>>, %arg19: memref<!tpu.dma_semaphore, #tpu.memory_space<semaphore_mem>>, %arg20: memref<!tpu.dma_semaphore, #tpu.memory_space<semaphore_mem>>, %arg21: memref<!tpu.dma_semaphore, #tpu.memory_space<semaphore_mem>>, %arg22: memref<!tpu.dma_semaphore, #tpu.memory_space<semaphore_mem>>, %arg23: memref<!tpu.dma_semaphore, #tpu.memory_space<semaphore_mem>>, %arg24: memref<!tpu.dma_semaphore, #tpu.memory_space<semaphore_mem>>) attributes {dimension_semantics = [#tpu.dimension_semantics<core_parallel>, #tpu.dimension_semantics<subcore_parallel>], iteration_bounds = array<i64: 2, 16>, scalar_prefetch = 0 : i64, scratch_operands = 18 : i64, tpu.core_type = #tpu.core_type<sc_vector_subcore>, window_params = [{transform_indices = #map}, {transform_indices = #map1}, {transform_indices = #map1}, {transform_indices = #map}, {transform_indices = #map2}]} {
    %mul3A = arith.constant 2 : i32
    %mul3A_0 = arith.muli %arg1, %mul3A : i32
    %add3A = arith.addi %mul3A_0, %arg0 : i32
    %mul3A_1 = arith.constant 624 : i32
    %mul3A_2 = arith.muli %arg1, %mul3A_1 : i32
    %mul3A_3 = arith.constant 10000 : i32
    %mul3A_4 = arith.muli %add3A, %mul3A_3 : i32
    %dma_start3A = arith.constant 0 : i32
    %dma_start3A_5 = tpu.memref_slice %arg16[%mul3A_2, %dma_start3A] : memref<10000x128xf32, #tpu.memory_space<vmem_shared>> -> memref<624x128xf32, #tpu.memory_space<vmem_shared>>
    %dma_start3A_6 = arith.constant 0 : i32
    %dma_start3A_7 = tpu.memref_slice %arg5[%mul3A_2, %dma_start3A_6] : memref<10000x128xf32, #tpu.memory_space<hbm>> -> memref<624x128xf32, #tpu.memory_space<hbm>>
    tpu.enqueue_dma source(%dma_start3A_7 : memref<624x128xf32, #tpu.memory_space<hbm>>) target(%dma_start3A_5 : memref<624x128xf32, #tpu.memory_space<vmem_shared>>) target_semaphore(%arg17 : memref<!tpu.dma_semaphore, #tpu.memory_space<semaphore_mem>>)
    %dma_start3A_8 = tpu.memref_slice %arg3[%mul3A_4] : memref<320000xi32, #tpu.memory_space<hbm>> -> memref<10000xi32, #tpu.memory_space<hbm>>
    %dma_start3A_9 = tpu.memref_slice %arg3[%mul3A_4] : memref<320000xi32, #tpu.memory_space<hbm>> -> memref<10000xi32, #tpu.memory_space<hbm>>
    tpu.enqueue_dma source(%dma_start3A_9 : memref<10000xi32, #tpu.memory_space<hbm>>) target(%arg7 : memref<10000xi32, #tpu.memory_space<vmem>>) target_semaphore(%arg18 : memref<!tpu.dma_semaphore, #tpu.memory_space<semaphore_mem>>)
    %eq3A = arith.constant 15 : i32
    %eq3A_10 = arith.cmpi eq, %arg1, %eq3A : i32
    %convert_element_type3A = arith.extui %eq3A_10 : i1 to i32
    %cond3A = arith.constant 0 : i32
    %cond3A_11 = arith.cmpi ne, %convert_element_type3A, %cond3A : i32
    scf.if %cond3A_11 {
      %dma_start3A_82 = arith.constant 9984 : i32
      %dma_start3A_83 = arith.constant 0 : i32
      %dma_start3A_84 = tpu.memref_slice %arg16[%dma_start3A_82, %dma_start3A_83] : memref<10000x128xf32, #tpu.memory_space<vmem_shared>> -> memref<16x128xf32, #tpu.memory_space<vmem_shared>>
      %dma_start3A_85 = arith.constant 9984 : i32
      %dma_start3A_86 = arith.constant 0 : i32
      %dma_start3A_87 = tpu.memref_slice %arg5[%dma_start3A_85, %dma_start3A_86] : memref<10000x128xf32, #tpu.memory_space<hbm>> -> memref<16x128xf32, #tpu.memory_space<hbm>>
      tpu.enqueue_dma source(%dma_start3A_87 : memref<16x128xf32, #tpu.memory_space<hbm>>) target(%dma_start3A_84 : memref<16x128xf32, #tpu.memory_space<vmem_shared>>) target_semaphore(%arg19 : memref<!tpu.dma_semaphore, #tpu.memory_space<semaphore_mem>>)
      %dma_wait3A_88 = arith.constant 9984 : i32
      %dma_wait3A_89 = arith.constant 0 : i32
      %dma_wait3A_90 = tpu.memref_slice %arg16[%dma_wait3A_88, %dma_wait3A_89] : memref<10000x128xf32, #tpu.memory_space<vmem_shared>> -> memref<16x128xf32, #tpu.memory_space<vmem_shared>>
      %dma_wait3A_91 = arith.constant 9984 : i32
      %dma_wait3A_92 = arith.constant 0 : i32
      %dma_wait3A_93 = tpu.memref_slice %arg5[%dma_wait3A_91, %dma_wait3A_92] : memref<10000x128xf32, #tpu.memory_space<hbm>> -> memref<16x128xf32, #tpu.memory_space<hbm>>
      tpu.wait_dma2 semaphore(%arg19 : memref<!tpu.dma_semaphore, #tpu.memory_space<semaphore_mem>>) src(%dma_wait3A_93 : memref<16x128xf32, #tpu.memory_space<hbm>>) dst(%dma_wait3A_90 : memref<16x128xf32, #tpu.memory_space<vmem_shared>>)
    } else {
    }
    %dma_wait3A = arith.constant 0 : i32
    %dma_wait3A_12 = tpu.memref_slice %arg16[%mul3A_2, %dma_wait3A] : memref<10000x128xf32, #tpu.memory_space<vmem_shared>> -> memref<624x128xf32, #tpu.memory_space<vmem_shared>>
    %dma_wait3A_13 = arith.constant 0 : i32
    %dma_wait3A_14 = tpu.memref_slice %arg5[%mul3A_2, %dma_wait3A_13] : memref<10000x128xf32, #tpu.memory_space<hbm>> -> memref<624x128xf32, #tpu.memory_space<hbm>>
    tpu.wait_dma2 semaphore(%arg17 : memref<!tpu.dma_semaphore, #tpu.memory_space<semaphore_mem>>) src(%dma_wait3A_14 : memref<624x128xf32, #tpu.memory_space<hbm>>) dst(%dma_wait3A_12 : memref<624x128xf32, #tpu.memory_space<vmem_shared>>)
    %dma_wait3A_15 = tpu.memref_slice %arg3[%mul3A_4] : memref<320000xi32, #tpu.memory_space<hbm>> -> memref<10000xi32, #tpu.memory_space<hbm>>
    %dma_wait3A_16 = tpu.memref_slice %arg3[%mul3A_4] : memref<320000xi32, #tpu.memory_space<hbm>> -> memref<10000xi32, #tpu.memory_space<hbm>>
    tpu.wait_dma2 semaphore(%arg18 : memref<!tpu.dma_semaphore, #tpu.memory_space<semaphore_mem>>) src(%dma_wait3A_16 : memref<10000xi32, #tpu.memory_space<hbm>>) dst(%arg7 : memref<10000xi32, #tpu.memory_space<vmem>>)
    %barrier3A = arith.constant 0 : index
    tpu.barrier barrier_id(%barrier3A)
    %add3A_17 = arith.constant 9984 : i32
    %add3A_18 = arith.addi %mul3A_4, %add3A_17 : i32
    "tpu.region"() ({
      %run_scoped3A = tpu.sem_alloc : memref<!tpu.dma_semaphore, #tpu.memory_space<semaphore_mem>>
      %dma_start3A_82 = arith.constant 0 : i32
      %dma_start3A_83 = tpu.memref_slice %arg12[%dma_start3A_82] : memref<64xi32, #tpu.memory_space<vmem>> -> memref<16xi32, #tpu.memory_space<vmem>>
      %dma_start3A_84 = tpu.memref_slice %arg4[%add3A_18] : memref<320000xi32, #tpu.memory_space<hbm>> -> memref<16xi32, #tpu.memory_space<hbm>>
      %dma_start3A_85 = arith.constant 0 : i32
      %dma_start3A_86 = tpu.memref_slice %arg12[%dma_start3A_85] : memref<64xi32, #tpu.memory_space<vmem>> -> memref<16xi32, #tpu.memory_space<vmem>>
      %dma_start3A_87 = tpu.memref_slice %arg4[%add3A_18] : memref<320000xi32, #tpu.memory_space<hbm>> -> memref<16xi32, #tpu.memory_space<hbm>>
      tpu.enqueue_dma source(%dma_start3A_87 : memref<16xi32, #tpu.memory_space<hbm>>) target(%dma_start3A_86 : memref<16xi32, #tpu.memory_space<vmem>>) target_semaphore(%run_scoped3A : memref<!tpu.dma_semaphore, #tpu.memory_space<semaphore_mem>>)
      %dma_wait3A_88 = arith.constant 0 : i32
      %dma_wait3A_89 = tpu.memref_slice %arg12[%dma_wait3A_88] : memref<64xi32, #tpu.memory_space<vmem>> -> memref<16xi32, #tpu.memory_space<vmem>>
      %dma_wait3A_90 = tpu.memref_slice %arg4[%add3A_18] : memref<320000xi32, #tpu.memory_space<hbm>> -> memref<16xi32, #tpu.memory_space<hbm>>
      %dma_wait3A_91 = arith.constant 0 : i32
      %dma_wait3A_92 = tpu.memref_slice %arg12[%dma_wait3A_91] : memref<64xi32, #tpu.memory_space<vmem>> -> memref<16xi32, #tpu.memory_space<vmem>>
      %dma_wait3A_93 = tpu.memref_slice %arg4[%add3A_18] : memref<320000xi32, #tpu.memory_space<hbm>> -> memref<16xi32, #tpu.memory_space<hbm>>
      tpu.wait_dma2 semaphore(%run_scoped3A : memref<!tpu.dma_semaphore, #tpu.memory_space<semaphore_mem>>) src(%dma_wait3A_93 : memref<16xi32, #tpu.memory_space<hbm>>) dst(%dma_wait3A_92 : memref<16xi32, #tpu.memory_space<vmem>>)
      tpu.yield
    }) : () -> ()
    %dma_start3A_19 = arith.constant 0 : i32
    %dma_start3A_20 = arith.constant 0 : i32
    %dma_start3A_21 = tpu.memref_slice %arg8[%dma_start3A_19, %dma_start3A_20] : memref<64x128xf32, #tpu.memory_space<vmem>> -> memref<16x128xf32, #tpu.memory_space<vmem>>
    %dma_start3A_22 = arith.constant 9984 : i32
    %dma_start3A_23 = tpu.memref_slice %arg7[%dma_start3A_22] : memref<10000xi32, #tpu.memory_space<vmem>> -> memref<16xi32, #tpu.memory_space<vmem>>
    %dma_start3A_24 = arith.constant 0 : i32
    %dma_start3A_25 = arith.constant 0 : i32
    %dma_start3A_26 = tpu.memref_slice %arg2[%dma_start3A_24, %dma_start3A_25] : memref<10000x128xf32, #tpu.memory_space<hbm>> -> memref<10000x128xf32, #tpu.memory_space<hbm>>
    tpu.enqueue_indirect_dma source(%dma_start3A_26 : memref<10000x128xf32, #tpu.memory_space<hbm>>) target(%dma_start3A_21 : memref<16x128xf32, #tpu.memory_space<vmem>>) offsets(%dma_start3A_23 : memref<16xi32, #tpu.memory_space<vmem>>) semaphore(%arg17 : memref<!tpu.dma_semaphore, #tpu.memory_space<semaphore_mem>>)
    %dma_wait3A_27 = arith.constant 0 : i32
    %dma_wait3A_28 = arith.constant 0 : i32
    %dma_wait3A_29 = tpu.memref_slice %arg8[%dma_wait3A_27, %dma_wait3A_28] : memref<64x128xf32, #tpu.memory_space<vmem>> -> memref<16x128xf32, #tpu.memory_space<vmem>>
    %dma_wait3A_30 = arith.constant 9984 : i32
    %dma_wait3A_31 = tpu.memref_slice %arg7[%dma_wait3A_30] : memref<10000xi32, #tpu.memory_space<vmem>> -> memref<16xi32, #tpu.memory_space<vmem>>
    %dma_wait3A_32 = arith.constant 0 : i32
    %dma_wait3A_33 = arith.constant 0 : i32
    %dma_wait3A_34 = tpu.memref_slice %arg2[%dma_wait3A_32, %dma_wait3A_33] : memref<10000x128xf32, #tpu.memory_space<hbm>> -> memref<10000x128xf32, #tpu.memory_space<hbm>>
    tpu.wait_indirect_dma semaphore(%arg17 : memref<!tpu.dma_semaphore, #tpu.memory_space<semaphore_mem>>) src(%dma_wait3A_34 : memref<10000x128xf32, #tpu.memory_space<hbm>>) dst(%dma_wait3A_29 : memref<16x128xf32, #tpu.memory_space<vmem>>)
    "tpu.region"() ({
      %run_scoped3A = tpu.sem_alloc : memref<!tpu.dma_semaphore, #tpu.memory_space<semaphore_mem>>
      %dma_start3A_82 = arith.constant 0 : i32
      %dma_start3A_83 = arith.constant 0 : i32
      %dma_start3A_84 = tpu.memref_slice %arg8[%dma_start3A_82, %dma_start3A_83] : memref<64x128xf32, #tpu.memory_space<vmem>> -> memref<16x128xf32, #tpu.memory_space<vmem>>
      %dma_start3A_85 = arith.constant 0 : i32
      %dma_start3A_86 = tpu.memref_slice %arg12[%dma_start3A_85] : memref<64xi32, #tpu.memory_space<vmem>> -> memref<16xi32, #tpu.memory_space<vmem>>
      %dma_start3A_87 = arith.constant 0 : i32
      %dma_start3A_88 = arith.constant 0 : i32
      %dma_start3A_89 = tpu.memref_slice %arg16[%dma_start3A_87, %dma_start3A_88] : memref<10000x128xf32, #tpu.memory_space<vmem_shared>> -> memref<10000x128xf32, #tpu.memory_space<vmem_shared>>
      tpu.enqueue_indirect_dma source(%dma_start3A_84 : memref<16x128xf32, #tpu.memory_space<vmem>>) target(%dma_start3A_89 : memref<10000x128xf32, #tpu.memory_space<vmem_shared>>) offsets(%dma_start3A_86 : memref<16xi32, #tpu.memory_space<vmem>>) semaphore(%run_scoped3A : memref<!tpu.dma_semaphore, #tpu.memory_space<semaphore_mem>>) {add = true}
      %dma_wait3A_90 = arith.constant 0 : i32
      %dma_wait3A_91 = arith.constant 0 : i32
      %dma_wait3A_92 = tpu.memref_slice %arg8[%dma_wait3A_90, %dma_wait3A_91] : memref<64x128xf32, #tpu.memory_space<vmem>> -> memref<16x128xf32, #tpu.memory_space<vmem>>
      %dma_wait3A_93 = arith.constant 0 : i32
      %dma_wait3A_94 = tpu.memref_slice %arg12[%dma_wait3A_93] : memref<64xi32, #tpu.memory_space<vmem>> -> memref<16xi32, #tpu.memory_space<vmem>>
      %dma_wait3A_95 = arith.constant 0 : i32
      %dma_wait3A_96 = arith.constant 0 : i32
      %dma_wait3A_97 = tpu.memref_slice %arg16[%dma_wait3A_95, %dma_wait3A_96] : memref<10000x128xf32, #tpu.memory_space<vmem_shared>> -> memref<10000x128xf32, #tpu.memory_space<vmem_shared>>
      tpu.wait_indirect_dma semaphore(%run_scoped3A : memref<!tpu.dma_semaphore, #tpu.memory_space<semaphore_mem>>) src(%dma_wait3A_92 : memref<16x128xf32, #tpu.memory_space<vmem>>) dst(%dma_wait3A_97 : memref<10000x128xf32, #tpu.memory_space<vmem_shared>>)
      tpu.yield
    }) : () -> ()
    %add3A_35 = arith.constant 0 : i32
    %add3A_36 = arith.addi %mul3A_4, %add3A_35 : i32
    %dma_start3A_37 = tpu.memref_slice %arg4[%add3A_36] : memref<320000xi32, #tpu.memory_space<hbm>> -> memref<64xi32, #tpu.memory_space<hbm>>
    %dma_start3A_38 = tpu.memref_slice %arg4[%add3A_36] : memref<320000xi32, #tpu.memory_space<hbm>> -> memref<64xi32, #tpu.memory_space<hbm>>
    tpu.enqueue_dma source(%dma_start3A_38 : memref<64xi32, #tpu.memory_space<hbm>>) target(%arg12 : memref<64xi32, #tpu.memory_space<vmem>>) target_semaphore(%arg21 : memref<!tpu.dma_semaphore, #tpu.memory_space<semaphore_mem>>)
    %dma_start3A_39 = arith.constant 0 : i32
    %dma_start3A_40 = tpu.memref_slice %arg7[%dma_start3A_39] : memref<10000xi32, #tpu.memory_space<vmem>> -> memref<64xi32, #tpu.memory_space<vmem>>
    %dma_start3A_41 = arith.constant 0 : i32
    %dma_start3A_42 = arith.constant 0 : i32
    %dma_start3A_43 = tpu.memref_slice %arg2[%dma_start3A_41, %dma_start3A_42] : memref<10000x128xf32, #tpu.memory_space<hbm>> -> memref<10000x128xf32, #tpu.memory_space<hbm>>
    tpu.enqueue_indirect_dma source(%dma_start3A_43 : memref<10000x128xf32, #tpu.memory_space<hbm>>) target(%arg8 : memref<64x128xf32, #tpu.memory_space<vmem>>) offsets(%dma_start3A_40 : memref<64xi32, #tpu.memory_space<vmem>>) semaphore(%arg17 : memref<!tpu.dma_semaphore, #tpu.memory_space<semaphore_mem>>)
    %add3A_44 = arith.constant 64 : i32
    %add3A_45 = arith.addi %mul3A_4, %add3A_44 : i32
    %dma_start3A_46 = tpu.memref_slice %arg4[%add3A_45] : memref<320000xi32, #tpu.memory_space<hbm>> -> memref<64xi32, #tpu.memory_space<hbm>>
    %dma_start3A_47 = tpu.memref_slice %arg4[%add3A_45] : memref<320000xi32, #tpu.memory_space<hbm>> -> memref<64xi32, #tpu.memory_space<hbm>>
    tpu.enqueue_dma source(%dma_start3A_47 : memref<64xi32, #tpu.memory_space<hbm>>) target(%arg13 : memref<64xi32, #tpu.memory_space<vmem>>) target_semaphore(%arg22 : memref<!tpu.dma_semaphore, #tpu.memory_space<semaphore_mem>>)
    %dma_start3A_48 = arith.constant 64 : i32
    %dma_start3A_49 = tpu.memref_slice %arg7[%dma_start3A_48] : memref<10000xi32, #tpu.memory_space<vmem>> -> memref<64xi32, #tpu.memory_space<vmem>>
    %dma_start3A_50 = arith.constant 0 : i32
    %dma_start3A_51 = arith.constant 0 : i32
    %dma_start3A_52 = tpu.memref_slice %arg2[%dma_start3A_50, %dma_start3A_51] : memref<10000x128xf32, #tpu.memory_space<hbm>> -> memref<10000x128xf32, #tpu.memory_space<hbm>>
    tpu.enqueue_indirect_dma source(%dma_start3A_52 : memref<10000x128xf32, #tpu.memory_space<hbm>>) target(%arg9 : memref<64x128xf32, #tpu.memory_space<vmem>>) offsets(%dma_start3A_49 : memref<64xi32, #tpu.memory_space<vmem>>) semaphore(%arg18 : memref<!tpu.dma_semaphore, #tpu.memory_space<semaphore_mem>>)
    %add3A_53 = arith.constant 128 : i32
    %add3A_54 = arith.addi %mul3A_4, %add3A_53 : i32
    %dma_start3A_55 = tpu.memref_slice %arg4[%add3A_54] : memref<320000xi32, #tpu.memory_space<hbm>> -> memref<64xi32, #tpu.memory_space<hbm>>
    %dma_start3A_56 = tpu.memref_slice %arg4[%add3A_54] : memref<320000xi32, #tpu.memory_space<hbm>> -> memref<64xi32, #tpu.memory_space<hbm>>
    tpu.enqueue_dma source(%dma_start3A_56 : memref<64xi32, #tpu.memory_space<hbm>>) target(%arg14 : memref<64xi32, #tpu.memory_space<vmem>>) target_semaphore(%arg23 : memref<!tpu.dma_semaphore, #tpu.memory_space<semaphore_mem>>)
    %dma_start3A_57 = arith.constant 128 : i32
    %dma_start3A_58 = tpu.memref_slice %arg7[%dma_start3A_57] : memref<10000xi32, #tpu.memory_space<vmem>> -> memref<64xi32, #tpu.memory_space<vmem>>
    %dma_start3A_59 = arith.constant 0 : i32
    %dma_start3A_60 = arith.constant 0 : i32
    %dma_start3A_61 = tpu.memref_slice %arg2[%dma_start3A_59, %dma_start3A_60] : memref<10000x128xf32, #tpu.memory_space<hbm>> -> memref<10000x128xf32, #tpu.memory_space<hbm>>
    tpu.enqueue_indirect_dma source(%dma_start3A_61 : memref<10000x128xf32, #tpu.memory_space<hbm>>) target(%arg10 : memref<64x128xf32, #tpu.memory_space<vmem>>) offsets(%dma_start3A_58 : memref<64xi32, #tpu.memory_space<vmem>>) semaphore(%arg19 : memref<!tpu.dma_semaphore, #tpu.memory_space<semaphore_mem>>)
    %add3A_62 = arith.constant 192 : i32
    %add3A_63 = arith.addi %mul3A_4, %add3A_62 : i32
    %dma_start3A_64 = tpu.memref_slice %arg4[%add3A_63] : memref<320000xi32, #tpu.memory_space<hbm>> -> memref<64xi32, #tpu.memory_space<hbm>>
    %dma_start3A_65 = tpu.memref_slice %arg4[%add3A_63] : memref<320000xi32, #tpu.memory_space<hbm>> -> memref<64xi32, #tpu.memory_space<hbm>>
    tpu.enqueue_dma source(%dma_start3A_65 : memref<64xi32, #tpu.memory_space<hbm>>) target(%arg15 : memref<64xi32, #tpu.memory_space<vmem>>) target_semaphore(%arg24 : memref<!tpu.dma_semaphore, #tpu.memory_space<semaphore_mem>>)
    %dma_start3A_66 = arith.constant 192 : i32
    %dma_start3A_67 = tpu.memref_slice %arg7[%dma_start3A_66] : memref<10000xi32, #tpu.memory_space<vmem>> -> memref<64xi32, #tpu.memory_space<vmem>>
    %dma_start3A_68 = arith.constant 0 : i32
    %dma_start3A_69 = arith.constant 0 : i32
    %dma_start3A_70 = tpu.memref_slice %arg2[%dma_start3A_68, %dma_start3A_69] : memref<10000x128xf32, #tpu.memory_space<hbm>> -> memref<10000x128xf32, #tpu.memory_space<hbm>>
    tpu.enqueue_indirect_dma source(%dma_start3A_70 : memref<10000x128xf32, #tpu.memory_space<hbm>>) target(%arg11 : memref<64x128xf32, #tpu.memory_space<vmem>>) offsets(%dma_start3A_67 : memref<64xi32, #tpu.memory_space<vmem>>) semaphore(%arg20 : memref<!tpu.dma_semaphore, #tpu.memory_space<semaphore_mem>>)
    %scan3A = arith.constant 0 : i32
    %scan3A_71 = arith.constant 0 : i32
    %scan3A_72 = arith.constant 39 : i32
    %scan3A_73 = arith.addi %scan3A_71, %scan3A_72 : i32
    %scan3A_74 = arith.constant 1 : i32
    scf.for %scan3A_82 = %scan3A_71 to %scan3A_73 step %scan3A_74  : i32 {
      %mul3A_83 = arith.constant 4 : i32
      %mul3A_84 = arith.muli %mul3A_83, %scan3A_82 : i32
      %add3A_85 = arith.constant 0 : i32
      %add3A_86 = arith.addi %mul3A_84, %add3A_85 : i32
      %mul3A_87 = arith.constant 64 : i32
      %mul3A_88 = arith.muli %add3A_86, %mul3A_87 : i32
      %dma_wait3A_89 = tpu.memref_slice %arg7[%mul3A_88] : memref<10000xi32, #tpu.memory_space<vmem>> -> memref<64xi32, #tpu.memory_space<vmem>>
      %dma_wait3A_90 = arith.constant 0 : i32
      %dma_wait3A_91 = arith.constant 0 : i32
      %dma_wait3A_92 = tpu.memref_slice %arg2[%dma_wait3A_90, %dma_wait3A_91] : memref<10000x128xf32, #tpu.memory_space<hbm>> -> memref<10000x128xf32, #tpu.memory_space<hbm>>
      tpu.wait_indirect_dma semaphore(%arg17 : memref<!tpu.dma_semaphore, #tpu.memory_space<semaphore_mem>>) src(%dma_wait3A_92 : memref<10000x128xf32, #tpu.memory_space<hbm>>) dst(%arg8 : memref<64x128xf32, #tpu.memory_space<vmem>>)
      %add3A_93 = arith.constant 0 : i32
      %add3A_94 = arith.addi %mul3A_84, %add3A_93 : i32
      %mul3A_95 = arith.constant 64 : i32
      %mul3A_96 = arith.muli %add3A_94, %mul3A_95 : i32
      %add3A_97 = arith.addi %mul3A_4, %mul3A_96 : i32
      %dma_wait3A_98 = tpu.memref_slice %arg4[%add3A_97] : memref<320000xi32, #tpu.memory_space<hbm>> -> memref<64xi32, #tpu.memory_space<hbm>>
      %dma_wait3A_99 = tpu.memref_slice %arg4[%add3A_97] : memref<320000xi32, #tpu.memory_space<hbm>> -> memref<64xi32, #tpu.memory_space<hbm>>
      tpu.wait_dma2 semaphore(%arg21 : memref<!tpu.dma_semaphore, #tpu.memory_space<semaphore_mem>>) src(%dma_wait3A_99 : memref<64xi32, #tpu.memory_space<hbm>>) dst(%arg12 : memref<64xi32, #tpu.memory_space<vmem>>)
      "tpu.region"() ({
        %run_scoped3A = tpu.sem_alloc : memref<!tpu.dma_semaphore, #tpu.memory_space<semaphore_mem>>
        %dma_start3A_180 = arith.constant 0 : i32
        %dma_start3A_181 = arith.constant 0 : i32
        %dma_start3A_182 = tpu.memref_slice %arg16[%dma_start3A_180, %dma_start3A_181] : memref<10000x128xf32, #tpu.memory_space<vmem_shared>> -> memref<10000x128xf32, #tpu.memory_space<vmem_shared>>
        tpu.enqueue_indirect_dma source(%arg8 : memref<64x128xf32, #tpu.memory_space<vmem>>) target(%dma_start3A_182 : memref<10000x128xf32, #tpu.memory_space<vmem_shared>>) offsets(%arg12 : memref<64xi32, #tpu.memory_space<vmem>>) semaphore(%run_scoped3A : memref<!tpu.dma_semaphore, #tpu.memory_space<semaphore_mem>>) {add = true}
        %dma_wait3A_183 = arith.constant 0 : i32
        %dma_wait3A_184 = arith.constant 0 : i32
        %dma_wait3A_185 = tpu.memref_slice %arg16[%dma_wait3A_183, %dma_wait3A_184] : memref<10000x128xf32, #tpu.memory_space<vmem_shared>> -> memref<10000x128xf32, #tpu.memory_space<vmem_shared>>
        tpu.wait_indirect_dma semaphore(%run_scoped3A : memref<!tpu.dma_semaphore, #tpu.memory_space<semaphore_mem>>) src(%arg8 : memref<64x128xf32, #tpu.memory_space<vmem>>) dst(%dma_wait3A_185 : memref<10000x128xf32, #tpu.memory_space<vmem_shared>>)
        tpu.yield
      }) : () -> ()
      %add3A_100 = arith.constant 0 : i32
      %add3A_101 = arith.addi %mul3A_84, %add3A_100 : i32
      %add3A_102 = arith.constant 4 : i32
      %add3A_103 = arith.addi %add3A_101, %add3A_102 : i32
      %lt3A = arith.constant 156 : i32
      %lt3A_104 = arith.cmpi slt, %add3A_103, %lt3A : i32
      %convert_element_type3A_105 = arith.extui %lt3A_104 : i1 to i32
      %cond3A_106 = arith.constant 0 : i32
      %cond3A_107 = arith.cmpi ne, %convert_element_type3A_105, %cond3A_106 : i32
      scf.if %cond3A_107 {
        %add3A_180 = arith.constant 0 : i32
        %add3A_181 = arith.addi %mul3A_84, %add3A_180 : i32
        %add3A_182 = arith.constant 4 : i32
        %add3A_183 = arith.addi %add3A_181, %add3A_182 : i32
        %mul3A_184 = arith.constant 64 : i32
        %mul3A_185 = arith.muli %add3A_183, %mul3A_184 : i32
        %add3A_186 = arith.addi %mul3A_4, %mul3A_185 : i32
        %dma_start3A_187 = tpu.memref_slice %arg4[%add3A_186] : memref<320000xi32, #tpu.memory_space<hbm>> -> memref<64xi32, #tpu.memory_space<hbm>>
        %dma_start3A_188 = tpu.memref_slice %arg4[%add3A_186] : memref<320000xi32, #tpu.memory_space<hbm>> -> memref<64xi32, #tpu.memory_space<hbm>>
        tpu.enqueue_dma source(%dma_start3A_188 : memref<64xi32, #tpu.memory_space<hbm>>) target(%arg12 : memref<64xi32, #tpu.memory_space<vmem>>) target_semaphore(%arg21 : memref<!tpu.dma_semaphore, #tpu.memory_space<semaphore_mem>>)
        %add3A_189 = arith.constant 0 : i32
        %add3A_190 = arith.addi %mul3A_84, %add3A_189 : i32
        %add3A_191 = arith.constant 4 : i32
        %add3A_192 = arith.addi %add3A_190, %add3A_191 : i32
        %mul3A_193 = arith.constant 64 : i32
        %mul3A_194 = arith.muli %add3A_192, %mul3A_193 : i32
        %dma_start3A_195 = tpu.memref_slice %arg7[%mul3A_194] : memref<10000xi32, #tpu.memory_space<vmem>> -> memref<64xi32, #tpu.memory_space<vmem>>
        %dma_start3A_196 = arith.constant 0 : i32
        %dma_start3A_197 = arith.constant 0 : i32
        %dma_start3A_198 = tpu.memref_slice %arg2[%dma_start3A_196, %dma_start3A_197] : memref<10000x128xf32, #tpu.memory_space<hbm>> -> memref<10000x128xf32, #tpu.memory_space<hbm>>
        tpu.enqueue_indirect_dma source(%dma_start3A_198 : memref<10000x128xf32, #tpu.memory_space<hbm>>) target(%arg8 : memref<64x128xf32, #tpu.memory_space<vmem>>) offsets(%dma_start3A_195 : memref<64xi32, #tpu.memory_space<vmem>>) semaphore(%arg17 : memref<!tpu.dma_semaphore, #tpu.memory_space<semaphore_mem>>)
      } else {
      }
      %add3A_108 = arith.constant 1 : i32
      %add3A_109 = arith.addi %mul3A_84, %add3A_108 : i32
      %mul3A_110 = arith.constant 64 : i32
      %mul3A_111 = arith.muli %add3A_109, %mul3A_110 : i32
      %dma_wait3A_112 = tpu.memref_slice %arg7[%mul3A_111] : memref<10000xi32, #tpu.memory_space<vmem>> -> memref<64xi32, #tpu.memory_space<vmem>>
      %dma_wait3A_113 = arith.constant 0 : i32
      %dma_wait3A_114 = arith.constant 0 : i32
      %dma_wait3A_115 = tpu.memref_slice %arg2[%dma_wait3A_113, %dma_wait3A_114] : memref<10000x128xf32, #tpu.memory_space<hbm>> -> memref<10000x128xf32, #tpu.memory_space<hbm>>
      tpu.wait_indirect_dma semaphore(%arg18 : memref<!tpu.dma_semaphore, #tpu.memory_space<semaphore_mem>>) src(%dma_wait3A_115 : memref<10000x128xf32, #tpu.memory_space<hbm>>) dst(%arg9 : memref<64x128xf32, #tpu.memory_space<vmem>>)
      %add3A_116 = arith.constant 1 : i32
      %add3A_117 = arith.addi %mul3A_84, %add3A_116 : i32
      %mul3A_118 = arith.constant 64 : i32
      %mul3A_119 = arith.muli %add3A_117, %mul3A_118 : i32
      %add3A_120 = arith.addi %mul3A_4, %mul3A_119 : i32
      %dma_wait3A_121 = tpu.memref_slice %arg4[%add3A_120] : memref<320000xi32, #tpu.memory_space<hbm>> -> memref<64xi32, #tpu.memory_space<hbm>>
      %dma_wait3A_122 = tpu.memref_slice %arg4[%add3A_120] : memref<320000xi32, #tpu.memory_space<hbm>> -> memref<64xi32, #tpu.memory_space<hbm>>
      tpu.wait_dma2 semaphore(%arg22 : memref<!tpu.dma_semaphore, #tpu.memory_space<semaphore_mem>>) src(%dma_wait3A_122 : memref<64xi32, #tpu.memory_space<hbm>>) dst(%arg13 : memref<64xi32, #tpu.memory_space<vmem>>)
      "tpu.region"() ({
        %run_scoped3A = tpu.sem_alloc : memref<!tpu.dma_semaphore, #tpu.memory_space<semaphore_mem>>
        %dma_start3A_180 = arith.constant 0 : i32
        %dma_start3A_181 = arith.constant 0 : i32
        %dma_start3A_182 = tpu.memref_slice %arg16[%dma_start3A_180, %dma_start3A_181] : memref<10000x128xf32, #tpu.memory_space<vmem_shared>> -> memref<10000x128xf32, #tpu.memory_space<vmem_shared>>
        tpu.enqueue_indirect_dma source(%arg9 : memref<64x128xf32, #tpu.memory_space<vmem>>) target(%dma_start3A_182 : memref<10000x128xf32, #tpu.memory_space<vmem_shared>>) offsets(%arg13 : memref<64xi32, #tpu.memory_space<vmem>>) semaphore(%run_scoped3A : memref<!tpu.dma_semaphore, #tpu.memory_space<semaphore_mem>>) {add = true}
        %dma_wait3A_183 = arith.constant 0 : i32
        %dma_wait3A_184 = arith.constant 0 : i32
        %dma_wait3A_185 = tpu.memref_slice %arg16[%dma_wait3A_183, %dma_wait3A_184] : memref<10000x128xf32, #tpu.memory_space<vmem_shared>> -> memref<10000x128xf32, #tpu.memory_space<vmem_shared>>
        tpu.wait_indirect_dma semaphore(%run_scoped3A : memref<!tpu.dma_semaphore, #tpu.memory_space<semaphore_mem>>) src(%arg9 : memref<64x128xf32, #tpu.memory_space<vmem>>) dst(%dma_wait3A_185 : memref<10000x128xf32, #tpu.memory_space<vmem_shared>>)
        tpu.yield
      }) : () -> ()
      %add3A_123 = arith.constant 1 : i32
      %add3A_124 = arith.addi %mul3A_84, %add3A_123 : i32
      %add3A_125 = arith.constant 4 : i32
      %add3A_126 = arith.addi %add3A_124, %add3A_125 : i32
      %lt3A_127 = arith.constant 156 : i32
      %lt3A_128 = arith.cmpi slt, %add3A_126, %lt3A_127 : i32
      %convert_element_type3A_129 = arith.extui %lt3A_128 : i1 to i32
      %cond3A_130 = arith.constant 0 : i32
      %cond3A_131 = arith.cmpi ne, %convert_element_type3A_129, %cond3A_130 : i32
      scf.if %cond3A_131 {
        %add3A_180 = arith.constant 1 : i32
        %add3A_181 = arith.addi %mul3A_84, %add3A_180 : i32
        %add3A_182 = arith.constant 4 : i32
        %add3A_183 = arith.addi %add3A_181, %add3A_182 : i32
        %mul3A_184 = arith.constant 64 : i32
        %mul3A_185 = arith.muli %add3A_183, %mul3A_184 : i32
        %add3A_186 = arith.addi %mul3A_4, %mul3A_185 : i32
        %dma_start3A_187 = tpu.memref_slice %arg4[%add3A_186] : memref<320000xi32, #tpu.memory_space<hbm>> -> memref<64xi32, #tpu.memory_space<hbm>>
        %dma_start3A_188 = tpu.memref_slice %arg4[%add3A_186] : memref<320000xi32, #tpu.memory_space<hbm>> -> memref<64xi32, #tpu.memory_space<hbm>>
        tpu.enqueue_dma source(%dma_start3A_188 : memref<64xi32, #tpu.memory_space<hbm>>) target(%arg13 : memref<64xi32, #tpu.memory_space<vmem>>) target_semaphore(%arg22 : memref<!tpu.dma_semaphore, #tpu.memory_space<semaphore_mem>>)
        %add3A_189 = arith.constant 1 : i32
        %add3A_190 = arith.addi %mul3A_84, %add3A_189 : i32
        %add3A_191 = arith.constant 4 : i32
        %add3A_192 = arith.addi %add3A_190, %add3A_191 : i32
        %mul3A_193 = arith.constant 64 : i32
        %mul3A_194 = arith.muli %add3A_192, %mul3A_193 : i32
        %dma_start3A_195 = tpu.memref_slice %arg7[%mul3A_194] : memref<10000xi32, #tpu.memory_space<vmem>> -> memref<64xi32, #tpu.memory_space<vmem>>
        %dma_start3A_196 = arith.constant 0 : i32
        %dma_start3A_197 = arith.constant 0 : i32
        %dma_start3A_198 = tpu.memref_slice %arg2[%dma_start3A_196, %dma_start3A_197] : memref<10000x128xf32, #tpu.memory_space<hbm>> -> memref<10000x128xf32, #tpu.memory_space<hbm>>
        tpu.enqueue_indirect_dma source(%dma_start3A_198 : memref<10000x128xf32, #tpu.memory_space<hbm>>) target(%arg9 : memref<64x128xf32, #tpu.memory_space<vmem>>) offsets(%dma_start3A_195 : memref<64xi32, #tpu.memory_space<vmem>>) semaphore(%arg18 : memref<!tpu.dma_semaphore, #tpu.memory_space<semaphore_mem>>)
      } else {
      }
      %add3A_132 = arith.constant 2 : i32
      %add3A_133 = arith.addi %mul3A_84, %add3A_132 : i32
      %mul3A_134 = arith.constant 64 : i32
      %mul3A_135 = arith.muli %add3A_133, %mul3A_134 : i32
      %dma_wait3A_136 = tpu.memref_slice %arg7[%mul3A_135] : memref<10000xi32, #tpu.memory_space<vmem>> -> memref<64xi32, #tpu.memory_space<vmem>>
      %dma_wait3A_137 = arith.constant 0 : i32
      %dma_wait3A_138 = arith.constant 0 : i32
      %dma_wait3A_139 = tpu.memref_slice %arg2[%dma_wait3A_137, %dma_wait3A_138] : memref<10000x128xf32, #tpu.memory_space<hbm>> -> memref<10000x128xf32, #tpu.memory_space<hbm>>
      tpu.wait_indirect_dma semaphore(%arg19 : memref<!tpu.dma_semaphore, #tpu.memory_space<semaphore_mem>>) src(%dma_wait3A_139 : memref<10000x128xf32, #tpu.memory_space<hbm>>) dst(%arg10 : memref<64x128xf32, #tpu.memory_space<vmem>>)
      %add3A_140 = arith.constant 2 : i32
      %add3A_141 = arith.addi %mul3A_84, %add3A_140 : i32
      %mul3A_142 = arith.constant 64 : i32
      %mul3A_143 = arith.muli %add3A_141, %mul3A_142 : i32
      %add3A_144 = arith.addi %mul3A_4, %mul3A_143 : i32
      %dma_wait3A_145 = tpu.memref_slice %arg4[%add3A_144] : memref<320000xi32, #tpu.memory_space<hbm>> -> memref<64xi32, #tpu.memory_space<hbm>>
      %dma_wait3A_146 = tpu.memref_slice %arg4[%add3A_144] : memref<320000xi32, #tpu.memory_space<hbm>> -> memref<64xi32, #tpu.memory_space<hbm>>
      tpu.wait_dma2 semaphore(%arg23 : memref<!tpu.dma_semaphore, #tpu.memory_space<semaphore_mem>>) src(%dma_wait3A_146 : memref<64xi32, #tpu.memory_space<hbm>>) dst(%arg14 : memref<64xi32, #tpu.memory_space<vmem>>)
      "tpu.region"() ({
        %run_scoped3A = tpu.sem_alloc : memref<!tpu.dma_semaphore, #tpu.memory_space<semaphore_mem>>
        %dma_start3A_180 = arith.constant 0 : i32
        %dma_start3A_181 = arith.constant 0 : i32
        %dma_start3A_182 = tpu.memref_slice %arg16[%dma_start3A_180, %dma_start3A_181] : memref<10000x128xf32, #tpu.memory_space<vmem_shared>> -> memref<10000x128xf32, #tpu.memory_space<vmem_shared>>
        tpu.enqueue_indirect_dma source(%arg10 : memref<64x128xf32, #tpu.memory_space<vmem>>) target(%dma_start3A_182 : memref<10000x128xf32, #tpu.memory_space<vmem_shared>>) offsets(%arg14 : memref<64xi32, #tpu.memory_space<vmem>>) semaphore(%run_scoped3A : memref<!tpu.dma_semaphore, #tpu.memory_space<semaphore_mem>>) {add = true}
        %dma_wait3A_183 = arith.constant 0 : i32
        %dma_wait3A_184 = arith.constant 0 : i32
        %dma_wait3A_185 = tpu.memref_slice %arg16[%dma_wait3A_183, %dma_wait3A_184] : memref<10000x128xf32, #tpu.memory_space<vmem_shared>> -> memref<10000x128xf32, #tpu.memory_space<vmem_shared>>
        tpu.wait_indirect_dma semaphore(%run_scoped3A : memref<!tpu.dma_semaphore, #tpu.memory_space<semaphore_mem>>) src(%arg10 : memref<64x128xf32, #tpu.memory_space<vmem>>) dst(%dma_wait3A_185 : memref<10000x128xf32, #tpu.memory_space<vmem_shared>>)
        tpu.yield
      }) : () -> ()
      %add3A_147 = arith.constant 2 : i32
      %add3A_148 = arith.addi %mul3A_84, %add3A_147 : i32
      %add3A_149 = arith.constant 4 : i32
      %add3A_150 = arith.addi %add3A_148, %add3A_149 : i32
      %lt3A_151 = arith.constant 156 : i32
      %lt3A_152 = arith.cmpi slt, %add3A_150, %lt3A_151 : i32
      %convert_element_type3A_153 = arith.extui %lt3A_152 : i1 to i32
      %cond3A_154 = arith.constant 0 : i32
      %cond3A_155 = arith.cmpi ne, %convert_element_type3A_153, %cond3A_154 : i32
      scf.if %cond3A_155 {
        %add3A_180 = arith.constant 2 : i32
        %add3A_181 = arith.addi %mul3A_84, %add3A_180 : i32
        %add3A_182 = arith.constant 4 : i32
        %add3A_183 = arith.addi %add3A_181, %add3A_182 : i32
        %mul3A_184 = arith.constant 64 : i32
        %mul3A_185 = arith.muli %add3A_183, %mul3A_184 : i32
        %add3A_186 = arith.addi %mul3A_4, %mul3A_185 : i32
        %dma_start3A_187 = tpu.memref_slice %arg4[%add3A_186] : memref<320000xi32, #tpu.memory_space<hbm>> -> memref<64xi32, #tpu.memory_space<hbm>>
        %dma_start3A_188 = tpu.memref_slice %arg4[%add3A_186] : memref<320000xi32, #tpu.memory_space<hbm>> -> memref<64xi32, #tpu.memory_space<hbm>>
        tpu.enqueue_dma source(%dma_start3A_188 : memref<64xi32, #tpu.memory_space<hbm>>) target(%arg14 : memref<64xi32, #tpu.memory_space<vmem>>) target_semaphore(%arg23 : memref<!tpu.dma_semaphore, #tpu.memory_space<semaphore_mem>>)
        %add3A_189 = arith.constant 2 : i32
        %add3A_190 = arith.addi %mul3A_84, %add3A_189 : i32
        %add3A_191 = arith.constant 4 : i32
        %add3A_192 = arith.addi %add3A_190, %add3A_191 : i32
        %mul3A_193 = arith.constant 64 : i32
        %mul3A_194 = arith.muli %add3A_192, %mul3A_193 : i32
        %dma_start3A_195 = tpu.memref_slice %arg7[%mul3A_194] : memref<10000xi32, #tpu.memory_space<vmem>> -> memref<64xi32, #tpu.memory_space<vmem>>
        %dma_start3A_196 = arith.constant 0 : i32
        %dma_start3A_197 = arith.constant 0 : i32
        %dma_start3A_198 = tpu.memref_slice %arg2[%dma_start3A_196, %dma_start3A_197] : memref<10000x128xf32, #tpu.memory_space<hbm>> -> memref<10000x128xf32, #tpu.memory_space<hbm>>
        tpu.enqueue_indirect_dma source(%dma_start3A_198 : memref<10000x128xf32, #tpu.memory_space<hbm>>) target(%arg10 : memref<64x128xf32, #tpu.memory_space<vmem>>) offsets(%dma_start3A_195 : memref<64xi32, #tpu.memory_space<vmem>>) semaphore(%arg19 : memref<!tpu.dma_semaphore, #tpu.memory_space<semaphore_mem>>)
      } else {
      }
      %add3A_156 = arith.constant 3 : i32
      %add3A_157 = arith.addi %mul3A_84, %add3A_156 : i32
      %mul3A_158 = arith.constant 64 : i32
      %mul3A_159 = arith.muli %add3A_157, %mul3A_158 : i32
      %dma_wait3A_160 = tpu.memref_slice %arg7[%mul3A_159] : memref<10000xi32, #tpu.memory_space<vmem>> -> memref<64xi32, #tpu.memory_space<vmem>>
      %dma_wait3A_161 = arith.constant 0 : i32
      %dma_wait3A_162 = arith.constant 0 : i32
      %dma_wait3A_163 = tpu.memref_slice %arg2[%dma_wait3A_161, %dma_wait3A_162] : memref<10000x128xf32, #tpu.memory_space<hbm>> -> memref<10000x128xf32, #tpu.memory_space<hbm>>
      tpu.wait_indirect_dma semaphore(%arg20 : memref<!tpu.dma_semaphore, #tpu.memory_space<semaphore_mem>>) src(%dma_wait3A_163 : memref<10000x128xf32, #tpu.memory_space<hbm>>) dst(%arg11 : memref<64x128xf32, #tpu.memory_space<vmem>>)
      %add3A_164 = arith.constant 3 : i32
      %add3A_165 = arith.addi %mul3A_84, %add3A_164 : i32
      %mul3A_166 = arith.constant 64 : i32
      %mul3A_167 = arith.muli %add3A_165, %mul3A_166 : i32
      %add3A_168 = arith.addi %mul3A_4, %mul3A_167 : i32
      %dma_wait3A_169 = tpu.memref_slice %arg4[%add3A_168] : memref<320000xi32, #tpu.memory_space<hbm>> -> memref<64xi32, #tpu.memory_space<hbm>>
      %dma_wait3A_170 = tpu.memref_slice %arg4[%add3A_168] : memref<320000xi32, #tpu.memory_space<hbm>> -> memref<64xi32, #tpu.memory_space<hbm>>
      tpu.wait_dma2 semaphore(%arg24 : memref<!tpu.dma_semaphore, #tpu.memory_space<semaphore_mem>>) src(%dma_wait3A_170 : memref<64xi32, #tpu.memory_space<hbm>>) dst(%arg15 : memref<64xi32, #tpu.memory_space<vmem>>)
      "tpu.region"() ({
        %run_scoped3A = tpu.sem_alloc : memref<!tpu.dma_semaphore, #tpu.memory_space<semaphore_mem>>
        %dma_start3A_180 = arith.constant 0 : i32
        %dma_start3A_181 = arith.constant 0 : i32
        %dma_start3A_182 = tpu.memref_slice %arg16[%dma_start3A_180, %dma_start3A_181] : memref<10000x128xf32, #tpu.memory_space<vmem_shared>> -> memref<10000x128xf32, #tpu.memory_space<vmem_shared>>
        tpu.enqueue_indirect_dma source(%arg11 : memref<64x128xf32, #tpu.memory_space<vmem>>) target(%dma_start3A_182 : memref<10000x128xf32, #tpu.memory_space<vmem_shared>>) offsets(%arg15 : memref<64xi32, #tpu.memory_space<vmem>>) semaphore(%run_scoped3A : memref<!tpu.dma_semaphore, #tpu.memory_space<semaphore_mem>>) {add = true}
        %dma_wait3A_183 = arith.constant 0 : i32
        %dma_wait3A_184 = arith.constant 0 : i32
        %dma_wait3A_185 = tpu.memref_slice %arg16[%dma_wait3A_183, %dma_wait3A_184] : memref<10000x128xf32, #tpu.memory_space<vmem_shared>> -> memref<10000x128xf32, #tpu.memory_space<vmem_shared>>
        tpu.wait_indirect_dma semaphore(%run_scoped3A : memref<!tpu.dma_semaphore, #tpu.memory_space<semaphore_mem>>) src(%arg11 : memref<64x128xf32, #tpu.memory_space<vmem>>) dst(%dma_wait3A_185 : memref<10000x128xf32, #tpu.memory_space<vmem_shared>>)
        tpu.yield
      }) : () -> ()
      %add3A_171 = arith.constant 3 : i32
      %add3A_172 = arith.addi %mul3A_84, %add3A_171 : i32
      %add3A_173 = arith.constant 4 : i32
      %add3A_174 = arith.addi %add3A_172, %add3A_173 : i32
      %lt3A_175 = arith.constant 156 : i32
      %lt3A_176 = arith.cmpi slt, %add3A_174, %lt3A_175 : i32
      %convert_element_type3A_177 = arith.extui %lt3A_176 : i1 to i32
      %cond3A_178 = arith.constant 0 : i32
      %cond3A_179 = arith.cmpi ne, %convert_element_type3A_177, %cond3A_178 : i32
      scf.if %cond3A_179 {
        %add3A_180 = arith.constant 3 : i32
        %add3A_181 = arith.addi %mul3A_84, %add3A_180 : i32
        %add3A_182 = arith.constant 4 : i32
        %add3A_183 = arith.addi %add3A_181, %add3A_182 : i32
        %mul3A_184 = arith.constant 64 : i32
        %mul3A_185 = arith.muli %add3A_183, %mul3A_184 : i32
        %add3A_186 = arith.addi %mul3A_4, %mul3A_185 : i32
        %dma_start3A_187 = tpu.memref_slice %arg4[%add3A_186] : memref<320000xi32, #tpu.memory_space<hbm>> -> memref<64xi32, #tpu.memory_space<hbm>>
        %dma_start3A_188 = tpu.memref_slice %arg4[%add3A_186] : memref<320000xi32, #tpu.memory_space<hbm>> -> memref<64xi32, #tpu.memory_space<hbm>>
        tpu.enqueue_dma source(%dma_start3A_188 : memref<64xi32, #tpu.memory_space<hbm>>) target(%arg15 : memref<64xi32, #tpu.memory_space<vmem>>) target_semaphore(%arg24 : memref<!tpu.dma_semaphore, #tpu.memory_space<semaphore_mem>>)
        %add3A_189 = arith.constant 3 : i32
        %add3A_190 = arith.addi %mul3A_84, %add3A_189 : i32
        %add3A_191 = arith.constant 4 : i32
        %add3A_192 = arith.addi %add3A_190, %add3A_191 : i32
        %mul3A_193 = arith.constant 64 : i32
        %mul3A_194 = arith.muli %add3A_192, %mul3A_193 : i32
        %dma_start3A_195 = tpu.memref_slice %arg7[%mul3A_194] : memref<10000xi32, #tpu.memory_space<vmem>> -> memref<64xi32, #tpu.memory_space<vmem>>
        %dma_start3A_196 = arith.constant 0 : i32
        %dma_start3A_197 = arith.constant 0 : i32
        %dma_start3A_198 = tpu.memref_slice %arg2[%dma_start3A_196, %dma_start3A_197] : memref<10000x128xf32, #tpu.memory_space<hbm>> -> memref<10000x128xf32, #tpu.memory_space<hbm>>
        tpu.enqueue_indirect_dma source(%dma_start3A_198 : memref<10000x128xf32, #tpu.memory_space<hbm>>) target(%arg11 : memref<64x128xf32, #tpu.memory_space<vmem>>) offsets(%dma_start3A_195 : memref<64xi32, #tpu.memory_space<vmem>>) semaphore(%arg20 : memref<!tpu.dma_semaphore, #tpu.memory_space<semaphore_mem>>)
      } else {
      }
    }
    %scan3A_75 = arith.constant 39 : i32
    %barrier3A_76 = arith.constant 0 : index
    tpu.barrier barrier_id(%barrier3A_76)
    "tpu.region"() ({
      %run_scoped3A = tpu.sem_alloc : memref<!tpu.dma_semaphore, #tpu.memory_space<semaphore_mem>>
      %dma_start3A_82 = arith.constant 0 : i32
      %dma_start3A_83 = tpu.memref_slice %arg6[%arg0, %mul3A_2, %dma_start3A_82] : memref<2x10000x128xf32, #tpu.memory_space<hbm>> -> memref<1x624x128xf32, #tpu.memory_space<hbm>>
      %dma_start3A_84 = tpu.memref_squeeze %dma_start3A_83 : memref<1x624x128xf32, #tpu.memory_space<hbm>> -> memref<624x128xf32, #tpu.memory_space<hbm>>
      %dma_start3A_85 = arith.constant 0 : i32
      %dma_start3A_86 = tpu.memref_slice %arg16[%mul3A_2, %dma_start3A_85] : memref<10000x128xf32, #tpu.memory_space<vmem_shared>> -> memref<624x128xf32, #tpu.memory_space<vmem_shared>>
      tpu.enqueue_dma source(%dma_start3A_86 : memref<624x128xf32, #tpu.memory_space<vmem_shared>>) target(%dma_start3A_84 : memref<624x128xf32, #tpu.memory_space<hbm>>) target_semaphore(%run_scoped3A : memref<!tpu.dma_semaphore, #tpu.memory_space<semaphore_mem>>)
      %dma_wait3A_87 = arith.constant 0 : i32
      %dma_wait3A_88 = tpu.memref_slice %arg6[%arg0, %mul3A_2, %dma_wait3A_87] : memref<2x10000x128xf32, #tpu.memory_space<hbm>> -> memref<1x624x128xf32, #tpu.memory_space<hbm>>
      %dma_wait3A_89 = tpu.memref_squeeze %dma_wait3A_88 : memref<1x624x128xf32, #tpu.memory_space<hbm>> -> memref<624x128xf32, #tpu.memory_space<hbm>>
      %dma_wait3A_90 = arith.constant 0 : i32
      %dma_wait3A_91 = tpu.memref_slice %arg16[%mul3A_2, %dma_wait3A_90] : memref<10000x128xf32, #tpu.memory_space<vmem_shared>> -> memref<624x128xf32, #tpu.memory_space<vmem_shared>>
      tpu.wait_dma2 semaphore(%run_scoped3A : memref<!tpu.dma_semaphore, #tpu.memory_space<semaphore_mem>>) src(%dma_wait3A_91 : memref<624x128xf32, #tpu.memory_space<vmem_shared>>) dst(%dma_wait3A_89 : memref<624x128xf32, #tpu.memory_space<hbm>>)
      tpu.yield
    }) : () -> ()
    %eq3A_77 = arith.constant 15 : i32
    %eq3A_78 = arith.cmpi eq, %arg1, %eq3A_77 : i32
    %convert_element_type3A_79 = arith.extui %eq3A_78 : i1 to i32
    %cond3A_80 = arith.constant 0 : i32
    %cond3A_81 = arith.cmpi ne, %convert_element_type3A_79, %cond3A_80 : i32
    scf.if %cond3A_81 {
      "tpu.region"() ({
        %run_scoped3A = tpu.sem_alloc : memref<!tpu.dma_semaphore, #tpu.memory_space<semaphore_mem>>
        %dma_start3A_82 = arith.constant 9984 : i32
        %dma_start3A_83 = arith.constant 0 : i32
        %dma_start3A_84 = tpu.memref_slice %arg6[%arg0, %dma_start3A_82, %dma_start3A_83] : memref<2x10000x128xf32, #tpu.memory_space<hbm>> -> memref<1x16x128xf32, #tpu.memory_space<hbm>>
        %dma_start3A_85 = tpu.memref_squeeze %dma_start3A_84 : memref<1x16x128xf32, #tpu.memory_space<hbm>> -> memref<16x128xf32, #tpu.memory_space<hbm>>
        %dma_start3A_86 = arith.constant 9984 : i32
        %dma_start3A_87 = arith.constant 0 : i32
        %dma_start3A_88 = tpu.memref_slice %arg16[%dma_start3A_86, %dma_start3A_87] : memref<10000x128xf32, #tpu.memory_space<vmem_shared>> -> memref<16x128xf32, #tpu.memory_space<vmem_shared>>
        tpu.enqueue_dma source(%dma_start3A_88 : memref<16x128xf32, #tpu.memory_space<vmem_shared>>) target(%dma_start3A_85 : memref<16x128xf32, #tpu.memory_space<hbm>>) target_semaphore(%run_scoped3A : memref<!tpu.dma_semaphore, #tpu.memory_space<semaphore_mem>>)
        %dma_wait3A_89 = arith.constant 9984 : i32
        %dma_wait3A_90 = arith.constant 0 : i32
        %dma_wait3A_91 = tpu.memref_slice %arg6[%arg0, %dma_wait3A_89, %dma_wait3A_90] : memref<2x10000x128xf32, #tpu.memory_space<hbm>> -> memref<1x16x128xf32, #tpu.memory_space<hbm>>
        %dma_wait3A_92 = tpu.memref_squeeze %dma_wait3A_91 : memref<1x16x128xf32, #tpu.memory_space<hbm>> -> memref<16x128xf32, #tpu.memory_space<hbm>>
        %dma_wait3A_93 = arith.constant 9984 : i32
        %dma_wait3A_94 = arith.constant 0 : i32
        %dma_wait3A_95 = tpu.memref_slice %arg16[%dma_wait3A_93, %dma_wait3A_94] : memref<10000x128xf32, #tpu.memory_space<vmem_shared>> -> memref<16x128xf32, #tpu.memory_space<vmem_shared>>
        tpu.wait_dma2 semaphore(%run_scoped3A : memref<!tpu.dma_semaphore, #tpu.memory_space<semaphore_mem>>) src(%dma_wait3A_95 : memref<16x128xf32, #tpu.memory_space<vmem_shared>>) dst(%dma_wait3A_92 : memref<16x128xf32, #tpu.memory_space<hbm>>)
        tpu.yield
      }) : () -> ()
    } else {
    }
    return
  }
}

#map = affine_map<(d0, d1) -> (0, 0)>
#map1 = affine_map<(d0, d1) -> (0)>
#map2 = affine_map<(d0, d1) -> (0, 0, 0)>
module attributes {stable_mosaic.version = 14 : i64} {
  func.func @_segsum_sc(%arg0: i32, %arg1: i32, %arg2: memref<10000x128xf32, #tpu.memory_space<hbm>>, %arg3: memref<320000xi32, #tpu.memory_space<hbm>>, %arg4: memref<320000xi32, #tpu.memory_space<hbm>>, %arg5: memref<10000x128xf32, #tpu.memory_space<hbm>>, %arg6: memref<2x10000x128xf32, #tpu.memory_space<hbm>>, %arg7: memref<10000xi32, #tpu.memory_space<vmem>>, %arg8: memref<64x128xf32, #tpu.memory_space<vmem>>, %arg9: memref<64x128xf32, #tpu.memory_space<vmem>>, %arg10: memref<64x128xf32, #tpu.memory_space<vmem>>, %arg11: memref<64x128xf32, #tpu.memory_space<vmem>>, %arg12: memref<64xi32, #tpu.memory_space<vmem>>, %arg13: memref<64xi32, #tpu.memory_space<vmem>>, %arg14: memref<64xi32, #tpu.memory_space<vmem>>, %arg15: memref<64xi32, #tpu.memory_space<vmem>>, %arg16: memref<10000x128xf32, #tpu.memory_space<vmem_shared>>, %arg17: memref<!tpu.dma_semaphore, #tpu.memory_space<semaphore_mem>>, %arg18: memref<!tpu.dma_semaphore, #tpu.memory_space<semaphore_mem>>, %arg19: memref<!tpu.dma_semaphore, #tpu.memory_space<semaphore_mem>>, %arg20: memref<!tpu.dma_semaphore, #tpu.memory_space<semaphore_mem>>, %arg21: memref<!tpu.dma_semaphore, #tpu.memory_space<semaphore_mem>>, %arg22: memref<!tpu.dma_semaphore, #tpu.memory_space<semaphore_mem>>, %arg23: memref<!tpu.dma_semaphore, #tpu.memory_space<semaphore_mem>>, %arg24: memref<!tpu.dma_semaphore, #tpu.memory_space<semaphore_mem>>) attributes {dimension_semantics = [#tpu.dimension_semantics<core_parallel>, #tpu.dimension_semantics<subcore_parallel>], iteration_bounds = array<i64: 2, 16>, scalar_prefetch = 0 : i64, scratch_operands = 18 : i64, tpu.core_type = #tpu.core_type<sc_vector_subcore>, window_params = [{transform_indices = #map}, {transform_indices = #map1}, {transform_indices = #map1}, {transform_indices = #map}, {transform_indices = #map2}]} {
    %mul3A = arith.constant 2 : i32
    %mul3A_0 = arith.muli %arg1, %mul3A : i32
    %add3A = arith.addi %mul3A_0, %arg0 : i32
    %mul3A_1 = arith.constant 624 : i32
    %mul3A_2 = arith.muli %arg1, %mul3A_1 : i32
    %mul3A_3 = arith.constant 10000 : i32
    %mul3A_4 = arith.muli %add3A, %mul3A_3 : i32
    %dma_start3A = arith.constant 0 : i32
    %dma_start3A_5 = tpu.memref_slice %arg16[%mul3A_2, %dma_start3A] : memref<10000x128xf32, #tpu.memory_space<vmem_shared>> -> memref<624x128xf32, #tpu.memory_space<vmem_shared>>
    %dma_start3A_6 = arith.constant 0 : i32
    %dma_start3A_7 = tpu.memref_slice %arg5[%mul3A_2, %dma_start3A_6] : memref<10000x128xf32, #tpu.memory_space<hbm>> -> memref<624x128xf32, #tpu.memory_space<hbm>>
    tpu.enqueue_dma source(%dma_start3A_7 : memref<624x128xf32, #tpu.memory_space<hbm>>) target(%dma_start3A_5 : memref<624x128xf32, #tpu.memory_space<vmem_shared>>) target_semaphore(%arg17 : memref<!tpu.dma_semaphore, #tpu.memory_space<semaphore_mem>>)
    %dma_start3A_8 = tpu.memref_slice %arg3[%mul3A_4] : memref<320000xi32, #tpu.memory_space<hbm>> -> memref<10000xi32, #tpu.memory_space<hbm>>
    %dma_start3A_9 = tpu.memref_slice %arg3[%mul3A_4] : memref<320000xi32, #tpu.memory_space<hbm>> -> memref<10000xi32, #tpu.memory_space<hbm>>
    tpu.enqueue_dma source(%dma_start3A_9 : memref<10000xi32, #tpu.memory_space<hbm>>) target(%arg7 : memref<10000xi32, #tpu.memory_space<vmem>>) target_semaphore(%arg18 : memref<!tpu.dma_semaphore, #tpu.memory_space<semaphore_mem>>)
    %eq3A = arith.constant 15 : i32
    %eq3A_10 = arith.cmpi eq, %arg1, %eq3A : i32
    %convert_element_type3A = arith.extui %eq3A_10 : i1 to i32
    %cond3A = arith.constant 0 : i32
    %cond3A_11 = arith.cmpi ne, %convert_element_type3A, %cond3A : i32
    scf.if %cond3A_11 {
      %dma_start3A_82 = arith.constant 9984 : i32
      %dma_start3A_83 = arith.constant 0 : i32
      %dma_start3A_84 = tpu.memref_slice %arg16[%dma_start3A_82, %dma_start3A_83] : memref<10000x128xf32, #tpu.memory_space<vmem_shared>> -> memref<16x128xf32, #tpu.memory_space<vmem_shared>>
      %dma_start3A_85 = arith.constant 9984 : i32
      %dma_start3A_86 = arith.constant 0 : i32
      %dma_start3A_87 = tpu.memref_slice %arg5[%dma_start3A_85, %dma_start3A_86] : memref<10000x128xf32, #tpu.memory_space<hbm>> -> memref<16x128xf32, #tpu.memory_space<hbm>>
      tpu.enqueue_dma source(%dma_start3A_87 : memref<16x128xf32, #tpu.memory_space<hbm>>) target(%dma_start3A_84 : memref<16x128xf32, #tpu.memory_space<vmem_shared>>) target_semaphore(%arg19 : memref<!tpu.dma_semaphore, #tpu.memory_space<semaphore_mem>>)
      %dma_wait3A_88 = arith.constant 9984 : i32
      %dma_wait3A_89 = arith.constant 0 : i32
      %dma_wait3A_90 = tpu.memref_slice %arg16[%dma_wait3A_88, %dma_wait3A_89] : memref<10000x128xf32, #tpu.memory_space<vmem_shared>> -> memref<16x128xf32, #tpu.memory_space<vmem_shared>>
      %dma_wait3A_91 = arith.constant 9984 : i32
      %dma_wait3A_92 = arith.constant 0 : i32
      %dma_wait3A_93 = tpu.memref_slice %arg5[%dma_wait3A_91, %dma_wait3A_92] : memref<10000x128xf32, #tpu.memory_space<hbm>> -> memref<16x128xf32, #tpu.memory_space<hbm>>
      tpu.wait_dma2 semaphore(%arg19 : memref<!tpu.dma_semaphore, #tpu.memory_space<semaphore_mem>>) src(%dma_wait3A_93 : memref<16x128xf32, #tpu.memory_space<hbm>>) dst(%dma_wait3A_90 : memref<16x128xf32, #tpu.memory_space<vmem_shared>>)
    } else {
    }
    %dma_wait3A = arith.constant 0 : i32
    %dma_wait3A_12 = tpu.memref_slice %arg16[%mul3A_2, %dma_wait3A] : memref<10000x128xf32, #tpu.memory_space<vmem_shared>> -> memref<624x128xf32, #tpu.memory_space<vmem_shared>>
    %dma_wait3A_13 = arith.constant 0 : i32
    %dma_wait3A_14 = tpu.memref_slice %arg5[%mul3A_2, %dma_wait3A_13] : memref<10000x128xf32, #tpu.memory_space<hbm>> -> memref<624x128xf32, #tpu.memory_space<hbm>>
    tpu.wait_dma2 semaphore(%arg17 : memref<!tpu.dma_semaphore, #tpu.memory_space<semaphore_mem>>) src(%dma_wait3A_14 : memref<624x128xf32, #tpu.memory_space<hbm>>) dst(%dma_wait3A_12 : memref<624x128xf32, #tpu.memory_space<vmem_shared>>)
    %dma_wait3A_15 = tpu.memref_slice %arg3[%mul3A_4] : memref<320000xi32, #tpu.memory_space<hbm>> -> memref<10000xi32, #tpu.memory_space<hbm>>
    %dma_wait3A_16 = tpu.memref_slice %arg3[%mul3A_4] : memref<320000xi32, #tpu.memory_space<hbm>> -> memref<10000xi32, #tpu.memory_space<hbm>>
    tpu.wait_dma2 semaphore(%arg18 : memref<!tpu.dma_semaphore, #tpu.memory_space<semaphore_mem>>) src(%dma_wait3A_16 : memref<10000xi32, #tpu.memory_space<hbm>>) dst(%arg7 : memref<10000xi32, #tpu.memory_space<vmem>>)
    %barrier3A = arith.constant 0 : index
    tpu.barrier barrier_id(%barrier3A)
    %add3A_17 = arith.constant 9984 : i32
    %add3A_18 = arith.addi %mul3A_4, %add3A_17 : i32
    "tpu.region"() ({
      %run_scoped3A = tpu.sem_alloc : memref<!tpu.dma_semaphore, #tpu.memory_space<semaphore_mem>>
      %dma_start3A_82 = arith.constant 0 : i32
      %dma_start3A_83 = tpu.memref_slice %arg12[%dma_start3A_82] : memref<64xi32, #tpu.memory_space<vmem>> -> memref<16xi32, #tpu.memory_space<vmem>>
      %dma_start3A_84 = tpu.memref_slice %arg4[%add3A_18] : memref<320000xi32, #tpu.memory_space<hbm>> -> memref<16xi32, #tpu.memory_space<hbm>>
      %dma_start3A_85 = arith.constant 0 : i32
      %dma_start3A_86 = tpu.memref_slice %arg12[%dma_start3A_85] : memref<64xi32, #tpu.memory_space<vmem>> -> memref<16xi32, #tpu.memory_space<vmem>>
      %dma_start3A_87 = tpu.memref_slice %arg4[%add3A_18] : memref<320000xi32, #tpu.memory_space<hbm>> -> memref<16xi32, #tpu.memory_space<hbm>>
      tpu.enqueue_dma source(%dma_start3A_87 : memref<16xi32, #tpu.memory_space<hbm>>) target(%dma_start3A_86 : memref<16xi32, #tpu.memory_space<vmem>>) target_semaphore(%run_scoped3A : memref<!tpu.dma_semaphore, #tpu.memory_space<semaphore_mem>>)
      %dma_wait3A_88 = arith.constant 0 : i32
      %dma_wait3A_89 = tpu.memref_slice %arg12[%dma_wait3A_88] : memref<64xi32, #tpu.memory_space<vmem>> -> memref<16xi32, #tpu.memory_space<vmem>>
      %dma_wait3A_90 = tpu.memref_slice %arg4[%add3A_18] : memref<320000xi32, #tpu.memory_space<hbm>> -> memref<16xi32, #tpu.memory_space<hbm>>
      %dma_wait3A_91 = arith.constant 0 : i32
      %dma_wait3A_92 = tpu.memref_slice %arg12[%dma_wait3A_91] : memref<64xi32, #tpu.memory_space<vmem>> -> memref<16xi32, #tpu.memory_space<vmem>>
      %dma_wait3A_93 = tpu.memref_slice %arg4[%add3A_18] : memref<320000xi32, #tpu.memory_space<hbm>> -> memref<16xi32, #tpu.memory_space<hbm>>
      tpu.wait_dma2 semaphore(%run_scoped3A : memref<!tpu.dma_semaphore, #tpu.memory_space<semaphore_mem>>) src(%dma_wait3A_93 : memref<16xi32, #tpu.memory_space<hbm>>) dst(%dma_wait3A_92 : memref<16xi32, #tpu.memory_space<vmem>>)
      tpu.yield
    }) : () -> ()
    %dma_start3A_19 = arith.constant 0 : i32
    %dma_start3A_20 = arith.constant 0 : i32
    %dma_start3A_21 = tpu.memref_slice %arg8[%dma_start3A_19, %dma_start3A_20] : memref<64x128xf32, #tpu.memory_space<vmem>> -> memref<16x128xf32, #tpu.memory_space<vmem>>
    %dma_start3A_22 = arith.constant 9984 : i32
    %dma_start3A_23 = tpu.memref_slice %arg7[%dma_start3A_22] : memref<10000xi32, #tpu.memory_space<vmem>> -> memref<16xi32, #tpu.memory_space<vmem>>
    %dma_start3A_24 = arith.constant 0 : i32
    %dma_start3A_25 = arith.constant 0 : i32
    %dma_start3A_26 = tpu.memref_slice %arg2[%dma_start3A_24, %dma_start3A_25] : memref<10000x128xf32, #tpu.memory_space<hbm>> -> memref<10000x128xf32, #tpu.memory_space<hbm>>
    tpu.enqueue_indirect_dma source(%dma_start3A_26 : memref<10000x128xf32, #tpu.memory_space<hbm>>) target(%dma_start3A_21 : memref<16x128xf32, #tpu.memory_space<vmem>>) offsets(%dma_start3A_23 : memref<16xi32, #tpu.memory_space<vmem>>) semaphore(%arg17 : memref<!tpu.dma_semaphore, #tpu.memory_space<semaphore_mem>>)
    %dma_wait3A_27 = arith.constant 0 : i32
    %dma_wait3A_28 = arith.constant 0 : i32
    %dma_wait3A_29 = tpu.memref_slice %arg8[%dma_wait3A_27, %dma_wait3A_28] : memref<64x128xf32, #tpu.memory_space<vmem>> -> memref<16x128xf32, #tpu.memory_space<vmem>>
    %dma_wait3A_30 = arith.constant 9984 : i32
    %dma_wait3A_31 = tpu.memref_slice %arg7[%dma_wait3A_30] : memref<10000xi32, #tpu.memory_space<vmem>> -> memref<16xi32, #tpu.memory_space<vmem>>
    %dma_wait3A_32 = arith.constant 0 : i32
    %dma_wait3A_33 = arith.constant 0 : i32
    %dma_wait3A_34 = tpu.memref_slice %arg2[%dma_wait3A_32, %dma_wait3A_33] : memref<10000x128xf32, #tpu.memory_space<hbm>> -> memref<10000x128xf32, #tpu.memory_space<hbm>>
    tpu.wait_indirect_dma semaphore(%arg17 : memref<!tpu.dma_semaphore, #tpu.memory_space<semaphore_mem>>) src(%dma_wait3A_34 : memref<10000x128xf32, #tpu.memory_space<hbm>>) dst(%dma_wait3A_29 : memref<16x128xf32, #tpu.memory_space<vmem>>)
    "tpu.region"() ({
      %run_scoped3A = tpu.sem_alloc : memref<!tpu.dma_semaphore, #tpu.memory_space<semaphore_mem>>
      %dma_start3A_82 = arith.constant 0 : i32
      %dma_start3A_83 = arith.constant 0 : i32
      %dma_start3A_84 = tpu.memref_slice %arg8[%dma_start3A_82, %dma_start3A_83] : memref<64x128xf32, #tpu.memory_space<vmem>> -> memref<16x128xf32, #tpu.memory_space<vmem>>
      %dma_start3A_85 = arith.constant 0 : i32
      %dma_start3A_86 = tpu.memref_slice %arg12[%dma_start3A_85] : memref<64xi32, #tpu.memory_space<vmem>> -> memref<16xi32, #tpu.memory_space<vmem>>
      %dma_start3A_87 = arith.constant 0 : i32
      %dma_start3A_88 = arith.constant 0 : i32
      %dma_start3A_89 = tpu.memref_slice %arg16[%dma_start3A_87, %dma_start3A_88] : memref<10000x128xf32, #tpu.memory_space<vmem_shared>> -> memref<10000x128xf32, #tpu.memory_space<vmem_shared>>
      tpu.enqueue_indirect_dma source(%dma_start3A_84 : memref<16x128xf32, #tpu.memory_space<vmem>>) target(%dma_start3A_89 : memref<10000x128xf32, #tpu.memory_space<vmem_shared>>) offsets(%dma_start3A_86 : memref<16xi32, #tpu.memory_space<vmem>>) semaphore(%run_scoped3A : memref<!tpu.dma_semaphore, #tpu.memory_space<semaphore_mem>>) {add = true}
      %dma_wait3A_90 = arith.constant 0 : i32
      %dma_wait3A_91 = arith.constant 0 : i32
      %dma_wait3A_92 = tpu.memref_slice %arg8[%dma_wait3A_90, %dma_wait3A_91] : memref<64x128xf32, #tpu.memory_space<vmem>> -> memref<16x128xf32, #tpu.memory_space<vmem>>
      %dma_wait3A_93 = arith.constant 0 : i32
      %dma_wait3A_94 = tpu.memref_slice %arg12[%dma_wait3A_93] : memref<64xi32, #tpu.memory_space<vmem>> -> memref<16xi32, #tpu.memory_space<vmem>>
      %dma_wait3A_95 = arith.constant 0 : i32
      %dma_wait3A_96 = arith.constant 0 : i32
      %dma_wait3A_97 = tpu.memref_slice %arg16[%dma_wait3A_95, %dma_wait3A_96] : memref<10000x128xf32, #tpu.memory_space<vmem_shared>> -> memref<10000x128xf32, #tpu.memory_space<vmem_shared>>
      tpu.wait_indirect_dma semaphore(%run_scoped3A : memref<!tpu.dma_semaphore, #tpu.memory_space<semaphore_mem>>) src(%dma_wait3A_92 : memref<16x128xf32, #tpu.memory_space<vmem>>) dst(%dma_wait3A_97 : memref<10000x128xf32, #tpu.memory_space<vmem_shared>>)
      tpu.yield
    }) : () -> ()
    %add3A_35 = arith.constant 0 : i32
    %add3A_36 = arith.addi %mul3A_4, %add3A_35 : i32
    %dma_start3A_37 = tpu.memref_slice %arg4[%add3A_36] : memref<320000xi32, #tpu.memory_space<hbm>> -> memref<64xi32, #tpu.memory_space<hbm>>
    %dma_start3A_38 = tpu.memref_slice %arg4[%add3A_36] : memref<320000xi32, #tpu.memory_space<hbm>> -> memref<64xi32, #tpu.memory_space<hbm>>
    tpu.enqueue_dma source(%dma_start3A_38 : memref<64xi32, #tpu.memory_space<hbm>>) target(%arg12 : memref<64xi32, #tpu.memory_space<vmem>>) target_semaphore(%arg21 : memref<!tpu.dma_semaphore, #tpu.memory_space<semaphore_mem>>)
    %dma_start3A_39 = arith.constant 0 : i32
    %dma_start3A_40 = tpu.memref_slice %arg7[%dma_start3A_39] : memref<10000xi32, #tpu.memory_space<vmem>> -> memref<64xi32, #tpu.memory_space<vmem>>
    %dma_start3A_41 = arith.constant 0 : i32
    %dma_start3A_42 = arith.constant 0 : i32
    %dma_start3A_43 = tpu.memref_slice %arg2[%dma_start3A_41, %dma_start3A_42] : memref<10000x128xf32, #tpu.memory_space<hbm>> -> memref<10000x128xf32, #tpu.memory_space<hbm>>
    tpu.enqueue_indirect_dma source(%dma_start3A_43 : memref<10000x128xf32, #tpu.memory_space<hbm>>) target(%arg8 : memref<64x128xf32, #tpu.memory_space<vmem>>) offsets(%dma_start3A_40 : memref<64xi32, #tpu.memory_space<vmem>>) semaphore(%arg17 : memref<!tpu.dma_semaphore, #tpu.memory_space<semaphore_mem>>)
    %add3A_44 = arith.constant 64 : i32
    %add3A_45 = arith.addi %mul3A_4, %add3A_44 : i32
    %dma_start3A_46 = tpu.memref_slice %arg4[%add3A_45] : memref<320000xi32, #tpu.memory_space<hbm>> -> memref<64xi32, #tpu.memory_space<hbm>>
    %dma_start3A_47 = tpu.memref_slice %arg4[%add3A_45] : memref<320000xi32, #tpu.memory_space<hbm>> -> memref<64xi32, #tpu.memory_space<hbm>>
    tpu.enqueue_dma source(%dma_start3A_47 : memref<64xi32, #tpu.memory_space<hbm>>) target(%arg13 : memref<64xi32, #tpu.memory_space<vmem>>) target_semaphore(%arg22 : memref<!tpu.dma_semaphore, #tpu.memory_space<semaphore_mem>>)
    %dma_start3A_48 = arith.constant 64 : i32
    %dma_start3A_49 = tpu.memref_slice %arg7[%dma_start3A_48] : memref<10000xi32, #tpu.memory_space<vmem>> -> memref<64xi32, #tpu.memory_space<vmem>>
    %dma_start3A_50 = arith.constant 0 : i32
    %dma_start3A_51 = arith.constant 0 : i32
    %dma_start3A_52 = tpu.memref_slice %arg2[%dma_start3A_50, %dma_start3A_51] : memref<10000x128xf32, #tpu.memory_space<hbm>> -> memref<10000x128xf32, #tpu.memory_space<hbm>>
    tpu.enqueue_indirect_dma source(%dma_start3A_52 : memref<10000x128xf32, #tpu.memory_space<hbm>>) target(%arg9 : memref<64x128xf32, #tpu.memory_space<vmem>>) offsets(%dma_start3A_49 : memref<64xi32, #tpu.memory_space<vmem>>) semaphore(%arg18 : memref<!tpu.dma_semaphore, #tpu.memory_space<semaphore_mem>>)
    %add3A_53 = arith.constant 128 : i32
    %add3A_54 = arith.addi %mul3A_4, %add3A_53 : i32
    %dma_start3A_55 = tpu.memref_slice %arg4[%add3A_54] : memref<320000xi32, #tpu.memory_space<hbm>> -> memref<64xi32, #tpu.memory_space<hbm>>
    %dma_start3A_56 = tpu.memref_slice %arg4[%add3A_54] : memref<320000xi32, #tpu.memory_space<hbm>> -> memref<64xi32, #tpu.memory_space<hbm>>
    tpu.enqueue_dma source(%dma_start3A_56 : memref<64xi32, #tpu.memory_space<hbm>>) target(%arg14 : memref<64xi32, #tpu.memory_space<vmem>>) target_semaphore(%arg23 : memref<!tpu.dma_semaphore, #tpu.memory_space<semaphore_mem>>)
    %dma_start3A_57 = arith.constant 128 : i32
    %dma_start3A_58 = tpu.memref_slice %arg7[%dma_start3A_57] : memref<10000xi32, #tpu.memory_space<vmem>> -> memref<64xi32, #tpu.memory_space<vmem>>
    %dma_start3A_59 = arith.constant 0 : i32
    %dma_start3A_60 = arith.constant 0 : i32
    %dma_start3A_61 = tpu.memref_slice %arg2[%dma_start3A_59, %dma_start3A_60] : memref<10000x128xf32, #tpu.memory_space<hbm>> -> memref<10000x128xf32, #tpu.memory_space<hbm>>
    tpu.enqueue_indirect_dma source(%dma_start3A_61 : memref<10000x128xf32, #tpu.memory_space<hbm>>) target(%arg10 : memref<64x128xf32, #tpu.memory_space<vmem>>) offsets(%dma_start3A_58 : memref<64xi32, #tpu.memory_space<vmem>>) semaphore(%arg19 : memref<!tpu.dma_semaphore, #tpu.memory_space<semaphore_mem>>)
    %add3A_62 = arith.constant 192 : i32
    %add3A_63 = arith.addi %mul3A_4, %add3A_62 : i32
    %dma_start3A_64 = tpu.memref_slice %arg4[%add3A_63] : memref<320000xi32, #tpu.memory_space<hbm>> -> memref<64xi32, #tpu.memory_space<hbm>>
    %dma_start3A_65 = tpu.memref_slice %arg4[%add3A_63] : memref<320000xi32, #tpu.memory_space<hbm>> -> memref<64xi32, #tpu.memory_space<hbm>>
    tpu.enqueue_dma source(%dma_start3A_65 : memref<64xi32, #tpu.memory_space<hbm>>) target(%arg15 : memref<64xi32, #tpu.memory_space<vmem>>) target_semaphore(%arg24 : memref<!tpu.dma_semaphore, #tpu.memory_space<semaphore_mem>>)
    %dma_start3A_66 = arith.constant 192 : i32
    %dma_start3A_67 = tpu.memref_slice %arg7[%dma_start3A_66] : memref<10000xi32, #tpu.memory_space<vmem>> -> memref<64xi32, #tpu.memory_space<vmem>>
    %dma_start3A_68 = arith.constant 0 : i32
    %dma_start3A_69 = arith.constant 0 : i32
    %dma_start3A_70 = tpu.memref_slice %arg2[%dma_start3A_68, %dma_start3A_69] : memref<10000x128xf32, #tpu.memory_space<hbm>> -> memref<10000x128xf32, #tpu.memory_space<hbm>>
    tpu.enqueue_indirect_dma source(%dma_start3A_70 : memref<10000x128xf32, #tpu.memory_space<hbm>>) target(%arg11 : memref<64x128xf32, #tpu.memory_space<vmem>>) offsets(%dma_start3A_67 : memref<64xi32, #tpu.memory_space<vmem>>) semaphore(%arg20 : memref<!tpu.dma_semaphore, #tpu.memory_space<semaphore_mem>>)
    %scan3A = arith.constant 0 : i32
    %scan3A_71 = arith.constant 0 : i32
    %scan3A_72 = arith.constant 39 : i32
    %scan3A_73 = arith.addi %scan3A_71, %scan3A_72 : i32
    %scan3A_74 = arith.constant 1 : i32
    scf.for %scan3A_82 = %scan3A_71 to %scan3A_73 step %scan3A_74  : i32 {
      %mul3A_83 = arith.constant 4 : i32
      %mul3A_84 = arith.muli %mul3A_83, %scan3A_82 : i32
      %add3A_85 = arith.constant 0 : i32
      %add3A_86 = arith.addi %mul3A_84, %add3A_85 : i32
      %mul3A_87 = arith.constant 64 : i32
      %mul3A_88 = arith.muli %add3A_86, %mul3A_87 : i32
      %dma_wait3A_89 = tpu.memref_slice %arg7[%mul3A_88] : memref<10000xi32, #tpu.memory_space<vmem>> -> memref<64xi32, #tpu.memory_space<vmem>>
      %dma_wait3A_90 = arith.constant 0 : i32
      %dma_wait3A_91 = arith.constant 0 : i32
      %dma_wait3A_92 = tpu.memref_slice %arg2[%dma_wait3A_90, %dma_wait3A_91] : memref<10000x128xf32, #tpu.memory_space<hbm>> -> memref<10000x128xf32, #tpu.memory_space<hbm>>
      tpu.wait_indirect_dma semaphore(%arg17 : memref<!tpu.dma_semaphore, #tpu.memory_space<semaphore_mem>>) src(%dma_wait3A_92 : memref<10000x128xf32, #tpu.memory_space<hbm>>) dst(%arg8 : memref<64x128xf32, #tpu.memory_space<vmem>>)
      %add3A_93 = arith.constant 0 : i32
      %add3A_94 = arith.addi %mul3A_84, %add3A_93 : i32
      %mul3A_95 = arith.constant 64 : i32
      %mul3A_96 = arith.muli %add3A_94, %mul3A_95 : i32
      %add3A_97 = arith.addi %mul3A_4, %mul3A_96 : i32
      %dma_wait3A_98 = tpu.memref_slice %arg4[%add3A_97] : memref<320000xi32, #tpu.memory_space<hbm>> -> memref<64xi32, #tpu.memory_space<hbm>>
      %dma_wait3A_99 = tpu.memref_slice %arg4[%add3A_97] : memref<320000xi32, #tpu.memory_space<hbm>> -> memref<64xi32, #tpu.memory_space<hbm>>
      tpu.wait_dma2 semaphore(%arg21 : memref<!tpu.dma_semaphore, #tpu.memory_space<semaphore_mem>>) src(%dma_wait3A_99 : memref<64xi32, #tpu.memory_space<hbm>>) dst(%arg12 : memref<64xi32, #tpu.memory_space<vmem>>)
      "tpu.region"() ({
        %run_scoped3A = tpu.sem_alloc : memref<!tpu.dma_semaphore, #tpu.memory_space<semaphore_mem>>
        %dma_start3A_180 = arith.constant 0 : i32
        %dma_start3A_181 = arith.constant 0 : i32
        %dma_start3A_182 = tpu.memref_slice %arg16[%dma_start3A_180, %dma_start3A_181] : memref<10000x128xf32, #tpu.memory_space<vmem_shared>> -> memref<10000x128xf32, #tpu.memory_space<vmem_shared>>
        tpu.enqueue_indirect_dma source(%arg8 : memref<64x128xf32, #tpu.memory_space<vmem>>) target(%dma_start3A_182 : memref<10000x128xf32, #tpu.memory_space<vmem_shared>>) offsets(%arg12 : memref<64xi32, #tpu.memory_space<vmem>>) semaphore(%run_scoped3A : memref<!tpu.dma_semaphore, #tpu.memory_space<semaphore_mem>>) {add = true}
        %dma_wait3A_183 = arith.constant 0 : i32
        %dma_wait3A_184 = arith.constant 0 : i32
        %dma_wait3A_185 = tpu.memref_slice %arg16[%dma_wait3A_183, %dma_wait3A_184] : memref<10000x128xf32, #tpu.memory_space<vmem_shared>> -> memref<10000x128xf32, #tpu.memory_space<vmem_shared>>
        tpu.wait_indirect_dma semaphore(%run_scoped3A : memref<!tpu.dma_semaphore, #tpu.memory_space<semaphore_mem>>) src(%arg8 : memref<64x128xf32, #tpu.memory_space<vmem>>) dst(%dma_wait3A_185 : memref<10000x128xf32, #tpu.memory_space<vmem_shared>>)
        tpu.yield
      }) : () -> ()
      %add3A_100 = arith.constant 0 : i32
      %add3A_101 = arith.addi %mul3A_84, %add3A_100 : i32
      %add3A_102 = arith.constant 4 : i32
      %add3A_103 = arith.addi %add3A_101, %add3A_102 : i32
      %lt3A = arith.constant 156 : i32
      %lt3A_104 = arith.cmpi slt, %add3A_103, %lt3A : i32
      %convert_element_type3A_105 = arith.extui %lt3A_104 : i1 to i32
      %cond3A_106 = arith.constant 0 : i32
      %cond3A_107 = arith.cmpi ne, %convert_element_type3A_105, %cond3A_106 : i32
      scf.if %cond3A_107 {
        %add3A_180 = arith.constant 0 : i32
        %add3A_181 = arith.addi %mul3A_84, %add3A_180 : i32
        %add3A_182 = arith.constant 4 : i32
        %add3A_183 = arith.addi %add3A_181, %add3A_182 : i32
        %mul3A_184 = arith.constant 64 : i32
        %mul3A_185 = arith.muli %add3A_183, %mul3A_184 : i32
        %add3A_186 = arith.addi %mul3A_4, %mul3A_185 : i32
        %dma_start3A_187 = tpu.memref_slice %arg4[%add3A_186] : memref<320000xi32, #tpu.memory_space<hbm>> -> memref<64xi32, #tpu.memory_space<hbm>>
        %dma_start3A_188 = tpu.memref_slice %arg4[%add3A_186] : memref<320000xi32, #tpu.memory_space<hbm>> -> memref<64xi32, #tpu.memory_space<hbm>>
        tpu.enqueue_dma source(%dma_start3A_188 : memref<64xi32, #tpu.memory_space<hbm>>) target(%arg12 : memref<64xi32, #tpu.memory_space<vmem>>) target_semaphore(%arg21 : memref<!tpu.dma_semaphore, #tpu.memory_space<semaphore_mem>>)
        %add3A_189 = arith.constant 0 : i32
        %add3A_190 = arith.addi %mul3A_84, %add3A_189 : i32
        %add3A_191 = arith.constant 4 : i32
        %add3A_192 = arith.addi %add3A_190, %add3A_191 : i32
        %mul3A_193 = arith.constant 64 : i32
        %mul3A_194 = arith.muli %add3A_192, %mul3A_193 : i32
        %dma_start3A_195 = tpu.memref_slice %arg7[%mul3A_194] : memref<10000xi32, #tpu.memory_space<vmem>> -> memref<64xi32, #tpu.memory_space<vmem>>
        %dma_start3A_196 = arith.constant 0 : i32
        %dma_start3A_197 = arith.constant 0 : i32
        %dma_start3A_198 = tpu.memref_slice %arg2[%dma_start3A_196, %dma_start3A_197] : memref<10000x128xf32, #tpu.memory_space<hbm>> -> memref<10000x128xf32, #tpu.memory_space<hbm>>
        tpu.enqueue_indirect_dma source(%dma_start3A_198 : memref<10000x128xf32, #tpu.memory_space<hbm>>) target(%arg8 : memref<64x128xf32, #tpu.memory_space<vmem>>) offsets(%dma_start3A_195 : memref<64xi32, #tpu.memory_space<vmem>>) semaphore(%arg17 : memref<!tpu.dma_semaphore, #tpu.memory_space<semaphore_mem>>)
      } else {
      }
      %add3A_108 = arith.constant 1 : i32
      %add3A_109 = arith.addi %mul3A_84, %add3A_108 : i32
      %mul3A_110 = arith.constant 64 : i32
      %mul3A_111 = arith.muli %add3A_109, %mul3A_110 : i32
      %dma_wait3A_112 = tpu.memref_slice %arg7[%mul3A_111] : memref<10000xi32, #tpu.memory_space<vmem>> -> memref<64xi32, #tpu.memory_space<vmem>>
      %dma_wait3A_113 = arith.constant 0 : i32
      %dma_wait3A_114 = arith.constant 0 : i32
      %dma_wait3A_115 = tpu.memref_slice %arg2[%dma_wait3A_113, %dma_wait3A_114] : memref<10000x128xf32, #tpu.memory_space<hbm>> -> memref<10000x128xf32, #tpu.memory_space<hbm>>
      tpu.wait_indirect_dma semaphore(%arg18 : memref<!tpu.dma_semaphore, #tpu.memory_space<semaphore_mem>>) src(%dma_wait3A_115 : memref<10000x128xf32, #tpu.memory_space<hbm>>) dst(%arg9 : memref<64x128xf32, #tpu.memory_space<vmem>>)
      %add3A_116 = arith.constant 1 : i32
      %add3A_117 = arith.addi %mul3A_84, %add3A_116 : i32
      %mul3A_118 = arith.constant 64 : i32
      %mul3A_119 = arith.muli %add3A_117, %mul3A_118 : i32
      %add3A_120 = arith.addi %mul3A_4, %mul3A_119 : i32
      %dma_wait3A_121 = tpu.memref_slice %arg4[%add3A_120] : memref<320000xi32, #tpu.memory_space<hbm>> -> memref<64xi32, #tpu.memory_space<hbm>>
      %dma_wait3A_122 = tpu.memref_slice %arg4[%add3A_120] : memref<320000xi32, #tpu.memory_space<hbm>> -> memref<64xi32, #tpu.memory_space<hbm>>
      tpu.wait_dma2 semaphore(%arg22 : memref<!tpu.dma_semaphore, #tpu.memory_space<semaphore_mem>>) src(%dma_wait3A_122 : memref<64xi32, #tpu.memory_space<hbm>>) dst(%arg13 : memref<64xi32, #tpu.memory_space<vmem>>)
      "tpu.region"() ({
        %run_scoped3A = tpu.sem_alloc : memref<!tpu.dma_semaphore, #tpu.memory_space<semaphore_mem>>
        %dma_start3A_180 = arith.constant 0 : i32
        %dma_start3A_181 = arith.constant 0 : i32
        %dma_start3A_182 = tpu.memref_slice %arg16[%dma_start3A_180, %dma_start3A_181] : memref<10000x128xf32, #tpu.memory_space<vmem_shared>> -> memref<10000x128xf32, #tpu.memory_space<vmem_shared>>
        tpu.enqueue_indirect_dma source(%arg9 : memref<64x128xf32, #tpu.memory_space<vmem>>) target(%dma_start3A_182 : memref<10000x128xf32, #tpu.memory_space<vmem_shared>>) offsets(%arg13 : memref<64xi32, #tpu.memory_space<vmem>>) semaphore(%run_scoped3A : memref<!tpu.dma_semaphore, #tpu.memory_space<semaphore_mem>>) {add = true}
        %dma_wait3A_183 = arith.constant 0 : i32
        %dma_wait3A_184 = arith.constant 0 : i32
        %dma_wait3A_185 = tpu.memref_slice %arg16[%dma_wait3A_183, %dma_wait3A_184] : memref<10000x128xf32, #tpu.memory_space<vmem_shared>> -> memref<10000x128xf32, #tpu.memory_space<vmem_shared>>
        tpu.wait_indirect_dma semaphore(%run_scoped3A : memref<!tpu.dma_semaphore, #tpu.memory_space<semaphore_mem>>) src(%arg9 : memref<64x128xf32, #tpu.memory_space<vmem>>) dst(%dma_wait3A_185 : memref<10000x128xf32, #tpu.memory_space<vmem_shared>>)
        tpu.yield
      }) : () -> ()
      %add3A_123 = arith.constant 1 : i32
      %add3A_124 = arith.addi %mul3A_84, %add3A_123 : i32
      %add3A_125 = arith.constant 4 : i32
      %add3A_126 = arith.addi %add3A_124, %add3A_125 : i32
      %lt3A_127 = arith.constant 156 : i32
      %lt3A_128 = arith.cmpi slt, %add3A_126, %lt3A_127 : i32
      %convert_element_type3A_129 = arith.extui %lt3A_128 : i1 to i32
      %cond3A_130 = arith.constant 0 : i32
      %cond3A_131 = arith.cmpi ne, %convert_element_type3A_129, %cond3A_130 : i32
      scf.if %cond3A_131 {
        %add3A_180 = arith.constant 1 : i32
        %add3A_181 = arith.addi %mul3A_84, %add3A_180 : i32
        %add3A_182 = arith.constant 4 : i32
        %add3A_183 = arith.addi %add3A_181, %add3A_182 : i32
        %mul3A_184 = arith.constant 64 : i32
        %mul3A_185 = arith.muli %add3A_183, %mul3A_184 : i32
        %add3A_186 = arith.addi %mul3A_4, %mul3A_185 : i32
        %dma_start3A_187 = tpu.memref_slice %arg4[%add3A_186] : memref<320000xi32, #tpu.memory_space<hbm>> -> memref<64xi32, #tpu.memory_space<hbm>>
        %dma_start3A_188 = tpu.memref_slice %arg4[%add3A_186] : memref<320000xi32, #tpu.memory_space<hbm>> -> memref<64xi32, #tpu.memory_space<hbm>>
        tpu.enqueue_dma source(%dma_start3A_188 : memref<64xi32, #tpu.memory_space<hbm>>) target(%arg13 : memref<64xi32, #tpu.memory_space<vmem>>) target_semaphore(%arg22 : memref<!tpu.dma_semaphore, #tpu.memory_space<semaphore_mem>>)
        %add3A_189 = arith.constant 1 : i32
        %add3A_190 = arith.addi %mul3A_84, %add3A_189 : i32
        %add3A_191 = arith.constant 4 : i32
        %add3A_192 = arith.addi %add3A_190, %add3A_191 : i32
        %mul3A_193 = arith.constant 64 : i32
        %mul3A_194 = arith.muli %add3A_192, %mul3A_193 : i32
        %dma_start3A_195 = tpu.memref_slice %arg7[%mul3A_194] : memref<10000xi32, #tpu.memory_space<vmem>> -> memref<64xi32, #tpu.memory_space<vmem>>
        %dma_start3A_196 = arith.constant 0 : i32
        %dma_start3A_197 = arith.constant 0 : i32
        %dma_start3A_198 = tpu.memref_slice %arg2[%dma_start3A_196, %dma_start3A_197] : memref<10000x128xf32, #tpu.memory_space<hbm>> -> memref<10000x128xf32, #tpu.memory_space<hbm>>
        tpu.enqueue_indirect_dma source(%dma_start3A_198 : memref<10000x128xf32, #tpu.memory_space<hbm>>) target(%arg9 : memref<64x128xf32, #tpu.memory_space<vmem>>) offsets(%dma_start3A_195 : memref<64xi32, #tpu.memory_space<vmem>>) semaphore(%arg18 : memref<!tpu.dma_semaphore, #tpu.memory_space<semaphore_mem>>)
      } else {
      }
      %add3A_132 = arith.constant 2 : i32
      %add3A_133 = arith.addi %mul3A_84, %add3A_132 : i32
      %mul3A_134 = arith.constant 64 : i32
      %mul3A_135 = arith.muli %add3A_133, %mul3A_134 : i32
      %dma_wait3A_136 = tpu.memref_slice %arg7[%mul3A_135] : memref<10000xi32, #tpu.memory_space<vmem>> -> memref<64xi32, #tpu.memory_space<vmem>>
      %dma_wait3A_137 = arith.constant 0 : i32
      %dma_wait3A_138 = arith.constant 0 : i32
      %dma_wait3A_139 = tpu.memref_slice %arg2[%dma_wait3A_137, %dma_wait3A_138] : memref<10000x128xf32, #tpu.memory_space<hbm>> -> memref<10000x128xf32, #tpu.memory_space<hbm>>
      tpu.wait_indirect_dma semaphore(%arg19 : memref<!tpu.dma_semaphore, #tpu.memory_space<semaphore_mem>>) src(%dma_wait3A_139 : memref<10000x128xf32, #tpu.memory_space<hbm>>) dst(%arg10 : memref<64x128xf32, #tpu.memory_space<vmem>>)
      %add3A_140 = arith.constant 2 : i32
      %add3A_141 = arith.addi %mul3A_84, %add3A_140 : i32
      %mul3A_142 = arith.constant 64 : i32
      %mul3A_143 = arith.muli %add3A_141, %mul3A_142 : i32
      %add3A_144 = arith.addi %mul3A_4, %mul3A_143 : i32
      %dma_wait3A_145 = tpu.memref_slice %arg4[%add3A_144] : memref<320000xi32, #tpu.memory_space<hbm>> -> memref<64xi32, #tpu.memory_space<hbm>>
      %dma_wait3A_146 = tpu.memref_slice %arg4[%add3A_144] : memref<320000xi32, #tpu.memory_space<hbm>> -> memref<64xi32, #tpu.memory_space<hbm>>
      tpu.wait_dma2 semaphore(%arg23 : memref<!tpu.dma_semaphore, #tpu.memory_space<semaphore_mem>>) src(%dma_wait3A_146 : memref<64xi32, #tpu.memory_space<hbm>>) dst(%arg14 : memref<64xi32, #tpu.memory_space<vmem>>)
      "tpu.region"() ({
        %run_scoped3A = tpu.sem_alloc : memref<!tpu.dma_semaphore, #tpu.memory_space<semaphore_mem>>
        %dma_start3A_180 = arith.constant 0 : i32
        %dma_start3A_181 = arith.constant 0 : i32
        %dma_start3A_182 = tpu.memref_slice %arg16[%dma_start3A_180, %dma_start3A_181] : memref<10000x128xf32, #tpu.memory_space<vmem_shared>> -> memref<10000x128xf32, #tpu.memory_space<vmem_shared>>
        tpu.enqueue_indirect_dma source(%arg10 : memref<64x128xf32, #tpu.memory_space<vmem>>) target(%dma_start3A_182 : memref<10000x128xf32, #tpu.memory_space<vmem_shared>>) offsets(%arg14 : memref<64xi32, #tpu.memory_space<vmem>>) semaphore(%run_scoped3A : memref<!tpu.dma_semaphore, #tpu.memory_space<semaphore_mem>>) {add = true}
        %dma_wait3A_183 = arith.constant 0 : i32
        %dma_wait3A_184 = arith.constant 0 : i32
        %dma_wait3A_185 = tpu.memref_slice %arg16[%dma_wait3A_183, %dma_wait3A_184] : memref<10000x128xf32, #tpu.memory_space<vmem_shared>> -> memref<10000x128xf32, #tpu.memory_space<vmem_shared>>
        tpu.wait_indirect_dma semaphore(%run_scoped3A : memref<!tpu.dma_semaphore, #tpu.memory_space<semaphore_mem>>) src(%arg10 : memref<64x128xf32, #tpu.memory_space<vmem>>) dst(%dma_wait3A_185 : memref<10000x128xf32, #tpu.memory_space<vmem_shared>>)
        tpu.yield
      }) : () -> ()
      %add3A_147 = arith.constant 2 : i32
      %add3A_148 = arith.addi %mul3A_84, %add3A_147 : i32
      %add3A_149 = arith.constant 4 : i32
      %add3A_150 = arith.addi %add3A_148, %add3A_149 : i32
      %lt3A_151 = arith.constant 156 : i32
      %lt3A_152 = arith.cmpi slt, %add3A_150, %lt3A_151 : i32
      %convert_element_type3A_153 = arith.extui %lt3A_152 : i1 to i32
      %cond3A_154 = arith.constant 0 : i32
      %cond3A_155 = arith.cmpi ne, %convert_element_type3A_153, %cond3A_154 : i32
      scf.if %cond3A_155 {
        %add3A_180 = arith.constant 2 : i32
        %add3A_181 = arith.addi %mul3A_84, %add3A_180 : i32
        %add3A_182 = arith.constant 4 : i32
        %add3A_183 = arith.addi %add3A_181, %add3A_182 : i32
        %mul3A_184 = arith.constant 64 : i32
        %mul3A_185 = arith.muli %add3A_183, %mul3A_184 : i32
        %add3A_186 = arith.addi %mul3A_4, %mul3A_185 : i32
        %dma_start3A_187 = tpu.memref_slice %arg4[%add3A_186] : memref<320000xi32, #tpu.memory_space<hbm>> -> memref<64xi32, #tpu.memory_space<hbm>>
        %dma_start3A_188 = tpu.memref_slice %arg4[%add3A_186] : memref<320000xi32, #tpu.memory_space<hbm>> -> memref<64xi32, #tpu.memory_space<hbm>>
        tpu.enqueue_dma source(%dma_start3A_188 : memref<64xi32, #tpu.memory_space<hbm>>) target(%arg14 : memref<64xi32, #tpu.memory_space<vmem>>) target_semaphore(%arg23 : memref<!tpu.dma_semaphore, #tpu.memory_space<semaphore_mem>>)
        %add3A_189 = arith.constant 2 : i32
        %add3A_190 = arith.addi %mul3A_84, %add3A_189 : i32
        %add3A_191 = arith.constant 4 : i32
        %add3A_192 = arith.addi %add3A_190, %add3A_191 : i32
        %mul3A_193 = arith.constant 64 : i32
        %mul3A_194 = arith.muli %add3A_192, %mul3A_193 : i32
        %dma_start3A_195 = tpu.memref_slice %arg7[%mul3A_194] : memref<10000xi32, #tpu.memory_space<vmem>> -> memref<64xi32, #tpu.memory_space<vmem>>
        %dma_start3A_196 = arith.constant 0 : i32
        %dma_start3A_197 = arith.constant 0 : i32
        %dma_start3A_198 = tpu.memref_slice %arg2[%dma_start3A_196, %dma_start3A_197] : memref<10000x128xf32, #tpu.memory_space<hbm>> -> memref<10000x128xf32, #tpu.memory_space<hbm>>
        tpu.enqueue_indirect_dma source(%dma_start3A_198 : memref<10000x128xf32, #tpu.memory_space<hbm>>) target(%arg10 : memref<64x128xf32, #tpu.memory_space<vmem>>) offsets(%dma_start3A_195 : memref<64xi32, #tpu.memory_space<vmem>>) semaphore(%arg19 : memref<!tpu.dma_semaphore, #tpu.memory_space<semaphore_mem>>)
      } else {
      }
      %add3A_156 = arith.constant 3 : i32
      %add3A_157 = arith.addi %mul3A_84, %add3A_156 : i32
      %mul3A_158 = arith.constant 64 : i32
      %mul3A_159 = arith.muli %add3A_157, %mul3A_158 : i32
      %dma_wait3A_160 = tpu.memref_slice %arg7[%mul3A_159] : memref<10000xi32, #tpu.memory_space<vmem>> -> memref<64xi32, #tpu.memory_space<vmem>>
      %dma_wait3A_161 = arith.constant 0 : i32
      %dma_wait3A_162 = arith.constant 0 : i32
      %dma_wait3A_163 = tpu.memref_slice %arg2[%dma_wait3A_161, %dma_wait3A_162] : memref<10000x128xf32, #tpu.memory_space<hbm>> -> memref<10000x128xf32, #tpu.memory_space<hbm>>
      tpu.wait_indirect_dma semaphore(%arg20 : memref<!tpu.dma_semaphore, #tpu.memory_space<semaphore_mem>>) src(%dma_wait3A_163 : memref<10000x128xf32, #tpu.memory_space<hbm>>) dst(%arg11 : memref<64x128xf32, #tpu.memory_space<vmem>>)
      %add3A_164 = arith.constant 3 : i32
      %add3A_165 = arith.addi %mul3A_84, %add3A_164 : i32
      %mul3A_166 = arith.constant 64 : i32
      %mul3A_167 = arith.muli %add3A_165, %mul3A_166 : i32
      %add3A_168 = arith.addi %mul3A_4, %mul3A_167 : i32
      %dma_wait3A_169 = tpu.memref_slice %arg4[%add3A_168] : memref<320000xi32, #tpu.memory_space<hbm>> -> memref<64xi32, #tpu.memory_space<hbm>>
      %dma_wait3A_170 = tpu.memref_slice %arg4[%add3A_168] : memref<320000xi32, #tpu.memory_space<hbm>> -> memref<64xi32, #tpu.memory_space<hbm>>
      tpu.wait_dma2 semaphore(%arg24 : memref<!tpu.dma_semaphore, #tpu.memory_space<semaphore_mem>>) src(%dma_wait3A_170 : memref<64xi32, #tpu.memory_space<hbm>>) dst(%arg15 : memref<64xi32, #tpu.memory_space<vmem>>)
      "tpu.region"() ({
        %run_scoped3A = tpu.sem_alloc : memref<!tpu.dma_semaphore, #tpu.memory_space<semaphore_mem>>
        %dma_start3A_180 = arith.constant 0 : i32
        %dma_start3A_181 = arith.constant 0 : i32
        %dma_start3A_182 = tpu.memref_slice %arg16[%dma_start3A_180, %dma_start3A_181] : memref<10000x128xf32, #tpu.memory_space<vmem_shared>> -> memref<10000x128xf32, #tpu.memory_space<vmem_shared>>
        tpu.enqueue_indirect_dma source(%arg11 : memref<64x128xf32, #tpu.memory_space<vmem>>) target(%dma_start3A_182 : memref<10000x128xf32, #tpu.memory_space<vmem_shared>>) offsets(%arg15 : memref<64xi32, #tpu.memory_space<vmem>>) semaphore(%run_scoped3A : memref<!tpu.dma_semaphore, #tpu.memory_space<semaphore_mem>>) {add = true}
        %dma_wait3A_183 = arith.constant 0 : i32
        %dma_wait3A_184 = arith.constant 0 : i32
        %dma_wait3A_185 = tpu.memref_slice %arg16[%dma_wait3A_183, %dma_wait3A_184] : memref<10000x128xf32, #tpu.memory_space<vmem_shared>> -> memref<10000x128xf32, #tpu.memory_space<vmem_shared>>
        tpu.wait_indirect_dma semaphore(%run_scoped3A : memref<!tpu.dma_semaphore, #tpu.memory_space<semaphore_mem>>) src(%arg11 : memref<64x128xf32, #tpu.memory_space<vmem>>) dst(%dma_wait3A_185 : memref<10000x128xf32, #tpu.memory_space<vmem_shared>>)
        tpu.yield
      }) : () -> ()
      %add3A_171 = arith.constant 3 : i32
      %add3A_172 = arith.addi %mul3A_84, %add3A_171 : i32
      %add3A_173 = arith.constant 4 : i32
      %add3A_174 = arith.addi %add3A_172, %add3A_173 : i32
      %lt3A_175 = arith.constant 156 : i32
      %lt3A_176 = arith.cmpi slt, %add3A_174, %lt3A_175 : i32
      %convert_element_type3A_177 = arith.extui %lt3A_176 : i1 to i32
      %cond3A_178 = arith.constant 0 : i32
      %cond3A_179 = arith.cmpi ne, %convert_element_type3A_177, %cond3A_178 : i32
      scf.if %cond3A_179 {
        %add3A_180 = arith.constant 3 : i32
        %add3A_181 = arith.addi %mul3A_84, %add3A_180 : i32
        %add3A_182 = arith.constant 4 : i32
        %add3A_183 = arith.addi %add3A_181, %add3A_182 : i32
        %mul3A_184 = arith.constant 64 : i32
        %mul3A_185 = arith.muli %add3A_183, %mul3A_184 : i32
        %add3A_186 = arith.addi %mul3A_4, %mul3A_185 : i32
        %dma_start3A_187 = tpu.memref_slice %arg4[%add3A_186] : memref<320000xi32, #tpu.memory_space<hbm>> -> memref<64xi32, #tpu.memory_space<hbm>>
        %dma_start3A_188 = tpu.memref_slice %arg4[%add3A_186] : memref<320000xi32, #tpu.memory_space<hbm>> -> memref<64xi32, #tpu.memory_space<hbm>>
        tpu.enqueue_dma source(%dma_start3A_188 : memref<64xi32, #tpu.memory_space<hbm>>) target(%arg15 : memref<64xi32, #tpu.memory_space<vmem>>) target_semaphore(%arg24 : memref<!tpu.dma_semaphore, #tpu.memory_space<semaphore_mem>>)
        %add3A_189 = arith.constant 3 : i32
        %add3A_190 = arith.addi %mul3A_84, %add3A_189 : i32
        %add3A_191 = arith.constant 4 : i32
        %add3A_192 = arith.addi %add3A_190, %add3A_191 : i32
        %mul3A_193 = arith.constant 64 : i32
        %mul3A_194 = arith.muli %add3A_192, %mul3A_193 : i32
        %dma_start3A_195 = tpu.memref_slice %arg7[%mul3A_194] : memref<10000xi32, #tpu.memory_space<vmem>> -> memref<64xi32, #tpu.memory_space<vmem>>
        %dma_start3A_196 = arith.constant 0 : i32
        %dma_start3A_197 = arith.constant 0 : i32
        %dma_start3A_198 = tpu.memref_slice %arg2[%dma_start3A_196, %dma_start3A_197] : memref<10000x128xf32, #tpu.memory_space<hbm>> -> memref<10000x128xf32, #tpu.memory_space<hbm>>
        tpu.enqueue_indirect_dma source(%dma_start3A_198 : memref<10000x128xf32, #tpu.memory_space<hbm>>) target(%arg11 : memref<64x128xf32, #tpu.memory_space<vmem>>) offsets(%dma_start3A_195 : memref<64xi32, #tpu.memory_space<vmem>>) semaphore(%arg20 : memref<!tpu.dma_semaphore, #tpu.memory_space<semaphore_mem>>)
      } else {
      }
    }
    %scan3A_75 = arith.constant 39 : i32
    %barrier3A_76 = arith.constant 0 : index
    tpu.barrier barrier_id(%barrier3A_76)
    "tpu.region"() ({
      %run_scoped3A = tpu.sem_alloc : memref<!tpu.dma_semaphore, #tpu.memory_space<semaphore_mem>>
      %dma_start3A_82 = arith.constant 0 : i32
      %dma_start3A_83 = tpu.memref_slice %arg6[%arg0, %mul3A_2, %dma_start3A_82] : memref<2x10000x128xf32, #tpu.memory_space<hbm>> -> memref<1x624x128xf32, #tpu.memory_space<hbm>>
      %dma_start3A_84 = tpu.memref_squeeze %dma_start3A_83 : memref<1x624x128xf32, #tpu.memory_space<hbm>> -> memref<624x128xf32, #tpu.memory_space<hbm>>
      %dma_start3A_85 = arith.constant 0 : i32
      %dma_start3A_86 = tpu.memref_slice %arg16[%mul3A_2, %dma_start3A_85] : memref<10000x128xf32, #tpu.memory_space<vmem_shared>> -> memref<624x128xf32, #tpu.memory_space<vmem_shared>>
      tpu.enqueue_dma source(%dma_start3A_86 : memref<624x128xf32, #tpu.memory_space<vmem_shared>>) target(%dma_start3A_84 : memref<624x128xf32, #tpu.memory_space<hbm>>) target_semaphore(%run_scoped3A : memref<!tpu.dma_semaphore, #tpu.memory_space<semaphore_mem>>)
      %dma_wait3A_87 = arith.constant 0 : i32
      %dma_wait3A_88 = tpu.memref_slice %arg6[%arg0, %mul3A_2, %dma_wait3A_87] : memref<2x10000x128xf32, #tpu.memory_space<hbm>> -> memref<1x624x128xf32, #tpu.memory_space<hbm>>
      %dma_wait3A_89 = tpu.memref_squeeze %dma_wait3A_88 : memref<1x624x128xf32, #tpu.memory_space<hbm>> -> memref<624x128xf32, #tpu.memory_space<hbm>>
      %dma_wait3A_90 = arith.constant 0 : i32
      %dma_wait3A_91 = tpu.memref_slice %arg16[%mul3A_2, %dma_wait3A_90] : memref<10000x128xf32, #tpu.memory_space<vmem_shared>> -> memref<624x128xf32, #tpu.memory_space<vmem_shared>>
      tpu.wait_dma2 semaphore(%run_scoped3A : memref<!tpu.dma_semaphore, #tpu.memory_space<semaphore_mem>>) src(%dma_wait3A_91 : memref<624x128xf32, #tpu.memory_space<vmem_shared>>) dst(%dma_wait3A_89 : memref<624x128xf32, #tpu.memory_space<hbm>>)
      tpu.yield
    }) : () -> ()
    %eq3A_77 = arith.constant 15 : i32
    %eq3A_78 = arith.cmpi eq, %arg1, %eq3A_77 : i32
    %convert_element_type3A_79 = arith.extui %eq3A_78 : i1 to i32
    %cond3A_80 = arith.constant 0 : i32
    %cond3A_81 = arith.cmpi ne, %convert_element_type3A_79, %cond3A_80 : i32
    scf.if %cond3A_81 {
      "tpu.region"() ({
        %run_scoped3A = tpu.sem_alloc : memref<!tpu.dma_semaphore, #tpu.memory_space<semaphore_mem>>
        %dma_start3A_82 = arith.constant 9984 : i32
        %dma_start3A_83 = arith.constant 0 : i32
        %dma_start3A_84 = tpu.memref_slice %arg6[%arg0, %dma_start3A_82, %dma_start3A_83] : memref<2x10000x128xf32, #tpu.memory_space<hbm>> -> memref<1x16x128xf32, #tpu.memory_space<hbm>>
        %dma_start3A_85 = tpu.memref_squeeze %dma_start3A_84 : memref<1x16x128xf32, #tpu.memory_space<hbm>> -> memref<16x128xf32, #tpu.memory_space<hbm>>
        %dma_start3A_86 = arith.constant 9984 : i32
        %dma_start3A_87 = arith.constant 0 : i32
        %dma_start3A_88 = tpu.memref_slice %arg16[%dma_start3A_86, %dma_start3A_87] : memref<10000x128xf32, #tpu.memory_space<vmem_shared>> -> memref<16x128xf32, #tpu.memory_space<vmem_shared>>
        tpu.enqueue_dma source(%dma_start3A_88 : memref<16x128xf32, #tpu.memory_space<vmem_shared>>) target(%dma_start3A_85 : memref<16x128xf32, #tpu.memory_space<hbm>>) target_semaphore(%run_scoped3A : memref<!tpu.dma_semaphore, #tpu.memory_space<semaphore_mem>>)
        %dma_wait3A_89 = arith.constant 9984 : i32
        %dma_wait3A_90 = arith.constant 0 : i32
        %dma_wait3A_91 = tpu.memref_slice %arg6[%arg0, %dma_wait3A_89, %dma_wait3A_90] : memref<2x10000x128xf32, #tpu.memory_space<hbm>> -> memref<1x16x128xf32, #tpu.memory_space<hbm>>
        %dma_wait3A_92 = tpu.memref_squeeze %dma_wait3A_91 : memref<1x16x128xf32, #tpu.memory_space<hbm>> -> memref<16x128xf32, #tpu.memory_space<hbm>>
        %dma_wait3A_93 = arith.constant 9984 : i32
        %dma_wait3A_94 = arith.constant 0 : i32
        %dma_wait3A_95 = tpu.memref_slice %arg16[%dma_wait3A_93, %dma_wait3A_94] : memref<10000x128xf32, #tpu.memory_space<vmem_shared>> -> memref<16x128xf32, #tpu.memory_space<vmem_shared>>
        tpu.wait_dma2 semaphore(%run_scoped3A : memref<!tpu.dma_semaphore, #tpu.memory_space<semaphore_mem>>) src(%dma_wait3A_95 : memref<16x128xf32, #tpu.memory_space<vmem_shared>>) dst(%dma_wait3A_92 : memref<16x128xf32, #tpu.memory_space<hbm>>)
        tpu.yield
      }) : () -> ()
    } else {
    }
    return
  }
}

#map = affine_map<(d0, d1) -> (0, 0)>
#map1 = affine_map<(d0, d1) -> (0)>
#map2 = affine_map<(d0, d1) -> (0, 0, 0)>
module attributes {stable_mosaic.version = 14 : i64} {
  func.func @_segsum_sc(%arg0: i32, %arg1: i32, %arg2: memref<10000x128xf32, #tpu.memory_space<hbm>>, %arg3: memref<320000xi32, #tpu.memory_space<hbm>>, %arg4: memref<320000xi32, #tpu.memory_space<hbm>>, %arg5: memref<10000x128xf32, #tpu.memory_space<hbm>>, %arg6: memref<2x10000x128xf32, #tpu.memory_space<hbm>>, %arg7: memref<10000xi32, #tpu.memory_space<vmem>>, %arg8: memref<64x128xf32, #tpu.memory_space<vmem>>, %arg9: memref<64x128xf32, #tpu.memory_space<vmem>>, %arg10: memref<64x128xf32, #tpu.memory_space<vmem>>, %arg11: memref<64x128xf32, #tpu.memory_space<vmem>>, %arg12: memref<64xi32, #tpu.memory_space<vmem>>, %arg13: memref<64xi32, #tpu.memory_space<vmem>>, %arg14: memref<64xi32, #tpu.memory_space<vmem>>, %arg15: memref<64xi32, #tpu.memory_space<vmem>>, %arg16: memref<10000x128xf32, #tpu.memory_space<vmem_shared>>, %arg17: memref<!tpu.dma_semaphore, #tpu.memory_space<semaphore_mem>>, %arg18: memref<!tpu.dma_semaphore, #tpu.memory_space<semaphore_mem>>, %arg19: memref<!tpu.dma_semaphore, #tpu.memory_space<semaphore_mem>>, %arg20: memref<!tpu.dma_semaphore, #tpu.memory_space<semaphore_mem>>, %arg21: memref<!tpu.dma_semaphore, #tpu.memory_space<semaphore_mem>>, %arg22: memref<!tpu.dma_semaphore, #tpu.memory_space<semaphore_mem>>, %arg23: memref<!tpu.dma_semaphore, #tpu.memory_space<semaphore_mem>>, %arg24: memref<!tpu.dma_semaphore, #tpu.memory_space<semaphore_mem>>) attributes {dimension_semantics = [#tpu.dimension_semantics<core_parallel>, #tpu.dimension_semantics<subcore_parallel>], iteration_bounds = array<i64: 2, 16>, scalar_prefetch = 0 : i64, scratch_operands = 18 : i64, tpu.core_type = #tpu.core_type<sc_vector_subcore>, window_params = [{transform_indices = #map}, {transform_indices = #map1}, {transform_indices = #map1}, {transform_indices = #map}, {transform_indices = #map2}]} {
    %mul3A = arith.constant 2 : i32
    %mul3A_0 = arith.muli %arg1, %mul3A : i32
    %add3A = arith.addi %mul3A_0, %arg0 : i32
    %mul3A_1 = arith.constant 624 : i32
    %mul3A_2 = arith.muli %arg1, %mul3A_1 : i32
    %mul3A_3 = arith.constant 10000 : i32
    %mul3A_4 = arith.muli %add3A, %mul3A_3 : i32
    %dma_start3A = arith.constant 0 : i32
    %dma_start3A_5 = tpu.memref_slice %arg16[%mul3A_2, %dma_start3A] : memref<10000x128xf32, #tpu.memory_space<vmem_shared>> -> memref<624x128xf32, #tpu.memory_space<vmem_shared>>
    %dma_start3A_6 = arith.constant 0 : i32
    %dma_start3A_7 = tpu.memref_slice %arg5[%mul3A_2, %dma_start3A_6] : memref<10000x128xf32, #tpu.memory_space<hbm>> -> memref<624x128xf32, #tpu.memory_space<hbm>>
    tpu.enqueue_dma source(%dma_start3A_7 : memref<624x128xf32, #tpu.memory_space<hbm>>) target(%dma_start3A_5 : memref<624x128xf32, #tpu.memory_space<vmem_shared>>) target_semaphore(%arg17 : memref<!tpu.dma_semaphore, #tpu.memory_space<semaphore_mem>>)
    %dma_start3A_8 = tpu.memref_slice %arg3[%mul3A_4] : memref<320000xi32, #tpu.memory_space<hbm>> -> memref<10000xi32, #tpu.memory_space<hbm>>
    %dma_start3A_9 = tpu.memref_slice %arg3[%mul3A_4] : memref<320000xi32, #tpu.memory_space<hbm>> -> memref<10000xi32, #tpu.memory_space<hbm>>
    tpu.enqueue_dma source(%dma_start3A_9 : memref<10000xi32, #tpu.memory_space<hbm>>) target(%arg7 : memref<10000xi32, #tpu.memory_space<vmem>>) target_semaphore(%arg18 : memref<!tpu.dma_semaphore, #tpu.memory_space<semaphore_mem>>)
    %eq3A = arith.constant 15 : i32
    %eq3A_10 = arith.cmpi eq, %arg1, %eq3A : i32
    %convert_element_type3A = arith.extui %eq3A_10 : i1 to i32
    %cond3A = arith.constant 0 : i32
    %cond3A_11 = arith.cmpi ne, %convert_element_type3A, %cond3A : i32
    scf.if %cond3A_11 {
      %dma_start3A_82 = arith.constant 9984 : i32
      %dma_start3A_83 = arith.constant 0 : i32
      %dma_start3A_84 = tpu.memref_slice %arg16[%dma_start3A_82, %dma_start3A_83] : memref<10000x128xf32, #tpu.memory_space<vmem_shared>> -> memref<16x128xf32, #tpu.memory_space<vmem_shared>>
      %dma_start3A_85 = arith.constant 9984 : i32
      %dma_start3A_86 = arith.constant 0 : i32
      %dma_start3A_87 = tpu.memref_slice %arg5[%dma_start3A_85, %dma_start3A_86] : memref<10000x128xf32, #tpu.memory_space<hbm>> -> memref<16x128xf32, #tpu.memory_space<hbm>>
      tpu.enqueue_dma source(%dma_start3A_87 : memref<16x128xf32, #tpu.memory_space<hbm>>) target(%dma_start3A_84 : memref<16x128xf32, #tpu.memory_space<vmem_shared>>) target_semaphore(%arg19 : memref<!tpu.dma_semaphore, #tpu.memory_space<semaphore_mem>>)
      %dma_wait3A_88 = arith.constant 9984 : i32
      %dma_wait3A_89 = arith.constant 0 : i32
      %dma_wait3A_90 = tpu.memref_slice %arg16[%dma_wait3A_88, %dma_wait3A_89] : memref<10000x128xf32, #tpu.memory_space<vmem_shared>> -> memref<16x128xf32, #tpu.memory_space<vmem_shared>>
      %dma_wait3A_91 = arith.constant 9984 : i32
      %dma_wait3A_92 = arith.constant 0 : i32
      %dma_wait3A_93 = tpu.memref_slice %arg5[%dma_wait3A_91, %dma_wait3A_92] : memref<10000x128xf32, #tpu.memory_space<hbm>> -> memref<16x128xf32, #tpu.memory_space<hbm>>
      tpu.wait_dma2 semaphore(%arg19 : memref<!tpu.dma_semaphore, #tpu.memory_space<semaphore_mem>>) src(%dma_wait3A_93 : memref<16x128xf32, #tpu.memory_space<hbm>>) dst(%dma_wait3A_90 : memref<16x128xf32, #tpu.memory_space<vmem_shared>>)
    } else {
    }
    %dma_wait3A = arith.constant 0 : i32
    %dma_wait3A_12 = tpu.memref_slice %arg16[%mul3A_2, %dma_wait3A] : memref<10000x128xf32, #tpu.memory_space<vmem_shared>> -> memref<624x128xf32, #tpu.memory_space<vmem_shared>>
    %dma_wait3A_13 = arith.constant 0 : i32
    %dma_wait3A_14 = tpu.memref_slice %arg5[%mul3A_2, %dma_wait3A_13] : memref<10000x128xf32, #tpu.memory_space<hbm>> -> memref<624x128xf32, #tpu.memory_space<hbm>>
    tpu.wait_dma2 semaphore(%arg17 : memref<!tpu.dma_semaphore, #tpu.memory_space<semaphore_mem>>) src(%dma_wait3A_14 : memref<624x128xf32, #tpu.memory_space<hbm>>) dst(%dma_wait3A_12 : memref<624x128xf32, #tpu.memory_space<vmem_shared>>)
    %dma_wait3A_15 = tpu.memref_slice %arg3[%mul3A_4] : memref<320000xi32, #tpu.memory_space<hbm>> -> memref<10000xi32, #tpu.memory_space<hbm>>
    %dma_wait3A_16 = tpu.memref_slice %arg3[%mul3A_4] : memref<320000xi32, #tpu.memory_space<hbm>> -> memref<10000xi32, #tpu.memory_space<hbm>>
    tpu.wait_dma2 semaphore(%arg18 : memref<!tpu.dma_semaphore, #tpu.memory_space<semaphore_mem>>) src(%dma_wait3A_16 : memref<10000xi32, #tpu.memory_space<hbm>>) dst(%arg7 : memref<10000xi32, #tpu.memory_space<vmem>>)
    %barrier3A = arith.constant 0 : index
    tpu.barrier barrier_id(%barrier3A)
    %add3A_17 = arith.constant 9984 : i32
    %add3A_18 = arith.addi %mul3A_4, %add3A_17 : i32
    "tpu.region"() ({
      %run_scoped3A = tpu.sem_alloc : memref<!tpu.dma_semaphore, #tpu.memory_space<semaphore_mem>>
      %dma_start3A_82 = arith.constant 0 : i32
      %dma_start3A_83 = tpu.memref_slice %arg12[%dma_start3A_82] : memref<64xi32, #tpu.memory_space<vmem>> -> memref<16xi32, #tpu.memory_space<vmem>>
      %dma_start3A_84 = tpu.memref_slice %arg4[%add3A_18] : memref<320000xi32, #tpu.memory_space<hbm>> -> memref<16xi32, #tpu.memory_space<hbm>>
      %dma_start3A_85 = arith.constant 0 : i32
      %dma_start3A_86 = tpu.memref_slice %arg12[%dma_start3A_85] : memref<64xi32, #tpu.memory_space<vmem>> -> memref<16xi32, #tpu.memory_space<vmem>>
      %dma_start3A_87 = tpu.memref_slice %arg4[%add3A_18] : memref<320000xi32, #tpu.memory_space<hbm>> -> memref<16xi32, #tpu.memory_space<hbm>>
      tpu.enqueue_dma source(%dma_start3A_87 : memref<16xi32, #tpu.memory_space<hbm>>) target(%dma_start3A_86 : memref<16xi32, #tpu.memory_space<vmem>>) target_semaphore(%run_scoped3A : memref<!tpu.dma_semaphore, #tpu.memory_space<semaphore_mem>>)
      %dma_wait3A_88 = arith.constant 0 : i32
      %dma_wait3A_89 = tpu.memref_slice %arg12[%dma_wait3A_88] : memref<64xi32, #tpu.memory_space<vmem>> -> memref<16xi32, #tpu.memory_space<vmem>>
      %dma_wait3A_90 = tpu.memref_slice %arg4[%add3A_18] : memref<320000xi32, #tpu.memory_space<hbm>> -> memref<16xi32, #tpu.memory_space<hbm>>
      %dma_wait3A_91 = arith.constant 0 : i32
      %dma_wait3A_92 = tpu.memref_slice %arg12[%dma_wait3A_91] : memref<64xi32, #tpu.memory_space<vmem>> -> memref<16xi32, #tpu.memory_space<vmem>>
      %dma_wait3A_93 = tpu.memref_slice %arg4[%add3A_18] : memref<320000xi32, #tpu.memory_space<hbm>> -> memref<16xi32, #tpu.memory_space<hbm>>
      tpu.wait_dma2 semaphore(%run_scoped3A : memref<!tpu.dma_semaphore, #tpu.memory_space<semaphore_mem>>) src(%dma_wait3A_93 : memref<16xi32, #tpu.memory_space<hbm>>) dst(%dma_wait3A_92 : memref<16xi32, #tpu.memory_space<vmem>>)
      tpu.yield
    }) : () -> ()
    %dma_start3A_19 = arith.constant 0 : i32
    %dma_start3A_20 = arith.constant 0 : i32
    %dma_start3A_21 = tpu.memref_slice %arg8[%dma_start3A_19, %dma_start3A_20] : memref<64x128xf32, #tpu.memory_space<vmem>> -> memref<16x128xf32, #tpu.memory_space<vmem>>
    %dma_start3A_22 = arith.constant 9984 : i32
    %dma_start3A_23 = tpu.memref_slice %arg7[%dma_start3A_22] : memref<10000xi32, #tpu.memory_space<vmem>> -> memref<16xi32, #tpu.memory_space<vmem>>
    %dma_start3A_24 = arith.constant 0 : i32
    %dma_start3A_25 = arith.constant 0 : i32
    %dma_start3A_26 = tpu.memref_slice %arg2[%dma_start3A_24, %dma_start3A_25] : memref<10000x128xf32, #tpu.memory_space<hbm>> -> memref<10000x128xf32, #tpu.memory_space<hbm>>
    tpu.enqueue_indirect_dma source(%dma_start3A_26 : memref<10000x128xf32, #tpu.memory_space<hbm>>) target(%dma_start3A_21 : memref<16x128xf32, #tpu.memory_space<vmem>>) offsets(%dma_start3A_23 : memref<16xi32, #tpu.memory_space<vmem>>) semaphore(%arg17 : memref<!tpu.dma_semaphore, #tpu.memory_space<semaphore_mem>>)
    %dma_wait3A_27 = arith.constant 0 : i32
    %dma_wait3A_28 = arith.constant 0 : i32
    %dma_wait3A_29 = tpu.memref_slice %arg8[%dma_wait3A_27, %dma_wait3A_28] : memref<64x128xf32, #tpu.memory_space<vmem>> -> memref<16x128xf32, #tpu.memory_space<vmem>>
    %dma_wait3A_30 = arith.constant 9984 : i32
    %dma_wait3A_31 = tpu.memref_slice %arg7[%dma_wait3A_30] : memref<10000xi32, #tpu.memory_space<vmem>> -> memref<16xi32, #tpu.memory_space<vmem>>
    %dma_wait3A_32 = arith.constant 0 : i32
    %dma_wait3A_33 = arith.constant 0 : i32
    %dma_wait3A_34 = tpu.memref_slice %arg2[%dma_wait3A_32, %dma_wait3A_33] : memref<10000x128xf32, #tpu.memory_space<hbm>> -> memref<10000x128xf32, #tpu.memory_space<hbm>>
    tpu.wait_indirect_dma semaphore(%arg17 : memref<!tpu.dma_semaphore, #tpu.memory_space<semaphore_mem>>) src(%dma_wait3A_34 : memref<10000x128xf32, #tpu.memory_space<hbm>>) dst(%dma_wait3A_29 : memref<16x128xf32, #tpu.memory_space<vmem>>)
    "tpu.region"() ({
      %run_scoped3A = tpu.sem_alloc : memref<!tpu.dma_semaphore, #tpu.memory_space<semaphore_mem>>
      %dma_start3A_82 = arith.constant 0 : i32
      %dma_start3A_83 = arith.constant 0 : i32
      %dma_start3A_84 = tpu.memref_slice %arg8[%dma_start3A_82, %dma_start3A_83] : memref<64x128xf32, #tpu.memory_space<vmem>> -> memref<16x128xf32, #tpu.memory_space<vmem>>
      %dma_start3A_85 = arith.constant 0 : i32
      %dma_start3A_86 = tpu.memref_slice %arg12[%dma_start3A_85] : memref<64xi32, #tpu.memory_space<vmem>> -> memref<16xi32, #tpu.memory_space<vmem>>
      %dma_start3A_87 = arith.constant 0 : i32
      %dma_start3A_88 = arith.constant 0 : i32
      %dma_start3A_89 = tpu.memref_slice %arg16[%dma_start3A_87, %dma_start3A_88] : memref<10000x128xf32, #tpu.memory_space<vmem_shared>> -> memref<10000x128xf32, #tpu.memory_space<vmem_shared>>
      tpu.enqueue_indirect_dma source(%dma_start3A_84 : memref<16x128xf32, #tpu.memory_space<vmem>>) target(%dma_start3A_89 : memref<10000x128xf32, #tpu.memory_space<vmem_shared>>) offsets(%dma_start3A_86 : memref<16xi32, #tpu.memory_space<vmem>>) semaphore(%run_scoped3A : memref<!tpu.dma_semaphore, #tpu.memory_space<semaphore_mem>>) {add = true}
      %dma_wait3A_90 = arith.constant 0 : i32
      %dma_wait3A_91 = arith.constant 0 : i32
      %dma_wait3A_92 = tpu.memref_slice %arg8[%dma_wait3A_90, %dma_wait3A_91] : memref<64x128xf32, #tpu.memory_space<vmem>> -> memref<16x128xf32, #tpu.memory_space<vmem>>
      %dma_wait3A_93 = arith.constant 0 : i32
      %dma_wait3A_94 = tpu.memref_slice %arg12[%dma_wait3A_93] : memref<64xi32, #tpu.memory_space<vmem>> -> memref<16xi32, #tpu.memory_space<vmem>>
      %dma_wait3A_95 = arith.constant 0 : i32
      %dma_wait3A_96 = arith.constant 0 : i32
      %dma_wait3A_97 = tpu.memref_slice %arg16[%dma_wait3A_95, %dma_wait3A_96] : memref<10000x128xf32, #tpu.memory_space<vmem_shared>> -> memref<10000x128xf32, #tpu.memory_space<vmem_shared>>
      tpu.wait_indirect_dma semaphore(%run_scoped3A : memref<!tpu.dma_semaphore, #tpu.memory_space<semaphore_mem>>) src(%dma_wait3A_92 : memref<16x128xf32, #tpu.memory_space<vmem>>) dst(%dma_wait3A_97 : memref<10000x128xf32, #tpu.memory_space<vmem_shared>>)
      tpu.yield
    }) : () -> ()
    %add3A_35 = arith.constant 0 : i32
    %add3A_36 = arith.addi %mul3A_4, %add3A_35 : i32
    %dma_start3A_37 = tpu.memref_slice %arg4[%add3A_36] : memref<320000xi32, #tpu.memory_space<hbm>> -> memref<64xi32, #tpu.memory_space<hbm>>
    %dma_start3A_38 = tpu.memref_slice %arg4[%add3A_36] : memref<320000xi32, #tpu.memory_space<hbm>> -> memref<64xi32, #tpu.memory_space<hbm>>
    tpu.enqueue_dma source(%dma_start3A_38 : memref<64xi32, #tpu.memory_space<hbm>>) target(%arg12 : memref<64xi32, #tpu.memory_space<vmem>>) target_semaphore(%arg21 : memref<!tpu.dma_semaphore, #tpu.memory_space<semaphore_mem>>)
    %dma_start3A_39 = arith.constant 0 : i32
    %dma_start3A_40 = tpu.memref_slice %arg7[%dma_start3A_39] : memref<10000xi32, #tpu.memory_space<vmem>> -> memref<64xi32, #tpu.memory_space<vmem>>
    %dma_start3A_41 = arith.constant 0 : i32
    %dma_start3A_42 = arith.constant 0 : i32
    %dma_start3A_43 = tpu.memref_slice %arg2[%dma_start3A_41, %dma_start3A_42] : memref<10000x128xf32, #tpu.memory_space<hbm>> -> memref<10000x128xf32, #tpu.memory_space<hbm>>
    tpu.enqueue_indirect_dma source(%dma_start3A_43 : memref<10000x128xf32, #tpu.memory_space<hbm>>) target(%arg8 : memref<64x128xf32, #tpu.memory_space<vmem>>) offsets(%dma_start3A_40 : memref<64xi32, #tpu.memory_space<vmem>>) semaphore(%arg17 : memref<!tpu.dma_semaphore, #tpu.memory_space<semaphore_mem>>)
    %add3A_44 = arith.constant 64 : i32
    %add3A_45 = arith.addi %mul3A_4, %add3A_44 : i32
    %dma_start3A_46 = tpu.memref_slice %arg4[%add3A_45] : memref<320000xi32, #tpu.memory_space<hbm>> -> memref<64xi32, #tpu.memory_space<hbm>>
    %dma_start3A_47 = tpu.memref_slice %arg4[%add3A_45] : memref<320000xi32, #tpu.memory_space<hbm>> -> memref<64xi32, #tpu.memory_space<hbm>>
    tpu.enqueue_dma source(%dma_start3A_47 : memref<64xi32, #tpu.memory_space<hbm>>) target(%arg13 : memref<64xi32, #tpu.memory_space<vmem>>) target_semaphore(%arg22 : memref<!tpu.dma_semaphore, #tpu.memory_space<semaphore_mem>>)
    %dma_start3A_48 = arith.constant 64 : i32
    %dma_start3A_49 = tpu.memref_slice %arg7[%dma_start3A_48] : memref<10000xi32, #tpu.memory_space<vmem>> -> memref<64xi32, #tpu.memory_space<vmem>>
    %dma_start3A_50 = arith.constant 0 : i32
    %dma_start3A_51 = arith.constant 0 : i32
    %dma_start3A_52 = tpu.memref_slice %arg2[%dma_start3A_50, %dma_start3A_51] : memref<10000x128xf32, #tpu.memory_space<hbm>> -> memref<10000x128xf32, #tpu.memory_space<hbm>>
    tpu.enqueue_indirect_dma source(%dma_start3A_52 : memref<10000x128xf32, #tpu.memory_space<hbm>>) target(%arg9 : memref<64x128xf32, #tpu.memory_space<vmem>>) offsets(%dma_start3A_49 : memref<64xi32, #tpu.memory_space<vmem>>) semaphore(%arg18 : memref<!tpu.dma_semaphore, #tpu.memory_space<semaphore_mem>>)
    %add3A_53 = arith.constant 128 : i32
    %add3A_54 = arith.addi %mul3A_4, %add3A_53 : i32
    %dma_start3A_55 = tpu.memref_slice %arg4[%add3A_54] : memref<320000xi32, #tpu.memory_space<hbm>> -> memref<64xi32, #tpu.memory_space<hbm>>
    %dma_start3A_56 = tpu.memref_slice %arg4[%add3A_54] : memref<320000xi32, #tpu.memory_space<hbm>> -> memref<64xi32, #tpu.memory_space<hbm>>
    tpu.enqueue_dma source(%dma_start3A_56 : memref<64xi32, #tpu.memory_space<hbm>>) target(%arg14 : memref<64xi32, #tpu.memory_space<vmem>>) target_semaphore(%arg23 : memref<!tpu.dma_semaphore, #tpu.memory_space<semaphore_mem>>)
    %dma_start3A_57 = arith.constant 128 : i32
    %dma_start3A_58 = tpu.memref_slice %arg7[%dma_start3A_57] : memref<10000xi32, #tpu.memory_space<vmem>> -> memref<64xi32, #tpu.memory_space<vmem>>
    %dma_start3A_59 = arith.constant 0 : i32
    %dma_start3A_60 = arith.constant 0 : i32
    %dma_start3A_61 = tpu.memref_slice %arg2[%dma_start3A_59, %dma_start3A_60] : memref<10000x128xf32, #tpu.memory_space<hbm>> -> memref<10000x128xf32, #tpu.memory_space<hbm>>
    tpu.enqueue_indirect_dma source(%dma_start3A_61 : memref<10000x128xf32, #tpu.memory_space<hbm>>) target(%arg10 : memref<64x128xf32, #tpu.memory_space<vmem>>) offsets(%dma_start3A_58 : memref<64xi32, #tpu.memory_space<vmem>>) semaphore(%arg19 : memref<!tpu.dma_semaphore, #tpu.memory_space<semaphore_mem>>)
    %add3A_62 = arith.constant 192 : i32
    %add3A_63 = arith.addi %mul3A_4, %add3A_62 : i32
    %dma_start3A_64 = tpu.memref_slice %arg4[%add3A_63] : memref<320000xi32, #tpu.memory_space<hbm>> -> memref<64xi32, #tpu.memory_space<hbm>>
    %dma_start3A_65 = tpu.memref_slice %arg4[%add3A_63] : memref<320000xi32, #tpu.memory_space<hbm>> -> memref<64xi32, #tpu.memory_space<hbm>>
    tpu.enqueue_dma source(%dma_start3A_65 : memref<64xi32, #tpu.memory_space<hbm>>) target(%arg15 : memref<64xi32, #tpu.memory_space<vmem>>) target_semaphore(%arg24 : memref<!tpu.dma_semaphore, #tpu.memory_space<semaphore_mem>>)
    %dma_start3A_66 = arith.constant 192 : i32
    %dma_start3A_67 = tpu.memref_slice %arg7[%dma_start3A_66] : memref<10000xi32, #tpu.memory_space<vmem>> -> memref<64xi32, #tpu.memory_space<vmem>>
    %dma_start3A_68 = arith.constant 0 : i32
    %dma_start3A_69 = arith.constant 0 : i32
    %dma_start3A_70 = tpu.memref_slice %arg2[%dma_start3A_68, %dma_start3A_69] : memref<10000x128xf32, #tpu.memory_space<hbm>> -> memref<10000x128xf32, #tpu.memory_space<hbm>>
    tpu.enqueue_indirect_dma source(%dma_start3A_70 : memref<10000x128xf32, #tpu.memory_space<hbm>>) target(%arg11 : memref<64x128xf32, #tpu.memory_space<vmem>>) offsets(%dma_start3A_67 : memref<64xi32, #tpu.memory_space<vmem>>) semaphore(%arg20 : memref<!tpu.dma_semaphore, #tpu.memory_space<semaphore_mem>>)
    %scan3A = arith.constant 0 : i32
    %scan3A_71 = arith.constant 0 : i32
    %scan3A_72 = arith.constant 39 : i32
    %scan3A_73 = arith.addi %scan3A_71, %scan3A_72 : i32
    %scan3A_74 = arith.constant 1 : i32
    scf.for %scan3A_82 = %scan3A_71 to %scan3A_73 step %scan3A_74  : i32 {
      %mul3A_83 = arith.constant 4 : i32
      %mul3A_84 = arith.muli %mul3A_83, %scan3A_82 : i32
      %add3A_85 = arith.constant 0 : i32
      %add3A_86 = arith.addi %mul3A_84, %add3A_85 : i32
      %mul3A_87 = arith.constant 64 : i32
      %mul3A_88 = arith.muli %add3A_86, %mul3A_87 : i32
      %dma_wait3A_89 = tpu.memref_slice %arg7[%mul3A_88] : memref<10000xi32, #tpu.memory_space<vmem>> -> memref<64xi32, #tpu.memory_space<vmem>>
      %dma_wait3A_90 = arith.constant 0 : i32
      %dma_wait3A_91 = arith.constant 0 : i32
      %dma_wait3A_92 = tpu.memref_slice %arg2[%dma_wait3A_90, %dma_wait3A_91] : memref<10000x128xf32, #tpu.memory_space<hbm>> -> memref<10000x128xf32, #tpu.memory_space<hbm>>
      tpu.wait_indirect_dma semaphore(%arg17 : memref<!tpu.dma_semaphore, #tpu.memory_space<semaphore_mem>>) src(%dma_wait3A_92 : memref<10000x128xf32, #tpu.memory_space<hbm>>) dst(%arg8 : memref<64x128xf32, #tpu.memory_space<vmem>>)
      %add3A_93 = arith.constant 0 : i32
      %add3A_94 = arith.addi %mul3A_84, %add3A_93 : i32
      %mul3A_95 = arith.constant 64 : i32
      %mul3A_96 = arith.muli %add3A_94, %mul3A_95 : i32
      %add3A_97 = arith.addi %mul3A_4, %mul3A_96 : i32
      %dma_wait3A_98 = tpu.memref_slice %arg4[%add3A_97] : memref<320000xi32, #tpu.memory_space<hbm>> -> memref<64xi32, #tpu.memory_space<hbm>>
      %dma_wait3A_99 = tpu.memref_slice %arg4[%add3A_97] : memref<320000xi32, #tpu.memory_space<hbm>> -> memref<64xi32, #tpu.memory_space<hbm>>
      tpu.wait_dma2 semaphore(%arg21 : memref<!tpu.dma_semaphore, #tpu.memory_space<semaphore_mem>>) src(%dma_wait3A_99 : memref<64xi32, #tpu.memory_space<hbm>>) dst(%arg12 : memref<64xi32, #tpu.memory_space<vmem>>)
      "tpu.region"() ({
        %run_scoped3A = tpu.sem_alloc : memref<!tpu.dma_semaphore, #tpu.memory_space<semaphore_mem>>
        %dma_start3A_180 = arith.constant 0 : i32
        %dma_start3A_181 = arith.constant 0 : i32
        %dma_start3A_182 = tpu.memref_slice %arg16[%dma_start3A_180, %dma_start3A_181] : memref<10000x128xf32, #tpu.memory_space<vmem_shared>> -> memref<10000x128xf32, #tpu.memory_space<vmem_shared>>
        tpu.enqueue_indirect_dma source(%arg8 : memref<64x128xf32, #tpu.memory_space<vmem>>) target(%dma_start3A_182 : memref<10000x128xf32, #tpu.memory_space<vmem_shared>>) offsets(%arg12 : memref<64xi32, #tpu.memory_space<vmem>>) semaphore(%run_scoped3A : memref<!tpu.dma_semaphore, #tpu.memory_space<semaphore_mem>>) {add = true}
        %dma_wait3A_183 = arith.constant 0 : i32
        %dma_wait3A_184 = arith.constant 0 : i32
        %dma_wait3A_185 = tpu.memref_slice %arg16[%dma_wait3A_183, %dma_wait3A_184] : memref<10000x128xf32, #tpu.memory_space<vmem_shared>> -> memref<10000x128xf32, #tpu.memory_space<vmem_shared>>
        tpu.wait_indirect_dma semaphore(%run_scoped3A : memref<!tpu.dma_semaphore, #tpu.memory_space<semaphore_mem>>) src(%arg8 : memref<64x128xf32, #tpu.memory_space<vmem>>) dst(%dma_wait3A_185 : memref<10000x128xf32, #tpu.memory_space<vmem_shared>>)
        tpu.yield
      }) : () -> ()
      %add3A_100 = arith.constant 0 : i32
      %add3A_101 = arith.addi %mul3A_84, %add3A_100 : i32
      %add3A_102 = arith.constant 4 : i32
      %add3A_103 = arith.addi %add3A_101, %add3A_102 : i32
      %lt3A = arith.constant 156 : i32
      %lt3A_104 = arith.cmpi slt, %add3A_103, %lt3A : i32
      %convert_element_type3A_105 = arith.extui %lt3A_104 : i1 to i32
      %cond3A_106 = arith.constant 0 : i32
      %cond3A_107 = arith.cmpi ne, %convert_element_type3A_105, %cond3A_106 : i32
      scf.if %cond3A_107 {
        %add3A_180 = arith.constant 0 : i32
        %add3A_181 = arith.addi %mul3A_84, %add3A_180 : i32
        %add3A_182 = arith.constant 4 : i32
        %add3A_183 = arith.addi %add3A_181, %add3A_182 : i32
        %mul3A_184 = arith.constant 64 : i32
        %mul3A_185 = arith.muli %add3A_183, %mul3A_184 : i32
        %add3A_186 = arith.addi %mul3A_4, %mul3A_185 : i32
        %dma_start3A_187 = tpu.memref_slice %arg4[%add3A_186] : memref<320000xi32, #tpu.memory_space<hbm>> -> memref<64xi32, #tpu.memory_space<hbm>>
        %dma_start3A_188 = tpu.memref_slice %arg4[%add3A_186] : memref<320000xi32, #tpu.memory_space<hbm>> -> memref<64xi32, #tpu.memory_space<hbm>>
        tpu.enqueue_dma source(%dma_start3A_188 : memref<64xi32, #tpu.memory_space<hbm>>) target(%arg12 : memref<64xi32, #tpu.memory_space<vmem>>) target_semaphore(%arg21 : memref<!tpu.dma_semaphore, #tpu.memory_space<semaphore_mem>>)
        %add3A_189 = arith.constant 0 : i32
        %add3A_190 = arith.addi %mul3A_84, %add3A_189 : i32
        %add3A_191 = arith.constant 4 : i32
        %add3A_192 = arith.addi %add3A_190, %add3A_191 : i32
        %mul3A_193 = arith.constant 64 : i32
        %mul3A_194 = arith.muli %add3A_192, %mul3A_193 : i32
        %dma_start3A_195 = tpu.memref_slice %arg7[%mul3A_194] : memref<10000xi32, #tpu.memory_space<vmem>> -> memref<64xi32, #tpu.memory_space<vmem>>
        %dma_start3A_196 = arith.constant 0 : i32
        %dma_start3A_197 = arith.constant 0 : i32
        %dma_start3A_198 = tpu.memref_slice %arg2[%dma_start3A_196, %dma_start3A_197] : memref<10000x128xf32, #tpu.memory_space<hbm>> -> memref<10000x128xf32, #tpu.memory_space<hbm>>
        tpu.enqueue_indirect_dma source(%dma_start3A_198 : memref<10000x128xf32, #tpu.memory_space<hbm>>) target(%arg8 : memref<64x128xf32, #tpu.memory_space<vmem>>) offsets(%dma_start3A_195 : memref<64xi32, #tpu.memory_space<vmem>>) semaphore(%arg17 : memref<!tpu.dma_semaphore, #tpu.memory_space<semaphore_mem>>)
      } else {
      }
      %add3A_108 = arith.constant 1 : i32
      %add3A_109 = arith.addi %mul3A_84, %add3A_108 : i32
      %mul3A_110 = arith.constant 64 : i32
      %mul3A_111 = arith.muli %add3A_109, %mul3A_110 : i32
      %dma_wait3A_112 = tpu.memref_slice %arg7[%mul3A_111] : memref<10000xi32, #tpu.memory_space<vmem>> -> memref<64xi32, #tpu.memory_space<vmem>>
      %dma_wait3A_113 = arith.constant 0 : i32
      %dma_wait3A_114 = arith.constant 0 : i32
      %dma_wait3A_115 = tpu.memref_slice %arg2[%dma_wait3A_113, %dma_wait3A_114] : memref<10000x128xf32, #tpu.memory_space<hbm>> -> memref<10000x128xf32, #tpu.memory_space<hbm>>
      tpu.wait_indirect_dma semaphore(%arg18 : memref<!tpu.dma_semaphore, #tpu.memory_space<semaphore_mem>>) src(%dma_wait3A_115 : memref<10000x128xf32, #tpu.memory_space<hbm>>) dst(%arg9 : memref<64x128xf32, #tpu.memory_space<vmem>>)
      %add3A_116 = arith.constant 1 : i32
      %add3A_117 = arith.addi %mul3A_84, %add3A_116 : i32
      %mul3A_118 = arith.constant 64 : i32
      %mul3A_119 = arith.muli %add3A_117, %mul3A_118 : i32
      %add3A_120 = arith.addi %mul3A_4, %mul3A_119 : i32
      %dma_wait3A_121 = tpu.memref_slice %arg4[%add3A_120] : memref<320000xi32, #tpu.memory_space<hbm>> -> memref<64xi32, #tpu.memory_space<hbm>>
      %dma_wait3A_122 = tpu.memref_slice %arg4[%add3A_120] : memref<320000xi32, #tpu.memory_space<hbm>> -> memref<64xi32, #tpu.memory_space<hbm>>
      tpu.wait_dma2 semaphore(%arg22 : memref<!tpu.dma_semaphore, #tpu.memory_space<semaphore_mem>>) src(%dma_wait3A_122 : memref<64xi32, #tpu.memory_space<hbm>>) dst(%arg13 : memref<64xi32, #tpu.memory_space<vmem>>)
      "tpu.region"() ({
        %run_scoped3A = tpu.sem_alloc : memref<!tpu.dma_semaphore, #tpu.memory_space<semaphore_mem>>
        %dma_start3A_180 = arith.constant 0 : i32
        %dma_start3A_181 = arith.constant 0 : i32
        %dma_start3A_182 = tpu.memref_slice %arg16[%dma_start3A_180, %dma_start3A_181] : memref<10000x128xf32, #tpu.memory_space<vmem_shared>> -> memref<10000x128xf32, #tpu.memory_space<vmem_shared>>
        tpu.enqueue_indirect_dma source(%arg9 : memref<64x128xf32, #tpu.memory_space<vmem>>) target(%dma_start3A_182 : memref<10000x128xf32, #tpu.memory_space<vmem_shared>>) offsets(%arg13 : memref<64xi32, #tpu.memory_space<vmem>>) semaphore(%run_scoped3A : memref<!tpu.dma_semaphore, #tpu.memory_space<semaphore_mem>>) {add = true}
        %dma_wait3A_183 = arith.constant 0 : i32
        %dma_wait3A_184 = arith.constant 0 : i32
        %dma_wait3A_185 = tpu.memref_slice %arg16[%dma_wait3A_183, %dma_wait3A_184] : memref<10000x128xf32, #tpu.memory_space<vmem_shared>> -> memref<10000x128xf32, #tpu.memory_space<vmem_shared>>
        tpu.wait_indirect_dma semaphore(%run_scoped3A : memref<!tpu.dma_semaphore, #tpu.memory_space<semaphore_mem>>) src(%arg9 : memref<64x128xf32, #tpu.memory_space<vmem>>) dst(%dma_wait3A_185 : memref<10000x128xf32, #tpu.memory_space<vmem_shared>>)
        tpu.yield
      }) : () -> ()
      %add3A_123 = arith.constant 1 : i32
      %add3A_124 = arith.addi %mul3A_84, %add3A_123 : i32
      %add3A_125 = arith.constant 4 : i32
      %add3A_126 = arith.addi %add3A_124, %add3A_125 : i32
      %lt3A_127 = arith.constant 156 : i32
      %lt3A_128 = arith.cmpi slt, %add3A_126, %lt3A_127 : i32
      %convert_element_type3A_129 = arith.extui %lt3A_128 : i1 to i32
      %cond3A_130 = arith.constant 0 : i32
      %cond3A_131 = arith.cmpi ne, %convert_element_type3A_129, %cond3A_130 : i32
      scf.if %cond3A_131 {
        %add3A_180 = arith.constant 1 : i32
        %add3A_181 = arith.addi %mul3A_84, %add3A_180 : i32
        %add3A_182 = arith.constant 4 : i32
        %add3A_183 = arith.addi %add3A_181, %add3A_182 : i32
        %mul3A_184 = arith.constant 64 : i32
        %mul3A_185 = arith.muli %add3A_183, %mul3A_184 : i32
        %add3A_186 = arith.addi %mul3A_4, %mul3A_185 : i32
        %dma_start3A_187 = tpu.memref_slice %arg4[%add3A_186] : memref<320000xi32, #tpu.memory_space<hbm>> -> memref<64xi32, #tpu.memory_space<hbm>>
        %dma_start3A_188 = tpu.memref_slice %arg4[%add3A_186] : memref<320000xi32, #tpu.memory_space<hbm>> -> memref<64xi32, #tpu.memory_space<hbm>>
        tpu.enqueue_dma source(%dma_start3A_188 : memref<64xi32, #tpu.memory_space<hbm>>) target(%arg13 : memref<64xi32, #tpu.memory_space<vmem>>) target_semaphore(%arg22 : memref<!tpu.dma_semaphore, #tpu.memory_space<semaphore_mem>>)
        %add3A_189 = arith.constant 1 : i32
        %add3A_190 = arith.addi %mul3A_84, %add3A_189 : i32
        %add3A_191 = arith.constant 4 : i32
        %add3A_192 = arith.addi %add3A_190, %add3A_191 : i32
        %mul3A_193 = arith.constant 64 : i32
        %mul3A_194 = arith.muli %add3A_192, %mul3A_193 : i32
        %dma_start3A_195 = tpu.memref_slice %arg7[%mul3A_194] : memref<10000xi32, #tpu.memory_space<vmem>> -> memref<64xi32, #tpu.memory_space<vmem>>
        %dma_start3A_196 = arith.constant 0 : i32
        %dma_start3A_197 = arith.constant 0 : i32
        %dma_start3A_198 = tpu.memref_slice %arg2[%dma_start3A_196, %dma_start3A_197] : memref<10000x128xf32, #tpu.memory_space<hbm>> -> memref<10000x128xf32, #tpu.memory_space<hbm>>
        tpu.enqueue_indirect_dma source(%dma_start3A_198 : memref<10000x128xf32, #tpu.memory_space<hbm>>) target(%arg9 : memref<64x128xf32, #tpu.memory_space<vmem>>) offsets(%dma_start3A_195 : memref<64xi32, #tpu.memory_space<vmem>>) semaphore(%arg18 : memref<!tpu.dma_semaphore, #tpu.memory_space<semaphore_mem>>)
      } else {
      }
      %add3A_132 = arith.constant 2 : i32
      %add3A_133 = arith.addi %mul3A_84, %add3A_132 : i32
      %mul3A_134 = arith.constant 64 : i32
      %mul3A_135 = arith.muli %add3A_133, %mul3A_134 : i32
      %dma_wait3A_136 = tpu.memref_slice %arg7[%mul3A_135] : memref<10000xi32, #tpu.memory_space<vmem>> -> memref<64xi32, #tpu.memory_space<vmem>>
      %dma_wait3A_137 = arith.constant 0 : i32
      %dma_wait3A_138 = arith.constant 0 : i32
      %dma_wait3A_139 = tpu.memref_slice %arg2[%dma_wait3A_137, %dma_wait3A_138] : memref<10000x128xf32, #tpu.memory_space<hbm>> -> memref<10000x128xf32, #tpu.memory_space<hbm>>
      tpu.wait_indirect_dma semaphore(%arg19 : memref<!tpu.dma_semaphore, #tpu.memory_space<semaphore_mem>>) src(%dma_wait3A_139 : memref<10000x128xf32, #tpu.memory_space<hbm>>) dst(%arg10 : memref<64x128xf32, #tpu.memory_space<vmem>>)
      %add3A_140 = arith.constant 2 : i32
      %add3A_141 = arith.addi %mul3A_84, %add3A_140 : i32
      %mul3A_142 = arith.constant 64 : i32
      %mul3A_143 = arith.muli %add3A_141, %mul3A_142 : i32
      %add3A_144 = arith.addi %mul3A_4, %mul3A_143 : i32
      %dma_wait3A_145 = tpu.memref_slice %arg4[%add3A_144] : memref<320000xi32, #tpu.memory_space<hbm>> -> memref<64xi32, #tpu.memory_space<hbm>>
      %dma_wait3A_146 = tpu.memref_slice %arg4[%add3A_144] : memref<320000xi32, #tpu.memory_space<hbm>> -> memref<64xi32, #tpu.memory_space<hbm>>
      tpu.wait_dma2 semaphore(%arg23 : memref<!tpu.dma_semaphore, #tpu.memory_space<semaphore_mem>>) src(%dma_wait3A_146 : memref<64xi32, #tpu.memory_space<hbm>>) dst(%arg14 : memref<64xi32, #tpu.memory_space<vmem>>)
      "tpu.region"() ({
        %run_scoped3A = tpu.sem_alloc : memref<!tpu.dma_semaphore, #tpu.memory_space<semaphore_mem>>
        %dma_start3A_180 = arith.constant 0 : i32
        %dma_start3A_181 = arith.constant 0 : i32
        %dma_start3A_182 = tpu.memref_slice %arg16[%dma_start3A_180, %dma_start3A_181] : memref<10000x128xf32, #tpu.memory_space<vmem_shared>> -> memref<10000x128xf32, #tpu.memory_space<vmem_shared>>
        tpu.enqueue_indirect_dma source(%arg10 : memref<64x128xf32, #tpu.memory_space<vmem>>) target(%dma_start3A_182 : memref<10000x128xf32, #tpu.memory_space<vmem_shared>>) offsets(%arg14 : memref<64xi32, #tpu.memory_space<vmem>>) semaphore(%run_scoped3A : memref<!tpu.dma_semaphore, #tpu.memory_space<semaphore_mem>>) {add = true}
        %dma_wait3A_183 = arith.constant 0 : i32
        %dma_wait3A_184 = arith.constant 0 : i32
        %dma_wait3A_185 = tpu.memref_slice %arg16[%dma_wait3A_183, %dma_wait3A_184] : memref<10000x128xf32, #tpu.memory_space<vmem_shared>> -> memref<10000x128xf32, #tpu.memory_space<vmem_shared>>
        tpu.wait_indirect_dma semaphore(%run_scoped3A : memref<!tpu.dma_semaphore, #tpu.memory_space<semaphore_mem>>) src(%arg10 : memref<64x128xf32, #tpu.memory_space<vmem>>) dst(%dma_wait3A_185 : memref<10000x128xf32, #tpu.memory_space<vmem_shared>>)
        tpu.yield
      }) : () -> ()
      %add3A_147 = arith.constant 2 : i32
      %add3A_148 = arith.addi %mul3A_84, %add3A_147 : i32
      %add3A_149 = arith.constant 4 : i32
      %add3A_150 = arith.addi %add3A_148, %add3A_149 : i32
      %lt3A_151 = arith.constant 156 : i32
      %lt3A_152 = arith.cmpi slt, %add3A_150, %lt3A_151 : i32
      %convert_element_type3A_153 = arith.extui %lt3A_152 : i1 to i32
      %cond3A_154 = arith.constant 0 : i32
      %cond3A_155 = arith.cmpi ne, %convert_element_type3A_153, %cond3A_154 : i32
      scf.if %cond3A_155 {
        %add3A_180 = arith.constant 2 : i32
        %add3A_181 = arith.addi %mul3A_84, %add3A_180 : i32
        %add3A_182 = arith.constant 4 : i32
        %add3A_183 = arith.addi %add3A_181, %add3A_182 : i32
        %mul3A_184 = arith.constant 64 : i32
        %mul3A_185 = arith.muli %add3A_183, %mul3A_184 : i32
        %add3A_186 = arith.addi %mul3A_4, %mul3A_185 : i32
        %dma_start3A_187 = tpu.memref_slice %arg4[%add3A_186] : memref<320000xi32, #tpu.memory_space<hbm>> -> memref<64xi32, #tpu.memory_space<hbm>>
        %dma_start3A_188 = tpu.memref_slice %arg4[%add3A_186] : memref<320000xi32, #tpu.memory_space<hbm>> -> memref<64xi32, #tpu.memory_space<hbm>>
        tpu.enqueue_dma source(%dma_start3A_188 : memref<64xi32, #tpu.memory_space<hbm>>) target(%arg14 : memref<64xi32, #tpu.memory_space<vmem>>) target_semaphore(%arg23 : memref<!tpu.dma_semaphore, #tpu.memory_space<semaphore_mem>>)
        %add3A_189 = arith.constant 2 : i32
        %add3A_190 = arith.addi %mul3A_84, %add3A_189 : i32
        %add3A_191 = arith.constant 4 : i32
        %add3A_192 = arith.addi %add3A_190, %add3A_191 : i32
        %mul3A_193 = arith.constant 64 : i32
        %mul3A_194 = arith.muli %add3A_192, %mul3A_193 : i32
        %dma_start3A_195 = tpu.memref_slice %arg7[%mul3A_194] : memref<10000xi32, #tpu.memory_space<vmem>> -> memref<64xi32, #tpu.memory_space<vmem>>
        %dma_start3A_196 = arith.constant 0 : i32
        %dma_start3A_197 = arith.constant 0 : i32
        %dma_start3A_198 = tpu.memref_slice %arg2[%dma_start3A_196, %dma_start3A_197] : memref<10000x128xf32, #tpu.memory_space<hbm>> -> memref<10000x128xf32, #tpu.memory_space<hbm>>
        tpu.enqueue_indirect_dma source(%dma_start3A_198 : memref<10000x128xf32, #tpu.memory_space<hbm>>) target(%arg10 : memref<64x128xf32, #tpu.memory_space<vmem>>) offsets(%dma_start3A_195 : memref<64xi32, #tpu.memory_space<vmem>>) semaphore(%arg19 : memref<!tpu.dma_semaphore, #tpu.memory_space<semaphore_mem>>)
      } else {
      }
      %add3A_156 = arith.constant 3 : i32
      %add3A_157 = arith.addi %mul3A_84, %add3A_156 : i32
      %mul3A_158 = arith.constant 64 : i32
      %mul3A_159 = arith.muli %add3A_157, %mul3A_158 : i32
      %dma_wait3A_160 = tpu.memref_slice %arg7[%mul3A_159] : memref<10000xi32, #tpu.memory_space<vmem>> -> memref<64xi32, #tpu.memory_space<vmem>>
      %dma_wait3A_161 = arith.constant 0 : i32
      %dma_wait3A_162 = arith.constant 0 : i32
      %dma_wait3A_163 = tpu.memref_slice %arg2[%dma_wait3A_161, %dma_wait3A_162] : memref<10000x128xf32, #tpu.memory_space<hbm>> -> memref<10000x128xf32, #tpu.memory_space<hbm>>
      tpu.wait_indirect_dma semaphore(%arg20 : memref<!tpu.dma_semaphore, #tpu.memory_space<semaphore_mem>>) src(%dma_wait3A_163 : memref<10000x128xf32, #tpu.memory_space<hbm>>) dst(%arg11 : memref<64x128xf32, #tpu.memory_space<vmem>>)
      %add3A_164 = arith.constant 3 : i32
      %add3A_165 = arith.addi %mul3A_84, %add3A_164 : i32
      %mul3A_166 = arith.constant 64 : i32
      %mul3A_167 = arith.muli %add3A_165, %mul3A_166 : i32
      %add3A_168 = arith.addi %mul3A_4, %mul3A_167 : i32
      %dma_wait3A_169 = tpu.memref_slice %arg4[%add3A_168] : memref<320000xi32, #tpu.memory_space<hbm>> -> memref<64xi32, #tpu.memory_space<hbm>>
      %dma_wait3A_170 = tpu.memref_slice %arg4[%add3A_168] : memref<320000xi32, #tpu.memory_space<hbm>> -> memref<64xi32, #tpu.memory_space<hbm>>
      tpu.wait_dma2 semaphore(%arg24 : memref<!tpu.dma_semaphore, #tpu.memory_space<semaphore_mem>>) src(%dma_wait3A_170 : memref<64xi32, #tpu.memory_space<hbm>>) dst(%arg15 : memref<64xi32, #tpu.memory_space<vmem>>)
      "tpu.region"() ({
        %run_scoped3A = tpu.sem_alloc : memref<!tpu.dma_semaphore, #tpu.memory_space<semaphore_mem>>
        %dma_start3A_180 = arith.constant 0 : i32
        %dma_start3A_181 = arith.constant 0 : i32
        %dma_start3A_182 = tpu.memref_slice %arg16[%dma_start3A_180, %dma_start3A_181] : memref<10000x128xf32, #tpu.memory_space<vmem_shared>> -> memref<10000x128xf32, #tpu.memory_space<vmem_shared>>
        tpu.enqueue_indirect_dma source(%arg11 : memref<64x128xf32, #tpu.memory_space<vmem>>) target(%dma_start3A_182 : memref<10000x128xf32, #tpu.memory_space<vmem_shared>>) offsets(%arg15 : memref<64xi32, #tpu.memory_space<vmem>>) semaphore(%run_scoped3A : memref<!tpu.dma_semaphore, #tpu.memory_space<semaphore_mem>>) {add = true}
        %dma_wait3A_183 = arith.constant 0 : i32
        %dma_wait3A_184 = arith.constant 0 : i32
        %dma_wait3A_185 = tpu.memref_slice %arg16[%dma_wait3A_183, %dma_wait3A_184] : memref<10000x128xf32, #tpu.memory_space<vmem_shared>> -> memref<10000x128xf32, #tpu.memory_space<vmem_shared>>
        tpu.wait_indirect_dma semaphore(%run_scoped3A : memref<!tpu.dma_semaphore, #tpu.memory_space<semaphore_mem>>) src(%arg11 : memref<64x128xf32, #tpu.memory_space<vmem>>) dst(%dma_wait3A_185 : memref<10000x128xf32, #tpu.memory_space<vmem_shared>>)
        tpu.yield
      }) : () -> ()
      %add3A_171 = arith.constant 3 : i32
      %add3A_172 = arith.addi %mul3A_84, %add3A_171 : i32
      %add3A_173 = arith.constant 4 : i32
      %add3A_174 = arith.addi %add3A_172, %add3A_173 : i32
      %lt3A_175 = arith.constant 156 : i32
      %lt3A_176 = arith.cmpi slt, %add3A_174, %lt3A_175 : i32
      %convert_element_type3A_177 = arith.extui %lt3A_176 : i1 to i32
      %cond3A_178 = arith.constant 0 : i32
      %cond3A_179 = arith.cmpi ne, %convert_element_type3A_177, %cond3A_178 : i32
      scf.if %cond3A_179 {
        %add3A_180 = arith.constant 3 : i32
        %add3A_181 = arith.addi %mul3A_84, %add3A_180 : i32
        %add3A_182 = arith.constant 4 : i32
        %add3A_183 = arith.addi %add3A_181, %add3A_182 : i32
        %mul3A_184 = arith.constant 64 : i32
        %mul3A_185 = arith.muli %add3A_183, %mul3A_184 : i32
        %add3A_186 = arith.addi %mul3A_4, %mul3A_185 : i32
        %dma_start3A_187 = tpu.memref_slice %arg4[%add3A_186] : memref<320000xi32, #tpu.memory_space<hbm>> -> memref<64xi32, #tpu.memory_space<hbm>>
        %dma_start3A_188 = tpu.memref_slice %arg4[%add3A_186] : memref<320000xi32, #tpu.memory_space<hbm>> -> memref<64xi32, #tpu.memory_space<hbm>>
        tpu.enqueue_dma source(%dma_start3A_188 : memref<64xi32, #tpu.memory_space<hbm>>) target(%arg15 : memref<64xi32, #tpu.memory_space<vmem>>) target_semaphore(%arg24 : memref<!tpu.dma_semaphore, #tpu.memory_space<semaphore_mem>>)
        %add3A_189 = arith.constant 3 : i32
        %add3A_190 = arith.addi %mul3A_84, %add3A_189 : i32
        %add3A_191 = arith.constant 4 : i32
        %add3A_192 = arith.addi %add3A_190, %add3A_191 : i32
        %mul3A_193 = arith.constant 64 : i32
        %mul3A_194 = arith.muli %add3A_192, %mul3A_193 : i32
        %dma_start3A_195 = tpu.memref_slice %arg7[%mul3A_194] : memref<10000xi32, #tpu.memory_space<vmem>> -> memref<64xi32, #tpu.memory_space<vmem>>
        %dma_start3A_196 = arith.constant 0 : i32
        %dma_start3A_197 = arith.constant 0 : i32
        %dma_start3A_198 = tpu.memref_slice %arg2[%dma_start3A_196, %dma_start3A_197] : memref<10000x128xf32, #tpu.memory_space<hbm>> -> memref<10000x128xf32, #tpu.memory_space<hbm>>
        tpu.enqueue_indirect_dma source(%dma_start3A_198 : memref<10000x128xf32, #tpu.memory_space<hbm>>) target(%arg11 : memref<64x128xf32, #tpu.memory_space<vmem>>) offsets(%dma_start3A_195 : memref<64xi32, #tpu.memory_space<vmem>>) semaphore(%arg20 : memref<!tpu.dma_semaphore, #tpu.memory_space<semaphore_mem>>)
      } else {
      }
    }
    %scan3A_75 = arith.constant 39 : i32
    %barrier3A_76 = arith.constant 0 : index
    tpu.barrier barrier_id(%barrier3A_76)
    "tpu.region"() ({
      %run_scoped3A = tpu.sem_alloc : memref<!tpu.dma_semaphore, #tpu.memory_space<semaphore_mem>>
      %dma_start3A_82 = arith.constant 0 : i32
      %dma_start3A_83 = tpu.memref_slice %arg6[%arg0, %mul3A_2, %dma_start3A_82] : memref<2x10000x128xf32, #tpu.memory_space<hbm>> -> memref<1x624x128xf32, #tpu.memory_space<hbm>>
      %dma_start3A_84 = tpu.memref_squeeze %dma_start3A_83 : memref<1x624x128xf32, #tpu.memory_space<hbm>> -> memref<624x128xf32, #tpu.memory_space<hbm>>
      %dma_start3A_85 = arith.constant 0 : i32
      %dma_start3A_86 = tpu.memref_slice %arg16[%mul3A_2, %dma_start3A_85] : memref<10000x128xf32, #tpu.memory_space<vmem_shared>> -> memref<624x128xf32, #tpu.memory_space<vmem_shared>>
      tpu.enqueue_dma source(%dma_start3A_86 : memref<624x128xf32, #tpu.memory_space<vmem_shared>>) target(%dma_start3A_84 : memref<624x128xf32, #tpu.memory_space<hbm>>) target_semaphore(%run_scoped3A : memref<!tpu.dma_semaphore, #tpu.memory_space<semaphore_mem>>)
      %dma_wait3A_87 = arith.constant 0 : i32
      %dma_wait3A_88 = tpu.memref_slice %arg6[%arg0, %mul3A_2, %dma_wait3A_87] : memref<2x10000x128xf32, #tpu.memory_space<hbm>> -> memref<1x624x128xf32, #tpu.memory_space<hbm>>
      %dma_wait3A_89 = tpu.memref_squeeze %dma_wait3A_88 : memref<1x624x128xf32, #tpu.memory_space<hbm>> -> memref<624x128xf32, #tpu.memory_space<hbm>>
      %dma_wait3A_90 = arith.constant 0 : i32
      %dma_wait3A_91 = tpu.memref_slice %arg16[%mul3A_2, %dma_wait3A_90] : memref<10000x128xf32, #tpu.memory_space<vmem_shared>> -> memref<624x128xf32, #tpu.memory_space<vmem_shared>>
      tpu.wait_dma2 semaphore(%run_scoped3A : memref<!tpu.dma_semaphore, #tpu.memory_space<semaphore_mem>>) src(%dma_wait3A_91 : memref<624x128xf32, #tpu.memory_space<vmem_shared>>) dst(%dma_wait3A_89 : memref<624x128xf32, #tpu.memory_space<hbm>>)
      tpu.yield
    }) : () -> ()
    %eq3A_77 = arith.constant 15 : i32
    %eq3A_78 = arith.cmpi eq, %arg1, %eq3A_77 : i32
    %convert_element_type3A_79 = arith.extui %eq3A_78 : i1 to i32
    %cond3A_80 = arith.constant 0 : i32
    %cond3A_81 = arith.cmpi ne, %convert_element_type3A_79, %cond3A_80 : i32
    scf.if %cond3A_81 {
      "tpu.region"() ({
        %run_scoped3A = tpu.sem_alloc : memref<!tpu.dma_semaphore, #tpu.memory_space<semaphore_mem>>
        %dma_start3A_82 = arith.constant 9984 : i32
        %dma_start3A_83 = arith.constant 0 : i32
        %dma_start3A_84 = tpu.memref_slice %arg6[%arg0, %dma_start3A_82, %dma_start3A_83] : memref<2x10000x128xf32, #tpu.memory_space<hbm>> -> memref<1x16x128xf32, #tpu.memory_space<hbm>>
        %dma_start3A_85 = tpu.memref_squeeze %dma_start3A_84 : memref<1x16x128xf32, #tpu.memory_space<hbm>> -> memref<16x128xf32, #tpu.memory_space<hbm>>
        %dma_start3A_86 = arith.constant 9984 : i32
        %dma_start3A_87 = arith.constant 0 : i32
        %dma_start3A_88 = tpu.memref_slice %arg16[%dma_start3A_86, %dma_start3A_87] : memref<10000x128xf32, #tpu.memory_space<vmem_shared>> -> memref<16x128xf32, #tpu.memory_space<vmem_shared>>
        tpu.enqueue_dma source(%dma_start3A_88 : memref<16x128xf32, #tpu.memory_space<vmem_shared>>) target(%dma_start3A_85 : memref<16x128xf32, #tpu.memory_space<hbm>>) target_semaphore(%run_scoped3A : memref<!tpu.dma_semaphore, #tpu.memory_space<semaphore_mem>>)
        %dma_wait3A_89 = arith.constant 9984 : i32
        %dma_wait3A_90 = arith.constant 0 : i32
        %dma_wait3A_91 = tpu.memref_slice %arg6[%arg0, %dma_wait3A_89, %dma_wait3A_90] : memref<2x10000x128xf32, #tpu.memory_space<hbm>> -> memref<1x16x128xf32, #tpu.memory_space<hbm>>
        %dma_wait3A_92 = tpu.memref_squeeze %dma_wait3A_91 : memref<1x16x128xf32, #tpu.memory_space<hbm>> -> memref<16x128xf32, #tpu.memory_space<hbm>>
        %dma_wait3A_93 = arith.constant 9984 : i32
        %dma_wait3A_94 = arith.constant 0 : i32
        %dma_wait3A_95 = tpu.memref_slice %arg16[%dma_wait3A_93, %dma_wait3A_94] : memref<10000x128xf32, #tpu.memory_space<vmem_shared>> -> memref<16x128xf32, #tpu.memory_space<vmem_shared>>
        tpu.wait_dma2 semaphore(%run_scoped3A : memref<!tpu.dma_semaphore, #tpu.memory_space<semaphore_mem>>) src(%dma_wait3A_95 : memref<16x128xf32, #tpu.memory_space<vmem_shared>>) dst(%dma_wait3A_92 : memref<16x128xf32, #tpu.memory_space<hbm>>)
        tpu.yield
      }) : () -> ()
    } else {
    }
    return
  }
}

module attributes {stable_mosaic.version = 14 : i64} {
  func.func @_layer_body(%arg0: i32, %arg1: memref<1x2000x128xf32, #tpu.memory_space<vmem>>, %arg2: memref<1x2000x128xf32, #tpu.memory_space<vmem>>, %arg3: memref<2000x128xf32, #tpu.memory_space<vmem>>, %arg4: memref<128x128xf32, #tpu.memory_space<vmem>>, %arg5: memref<1x128xf32, #tpu.memory_space<vmem>>, %arg6: memref<128x128xf32, #tpu.memory_space<vmem>>, %arg7: memref<2000x128xf32, #tpu.memory_space<vmem>>) attributes {dimension_semantics = [#tpu.dimension_semantics<arbitrary>], iteration_bounds = array<i64: 5>, scalar_prefetch = 0 : i64, scratch_operands = 0 : i64, tpu.core_type = #tpu.core_type<tc>, window_params = [{transform_indices = @transform_0, window_bounds = array<i64: 1, 2000, 128>}, {transform_indices = @transform_1, window_bounds = array<i64: 1, 2000, 128>}, {transform_indices = @transform_2, window_bounds = array<i64: 2000, 128>}, {pipeline_mode = #tpu.pipeline_mode<synchronous>, transform_indices = @transform_3, window_bounds = array<i64: 128, 128>}, {pipeline_mode = #tpu.pipeline_mode<synchronous>, transform_indices = @transform_4, window_bounds = array<i64: 1, 128>}, {pipeline_mode = #tpu.pipeline_mode<synchronous>, transform_indices = @transform_5, window_bounds = array<i64: 128, 128>}, {transform_indices = @transform_6, window_bounds = array<i64: 2000, 128>}]} {
    %get3A = arith.constant 0 : index
    %get3A_0 = arith.constant 0 : index
    %get3A_1 = arith.constant 0 : index
    %get3A_2 = vector.load %arg1[%get3A, %get3A_0, %get3A_1] : memref<1x2000x128xf32, #tpu.memory_space<vmem>>, vector<1x2000x128xf32>
    %get3A_3 = vector.shape_cast %get3A_2 : vector<1x2000x128xf32> to vector<2000x128xf32>
    %get3A_4 = arith.constant 0 : index
    %get3A_5 = arith.constant 0 : index
    %get3A_6 = arith.constant 0 : index
    %get3A_7 = vector.load %arg2[%get3A_4, %get3A_5, %get3A_6] : memref<1x2000x128xf32, #tpu.memory_space<vmem>>, vector<1x2000x128xf32>
    %get3A_8 = vector.shape_cast %get3A_7 : vector<1x2000x128xf32> to vector<2000x128xf32>
    %add3A = arith.addf %get3A_3, %get3A_8 : vector<2000x128xf32>
    %get3A_9 = arith.constant 0 : index
    %get3A_10 = arith.constant 0 : index
    %get3A_11 = vector.load %arg4[%get3A_9, %get3A_10] : memref<128x128xf32, #tpu.memory_space<vmem>>, vector<128x128xf32>
    %dot_general3A = arith.constant dense<0.000000e+00> : vector<2000x128xf32>
    %dot_general3A_12 = tpu.matmul %add3A, %get3A_11, %dot_general3A {dimension_numbers = #tpu.dot_dimension_numbers<[1], [0], [0], [1], [0, 0, 1, 1], [], []>, transpose_lhs_hint = false} : vector<2000x128xf32>, vector<128x128xf32>, vector<2000x128xf32> -> vector<2000x128xf32>
    %get3A_13 = arith.constant 0 : index
    %get3A_14 = arith.constant 0 : index
    %get3A_15 = vector.load %arg3[%get3A_13, %get3A_14] : memref<2000x128xf32, #tpu.memory_space<vmem>>, vector<2000x128xf32>
    %get3A_16 = arith.constant 0 : index
    %get3A_17 = arith.constant 0 : index
    %get3A_18 = vector.load %arg6[%get3A_16, %get3A_17] : memref<128x128xf32, #tpu.memory_space<vmem>>, vector<128x128xf32>
    %dot_general3A_19 = arith.constant dense<0.000000e+00> : vector<2000x128xf32>
    %dot_general3A_20 = tpu.matmul %get3A_15, %get3A_18, %dot_general3A_19 {dimension_numbers = #tpu.dot_dimension_numbers<[1], [0], [0], [1], [0, 0, 1, 1], [], []>, transpose_lhs_hint = false} : vector<2000x128xf32>, vector<128x128xf32>, vector<2000x128xf32> -> vector<2000x128xf32>
    %add3A_21 = arith.addf %dot_general3A_12, %dot_general3A_20 : vector<2000x128xf32>
    %get3A_22 = arith.constant 0 : index
    %get3A_23 = arith.constant 0 : index
    %get3A_24 = vector.load %arg5[%get3A_22, %get3A_23] : memref<1x128xf32, #tpu.memory_space<vmem>>, vector<1x128xf32>
    %add3A_25 = vector.broadcast %get3A_24 : vector<1x128xf32> to vector<2000x128xf32>
    %add3A_26 = arith.addf %add3A_21, %add3A_25 : vector<2000x128xf32>
    %max3A = arith.constant 0.000000e+00 : f32
    %max3A_27 = vector.broadcast %max3A : f32 to vector<2000x128xf32>
    %max3A_28 = arith.maximumf %add3A_26, %max3A_27 : vector<2000x128xf32>
    %swap3A = arith.constant 0 : index
    %swap3A_29 = arith.constant 0 : index
    %swap3A_30 = vector.load %arg7[%swap3A, %swap3A_29] : memref<2000x128xf32, #tpu.memory_space<vmem>>, vector<2000x128xf32>
    tpu.vector_store %arg7[%swap3A, %swap3A_29], %max3A_28 {strides = array<i32>} : memref<2000x128xf32, #tpu.memory_space<vmem>>, vector<2000x128xf32>,
    return
  }
  func.func @transform_0(%arg0: i32) -> (i32, i32, i32) {
    %c0_i32 = arith.constant 0 : i32
    %c0_i32_0 = arith.constant 0 : i32
    %c0_i32_1 = arith.constant 0 : i32
    return %c0_i32, %arg0, %c0_i32_0 : i32, i32, i32
  }
  func.func @transform_1(%arg0: i32) -> (i32, i32, i32) {
    %c1_i32 = arith.constant 1 : i32
    %c0_i32 = arith.constant 0 : i32
    %c0_i32_0 = arith.constant 0 : i32
    return %c1_i32, %arg0, %c0_i32 : i32, i32, i32
  }
  func.func @transform_2(%arg0: i32) -> (i32, i32) {
    %c0_i32 = arith.constant 0 : i32
    %c0_i32_0 = arith.constant 0 : i32
    return %arg0, %c0_i32 : i32, i32
  }
  func.func @transform_3(%arg0: i32) -> (i32, i32) {
    %c0_i32 = arith.constant 0 : i32
    %c0_i32_0 = arith.constant 0 : i32
    %c0_i32_1 = arith.constant 0 : i32
    return %c0_i32, %c0_i32_0 : i32, i32
  }
  func.func @transform_4(%arg0: i32) -> (i32, i32) {
    %c0_i32 = arith.constant 0 : i32
    %c0_i32_0 = arith.constant 0 : i32
    %c0_i32_1 = arith.constant 0 : i32
    return %c0_i32, %c0_i32_0 : i32, i32
  }
  func.func @transform_5(%arg0: i32) -> (i32, i32) {
    %c0_i32 = arith.constant 0 : i32
    %c0_i32_0 = arith.constant 0 : i32
    %c0_i32_1 = arith.constant 0 : i32
    return %c0_i32, %c0_i32_0 : i32, i32
  }
  func.func @transform_6(%arg0: i32) -> (i32, i32) {
    %c0_i32 = arith.constant 0 : i32
    %c0_i32_0 = arith.constant 0 : i32
    return %arg0, %c0_i32 : i32, i32
  }
}

module attributes {stable_mosaic.version = 14 : i64} {
  func.func @_layer3_pool_body(%arg0: i32, %arg1: memref<1x2000x128xf32, #tpu.memory_space<vmem>>, %arg2: memref<1x2000x128xf32, #tpu.memory_space<vmem>>, %arg3: memref<2000x128xf32, #tpu.memory_space<vmem>>, %arg4: memref<128x128xf32, #tpu.memory_space<vmem>>, %arg5: memref<1x128xf32, #tpu.memory_space<vmem>>, %arg6: memref<128x128xf32, #tpu.memory_space<vmem>>, %arg7: memref<1x1x2000xi32, #tpu.memory_space<vmem>>, %arg8: memref<128x128xf32, #tpu.memory_space<vmem>>, %arg9: memref<1x128xf32, #tpu.memory_space<vmem>>, %arg10: memref<64x128xf32, #tpu.memory_space<vmem>>, %arg11: memref<64x128xf32, #tpu.memory_space<vmem>>, %arg12: memref<64x128xf32, #tpu.memory_space<vmem>>) attributes {dimension_semantics = [#tpu.dimension_semantics<arbitrary>], iteration_bounds = array<i64: 5>, scalar_prefetch = 0 : i64, scratch_operands = 2 : i64, tpu.core_type = #tpu.core_type<tc>, window_params = [{transform_indices = @transform_0, window_bounds = array<i64: 1, 2000, 128>}, {transform_indices = @transform_1, window_bounds = array<i64: 1, 2000, 128>}, {transform_indices = @transform_2, window_bounds = array<i64: 2000, 128>}, {pipeline_mode = #tpu.pipeline_mode<synchronous>, transform_indices = @transform_3, window_bounds = array<i64: 128, 128>}, {pipeline_mode = #tpu.pipeline_mode<synchronous>, transform_indices = @transform_4, window_bounds = array<i64: 1, 128>}, {pipeline_mode = #tpu.pipeline_mode<synchronous>, transform_indices = @transform_5, window_bounds = array<i64: 128, 128>}, {transform_indices = @transform_6, window_bounds = array<i64: 1, 1, 2000>}, {pipeline_mode = #tpu.pipeline_mode<synchronous>, transform_indices = @transform_7, window_bounds = array<i64: 128, 128>}, {pipeline_mode = #tpu.pipeline_mode<synchronous>, transform_indices = @transform_8, window_bounds = array<i64: 1, 128>}, {pipeline_mode = #tpu.pipeline_mode<synchronous>, transform_indices = @transform_9, window_bounds = array<i64: 64, 128>}]} {
    %get3A = arith.constant 0 : index
    %get3A_0 = arith.constant 0 : index
    %get3A_1 = arith.constant 0 : index
    %get3A_2 = vector.load %arg1[%get3A, %get3A_0, %get3A_1] : memref<1x2000x128xf32, #tpu.memory_space<vmem>>, vector<1x2000x128xf32>
    %get3A_3 = vector.shape_cast %get3A_2 : vector<1x2000x128xf32> to vector<2000x128xf32>
    %get3A_4 = arith.constant 0 : index
    %get3A_5 = arith.constant 0 : index
    %get3A_6 = arith.constant 0 : index
    %get3A_7 = vector.load %arg2[%get3A_4, %get3A_5, %get3A_6] : memref<1x2000x128xf32, #tpu.memory_space<vmem>>, vector<1x2000x128xf32>
    %get3A_8 = vector.shape_cast %get3A_7 : vector<1x2000x128xf32> to vector<2000x128xf32>
    %add3A = arith.addf %get3A_3, %get3A_8 : vector<2000x128xf32>
    %get3A_9 = arith.constant 0 : index
    %get3A_10 = arith.constant 0 : index
    %get3A_11 = vector.load %arg4[%get3A_9, %get3A_10] : memref<128x128xf32, #tpu.memory_space<vmem>>, vector<128x128xf32>
    %dot_general3A = arith.constant dense<0.000000e+00> : vector<2000x128xf32>
    %dot_general3A_12 = tpu.matmul %add3A, %get3A_11, %dot_general3A {dimension_numbers = #tpu.dot_dimension_numbers<[1], [0], [0], [1], [0, 0, 1, 1], [], []>, transpose_lhs_hint = false} : vector<2000x128xf32>, vector<128x128xf32>, vector<2000x128xf32> -> vector<2000x128xf32>
    %get3A_13 = arith.constant 0 : index
    %get3A_14 = arith.constant 0 : index
    %get3A_15 = vector.load %arg3[%get3A_13, %get3A_14] : memref<2000x128xf32, #tpu.memory_space<vmem>>, vector<2000x128xf32>
    %get3A_16 = arith.constant 0 : index
    %get3A_17 = arith.constant 0 : index
    %get3A_18 = vector.load %arg6[%get3A_16, %get3A_17] : memref<128x128xf32, #tpu.memory_space<vmem>>, vector<128x128xf32>
    %dot_general3A_19 = arith.constant dense<0.000000e+00> : vector<2000x128xf32>
    %dot_general3A_20 = tpu.matmul %get3A_15, %get3A_18, %dot_general3A_19 {dimension_numbers = #tpu.dot_dimension_numbers<[1], [0], [0], [1], [0, 0, 1, 1], [], []>, transpose_lhs_hint = false} : vector<2000x128xf32>, vector<128x128xf32>, vector<2000x128xf32> -> vector<2000x128xf32>
    %add3A_21 = arith.addf %dot_general3A_12, %dot_general3A_20 : vector<2000x128xf32>
    %get3A_22 = arith.constant 0 : index
    %get3A_23 = arith.constant 0 : index
    %get3A_24 = vector.load %arg5[%get3A_22, %get3A_23] : memref<1x128xf32, #tpu.memory_space<vmem>>, vector<1x128xf32>
    %add3A_25 = vector.broadcast %get3A_24 : vector<1x128xf32> to vector<2000x128xf32>
    %add3A_26 = arith.addf %add3A_21, %add3A_25 : vector<2000x128xf32>
    %iota3A = tpu.iota {dimensions = array<i32: 0>} : vector<64x2000xi32>
    %get3A_27 = arith.constant 0 : index
    %get3A_28 = arith.constant 0 : index
    %get3A_29 = arith.constant 0 : index
    %get3A_30 = vector.load %arg7[%get3A_27, %get3A_28, %get3A_29] : memref<1x1x2000xi32, #tpu.memory_space<vmem>>, vector<1x1x2000xi32>
    %get3A_31 = vector.shape_cast %get3A_30 : vector<1x1x2000xi32> to vector<1x2000xi32>
    %eq3A = vector.broadcast %get3A_31 : vector<1x2000xi32> to vector<64x2000xi32>
    %eq3A_32 = arith.cmpi eq, %eq3A, %iota3A : vector<64x2000xi32>
    %convert_element_type3A = arith.extui %eq3A_32 : vector<64x2000xi1> to vector<64x2000xi32>
    %convert_element_type3A_33 = arith.sitofp %convert_element_type3A : vector<64x2000xi32> to vector<64x2000xf32>
    %dot_general3A_34 = arith.constant dense<0.000000e+00> : vector<64x128xf32>
    %dot_general3A_35 = tpu.matmul %convert_element_type3A_33, %add3A_26, %dot_general3A_34 {dimension_numbers = #tpu.dot_dimension_numbers<[1], [0], [0], [1], [0, 0, 1, 1], [], []>, transpose_lhs_hint = false} : vector<64x2000xf32>, vector<2000x128xf32>, vector<64x128xf32> -> vector<64x128xf32>
    %reduce_sum3A = arith.constant dense<0.000000e+00> : vector<64xf32>
    %reduce_sum3A_36 = vector.multi_reduction <add>, %convert_element_type3A_33, %reduce_sum3A [1] : vector<64x2000xf32> to vector<64xf32>
    %broadcast_in_dim3A = vector.shape_cast %reduce_sum3A_36 : vector<64xf32> to vector<64x1xf32>
    %broadcast_in_dim3A_37 = vector.shape_cast %broadcast_in_dim3A : vector<64x1xf32> to vector<64x1xf32>
    %broadcast_in_dim3A_38 = vector.broadcast %broadcast_in_dim3A_37 : vector<64x1xf32> to vector<64x128xf32>
    %eq3A_39 = arith.constant 0 : i32
    %eq3A_40 = arith.cmpi eq, %arg0, %eq3A_39 : i32
    %convert_element_type3A_41 = arith.extui %eq3A_40 : i1 to i32
    %cond3A = arith.constant 0 : i32
    %cond3A_42 = arith.cmpi ne, %convert_element_type3A_41, %cond3A : i32
    scf.if %cond3A_42 {
      %swap3A = arith.constant 0 : index
      %swap3A_52 = arith.constant 0 : index
      %swap3A_53 = vector.load %arg11[%swap3A, %swap3A_52] : memref<64x128xf32, #tpu.memory_space<vmem>>, vector<64x128xf32>
      tpu.vector_store %arg11[%swap3A, %swap3A_52], %dot_general3A_35 {strides = array<i32>} : memref<64x128xf32, #tpu.memory_space<vmem>>, vector<64x128xf32>,
      %swap3A_54 = arith.constant 0 : index
      %swap3A_55 = arith.constant 0 : index
      %swap3A_56 = vector.load %arg12[%swap3A_54, %swap3A_55] : memref<64x128xf32, #tpu.memory_space<vmem>>, vector<64x128xf32>
      tpu.vector_store %arg12[%swap3A_54, %swap3A_55], %broadcast_in_dim3A_38 {strides = array<i32>} : memref<64x128xf32, #tpu.memory_space<vmem>>, vector<64x128xf32>,
    } else {
    }
    %gt3A = arith.constant 0 : i32
    %gt3A_43 = arith.cmpi sgt, %arg0, %gt3A : i32
    %convert_element_type3A_44 = arith.extui %gt3A_43 : i1 to i32
    %cond3A_45 = arith.constant 0 : i32
    %cond3A_46 = arith.cmpi ne, %convert_element_type3A_44, %cond3A_45 : i32
    scf.if %cond3A_46 {
      %get3A_52 = arith.constant 0 : index
      %get3A_53 = arith.constant 0 : index
      %get3A_54 = vector.load %arg11[%get3A_52, %get3A_53] : memref<64x128xf32, #tpu.memory_space<vmem>>, vector<64x128xf32>
      %add3A_55 = arith.addf %get3A_54, %dot_general3A_35 : vector<64x128xf32>
      %swap3A = arith.constant 0 : index
      %swap3A_56 = arith.constant 0 : index
      %swap3A_57 = vector.load %arg11[%swap3A, %swap3A_56] : memref<64x128xf32, #tpu.memory_space<vmem>>, vector<64x128xf32>
      tpu.vector_store %arg11[%swap3A, %swap3A_56], %add3A_55 {strides = array<i32>} : memref<64x128xf32, #tpu.memory_space<vmem>>, vector<64x128xf32>,
      %get3A_58 = arith.constant 0 : index
      %get3A_59 = arith.constant 0 : index
      %get3A_60 = vector.load %arg12[%get3A_58, %get3A_59] : memref<64x128xf32, #tpu.memory_space<vmem>>, vector<64x128xf32>
      %add3A_61 = arith.addf %get3A_60, %broadcast_in_dim3A_38 : vector<64x128xf32>
      %swap3A_62 = arith.constant 0 : index
      %swap3A_63 = arith.constant 0 : index
      %swap3A_64 = vector.load %arg12[%swap3A_62, %swap3A_63] : memref<64x128xf32, #tpu.memory_space<vmem>>, vector<64x128xf32>
      tpu.vector_store %arg12[%swap3A_62, %swap3A_63], %add3A_61 {strides = array<i32>} : memref<64x128xf32, #tpu.memory_space<vmem>>, vector<64x128xf32>,
    } else {
    }
    %eq3A_47 = arith.constant 4 : i32
    %eq3A_48 = arith.cmpi eq, %arg0, %eq3A_47 : i32
    %convert_element_type3A_49 = arith.extui %eq3A_48 : i1 to i32
    %cond3A_50 = arith.constant 0 : i32
    %cond3A_51 = arith.cmpi ne, %convert_element_type3A_49, %cond3A_50 : i32
    scf.if %cond3A_51 {
      %get3A_52 = arith.constant 0 : index
      %get3A_53 = arith.constant 0 : index
      %get3A_54 = vector.load %arg11[%get3A_52, %get3A_53] : memref<64x128xf32, #tpu.memory_space<vmem>>, vector<64x128xf32>
      %get3A_55 = arith.constant 0 : index
      %get3A_56 = arith.constant 0 : index
      %get3A_57 = vector.load %arg12[%get3A_55, %get3A_56] : memref<64x128xf32, #tpu.memory_space<vmem>>, vector<64x128xf32>
      %max3A = arith.constant 1.000000e+00 : f32
      %max3A_58 = vector.broadcast %max3A : f32 to vector<64x128xf32>
      %max3A_59 = arith.maximumf %get3A_57, %max3A_58 : vector<64x128xf32>
      %div3A = arith.divf %get3A_54, %max3A_59 : vector<64x128xf32>
      %get3A_60 = arith.constant 0 : index
      %get3A_61 = arith.constant 0 : index
      %get3A_62 = vector.load %arg8[%get3A_60, %get3A_61] : memref<128x128xf32, #tpu.memory_space<vmem>>, vector<128x128xf32>
      %dot_general3A_63 = arith.constant dense<0.000000e+00> : vector<64x128xf32>
      %dot_general3A_64 = tpu.matmul %div3A, %get3A_62, %dot_general3A_63 {dimension_numbers = #tpu.dot_dimension_numbers<[1], [0], [0], [1], [0, 0, 1, 1], [], []>, transpose_lhs_hint = false} : vector<64x128xf32>, vector<128x128xf32>, vector<64x128xf32> -> vector<64x128xf32>
      %get3A_65 = arith.constant 0 : index
      %get3A_66 = arith.constant 0 : index
      %get3A_67 = vector.load %arg9[%get3A_65, %get3A_66] : memref<1x128xf32, #tpu.memory_space<vmem>>, vector<1x128xf32>
      %add3A_68 = vector.broadcast %get3A_67 : vector<1x128xf32> to vector<64x128xf32>
      %add3A_69 = arith.addf %dot_general3A_64, %add3A_68 : vector<64x128xf32>
      %swap3A = arith.constant 0 : index
      %swap3A_70 = arith.constant 0 : index
      %swap3A_71 = vector.load %arg10[%swap3A, %swap3A_70] : memref<64x128xf32, #tpu.memory_space<vmem>>, vector<64x128xf32>
      tpu.vector_store %arg10[%swap3A, %swap3A_70], %add3A_69 {strides = array<i32>} : memref<64x128xf32, #tpu.memory_space<vmem>>, vector<64x128xf32>,
    } else {
    }
    return
  }
  func.func @transform_0(%arg0: i32) -> (i32, i32, i32) {
    %c0_i32 = arith.constant 0 : i32
    %c0_i32_0 = arith.constant 0 : i32
    %c0_i32_1 = arith.constant 0 : i32
    return %c0_i32, %arg0, %c0_i32_0 : i32, i32, i32
  }
  func.func @transform_1(%arg0: i32) -> (i32, i32, i32) {
    %c1_i32 = arith.constant 1 : i32
    %c0_i32 = arith.constant 0 : i32
    %c0_i32_0 = arith.constant 0 : i32
    return %c1_i32, %arg0, %c0_i32 : i32, i32, i32
  }
  func.func @transform_2(%arg0: i32) -> (i32, i32) {
    %c0_i32 = arith.constant 0 : i32
    %c0_i32_0 = arith.constant 0 : i32
    return %arg0, %c0_i32 : i32, i32
  }
  func.func @transform_3(%arg0: i32) -> (i32, i32) {
    %c0_i32 = arith.constant 0 : i32
    %c0_i32_0 = arith.constant 0 : i32
    %c0_i32_1 = arith.constant 0 : i32
    return %c0_i32, %c0_i32_0 : i32, i32
  }
  func.func @transform_4(%arg0: i32) -> (i32, i32) {
    %c0_i32 = arith.constant 0 : i32
    %c0_i32_0 = arith.constant 0 : i32
    %c0_i32_1 = arith.constant 0 : i32
    return %c0_i32, %c0_i32_0 : i32, i32
  }
  func.func @transform_5(%arg0: i32) -> (i32, i32) {
    %c0_i32 = arith.constant 0 : i32
    %c0_i32_0 = arith.constant 0 : i32
    %c0_i32_1 = arith.constant 0 : i32
    return %c0_i32, %c0_i32_0 : i32, i32
  }
  func.func @transform_6(%arg0: i32) -> (i32, i32, i32) {
    %c0_i32 = arith.constant 0 : i32
    %c0_i32_0 = arith.constant 0 : i32
    %c0_i32_1 = arith.constant 0 : i32
    return %arg0, %c0_i32, %c0_i32_0 : i32, i32, i32
  }
  func.func @transform_7(%arg0: i32) -> (i32, i32) {
    %c0_i32 = arith.constant 0 : i32
    %c0_i32_0 = arith.constant 0 : i32
    %c0_i32_1 = arith.constant 0 : i32
    return %c0_i32, %c0_i32_0 : i32, i32
  }
  func.func @transform_8(%arg0: i32) -> (i32, i32) {
    %c0_i32 = arith.constant 0 : i32
    %c0_i32_0 = arith.constant 0 : i32
    %c0_i32_1 = arith.constant 0 : i32
    return %c0_i32, %c0_i32_0 : i32, i32
  }
  func.func @transform_9(%arg0: i32) -> (i32, i32) {
    %c0_i32 = arith.constant 0 : i32
    %c0_i32_0 = arith.constant 0 : i32
    %c0_i32_1 = arith.constant 0 : i32
    return %c0_i32, %c0_i32_0 : i32, i32
  }
}

</mosaic_0001>

<sc_bundles>
// kernel: kernel.11.cloned.1.call-start
scs
__scs_entry_jumppad:
0x0: {  	(pc) =	sbr.rel $0x88, $3  }
0x1: {  	(tag) =	ssettag $0x0;
	lr =	simm.s32 $0x1  }
0x2: {  	[smem:$0x3F93] =	sst lr;
	_ =	strace $0xD0000000  }
0x3: {  	_ = 	snop  }
0x4: {  	_ = 	snop  }
0x5: {  	_ = 	snop  }
0x6: {  	_ = 	snop  }
0x7: {  	_ = 	snop  }
__scs_overlays_trampoline_lowered:
0x8: {  	[smem:$0x3FA2] =	sst s0  }
0x9: {  	[smem:$0x3FA3] =	sst s1  }
0xa: {  	[smem:$0x3FA4] =	sst s2  }
0xb: {  	[smem:$0x3FA5] =	sst s3  }
0xc: {  	[smem:$0x3FA6] =	sst s4  }
0xd: {  	[smem:$0x3FA7] =	sst s5  }
0xe: {  	[smem:$0x3FA8] =	sst s6  }
0xf: {  	[smem:$0x3FA9] =	sst s7  }
0x10: {  	[smem:$0x3FAA] =	sst s8  }
0x11: {  	[smem:$0x3FAB] =	sst s9;
	s0 =	simm.s32 @!p0 $0x0  }
0x12: {  	s1 =	sld [smem:$0x3F91];
	s0 =	simm.s32 @p0 $0x1  }
0x13: {  	[smem:$0x3FAC] =	sst s0;
	s0 =	simm.s32 @!p1 $0x0  }
0x14: {  	s2 =	sld [smem:$0x3F90];
	s0 =	simm.s32 @p1 $0x1  }
0x15: {  	[smem:$0x3FAD] =	sst s0;
	s0 =	simm.s32 @!p2 $0x0  }
0x16: {  	s3 =	sld [smem:$0x3FDB];
	s0 =	simm.s32 @p2 $0x1  }
0x17: {  	s4 =	simm.s32 $0x1BF5;
	[smem:$0x3FAF] =	sst s0  }
0x18: {  	s0 =	sld [smem:$0x3F92];
	_ =	swait.ge [sflag:s4], $0x0  }
0x19: {  	s7 =	sld [smem:$0x3F93]  }
0x1a: {  	s8 =	sadd.s32 $0xFFFFE003, lr  }
0x1b: {  	s9 =	sadd.s32 $0xFFFFFEF7, lr;
	s5 =	simm.s32 $0xFFFFFFFF;
	p2 =	slt.u32 s8, $0xFFFFF086  }
0x1c: {  	p1 =	slt.u32 s9, $0xF7A;
	s5 =	simm.s32 @!p2 $0x0  }
0x1d: {  	s5 =	simm.s32 @p1 $0x1;
	p0 =	seq.s32 s7, s2  }
0x1e: {  	s7 =	smul.u32 @!p0 $0xF7A, s2;
	p2 =	seq.s32 @!p0 s5, $0x0  }
0x1f: {  	s9 =	smul.u32 $0xF7A, s1;
	s8 =	simm.s32 @!p0 $0x1BF5;
	p2 =	por !p2, p0  }
0x20: {  	[sflag:s8] =	ssyncset.s32 @!p0 $0xFFFFF086;
	s6 =	sadd.s32 @!p0 s3, s7;
	s7 =	simm.s32 @!p0 $0x108  }
0x21: {  	s3 =	sadd.s32 s3, s9;
	s6 =	sadd.s32 @!p0 $0x88, s6;
	s7 =	simm.s32 @p2 $0x1082  }
0x22: {  	[simem:s7], [sflag:s8] =	dma.local @!p0 [hbm:s6], $0xF7A  }
0x23: {  	s9 =	sor.u32 $0xD0000000, s2;
	s6 =	simm.s32 $0x108;
	_ =	swait.ge @!p0 [sflag:s8], $0x0  }
0x24: {  	s3 =	sadd.s32 $0x88, s3;
	s6 =	simm.s32 @!p1 $0x1082;
	[sflag:s4] =	ssyncset.s32 $0xFFFFF086  }
0x25: {  	[simem:s6], [sflag:s4] =	dma.local [hbm:s3], $0xF7A  }
0x26: {  	[smem:$0x3F93] =	sst s1;
	(tag) =	ssettag s2;
	_ =	strace s9  }
0x27: {  	s1 =	sld [smem:$0x3FA3]  }
0x28: {  	s2 =	sld [smem:$0x3FA4]  }
0x29: {  	s4 =	sld [smem:$0x3FA6]  }
0x2a: {  	p0 =	seq.s32 s5, $0x0;
	s5 =	sld [smem:$0x3FA7]  }
0x2b: {  	s6 =	sld [smem:$0x3FA8]  }
0x2c: {  	s7 =	sld [smem:$0x3FA9]  }
0x2d: {  	s3 =	simm.s32 $0x108;
	s8 =	sld [smem:$0x3FAA]  }
0x2e: {  	s3 =	simm.s32 @!p0 $0x1082;
	s9 =	sld [smem:$0x3FAB]  }
0x2f: {  	lr =	sadd.s32 s0, s3;
	s0 =	sld [smem:$0x3FA2]  }
0x30: {  	s3 =	sld [smem:$0x3FA5]  }
0x31: {  	[smem:$0x3FAE] =	sst s10  }
0x32: {  	s10 =	sld [smem:$0x3FAC];
	_ =	sdelay $0x3  }
0x33: {  	p0 =	seq.s32 s10, $0x1;
	s10 =	sld [smem:$0x3FAE];
	_ =	sdelay $0x3  }
0x34: {  	[smem:$0x3FAE] =	sst s10  }
0x35: {  	s10 =	sld [smem:$0x3FAD];
	_ =	sdelay $0x3  }
0x36: {  	p1 =	seq.s32 s10, $0x1;
	s10 =	sld [smem:$0x3FAE];
	_ =	sdelay $0x3  }
0x37: {  	[smem:$0x3FAE] =	sst s10  }
0x38: {  	s10 =	sld [smem:$0x3FAF]  }
0x39: {  	_ = 	snop;
	(pc) =	sbr.ind lr, $3  }
0x3a: {  	_ = 	snop  }
0x3b: {  	_ = 	snop  }
0x3c: {  	p2 =	seq.s32 s10, $0x1;
	s10 =	sld [smem:$0x3FAE]  }
0x3d: {  	_ =	shalt  }
0x3e: {  	_ =	shalt  }
0x3f: {  	_ =	shalt  }
0x40: {  	_ =	shalt  }
0x41: {  	_ =	shalt  }
0x42: {  	_ =	shalt  }
0x43: {  	_ =	shalt  }
0x44: {  	_ =	shalt  }
0x45: {  	_ =	shalt  }
0x46: {  	_ =	shalt  }
0x47: {  	_ =	shalt  }
0x48: {  	_ =	shalt  }
0x49: {  	_ =	shalt  }
0x4a: {  	_ =	shalt  }
0x4b: {  	_ =	shalt  }
0x4c: {  	_ =	shalt  }
0x4d: {  	_ =	shalt  }
0x4e: {  	_ =	shalt  }
0x4f: {  	_ =	shalt  }
0x50: {  	_ =	shalt  }
0x51: {  	_ =	shalt  }
0x52: {  	_ =	shalt  }
0x53: {  	_ =	shalt  }
0x54: {  	_ =	shalt  }
0x55: {  	_ =	shalt  }
0x56: {  	_ =	shalt  }
0x57: {  	_ =	shalt  }
0x58: {  	_ =	shalt  }
0x59: {  	_ =	shalt  }
0x5a: {  	_ =	shalt  }
0x5b: {  	_ =	shalt  }
0x5c: {  	_ =	shalt  }
0x5d: {  	_ =	shalt  }
0x5e: {  	_ =	shalt  }
0x5f: {  	_ =	shalt  }
0x60: {  	_ =	shalt  }
0x61: {  	_ =	shalt  }
0x62: {  	_ =	shalt  }
0x63: {  	_ =	shalt  }
0x64: {  	_ =	shalt  }
0x65: {  	_ =	shalt  }
0x66: {  	_ =	shalt  }
0x67: {  	_ =	shalt  }
0x68: {  	_ =	shalt  }
0x69: {  	_ =	shalt  }
0x6a: {  	_ =	shalt  }
0x6b: {  	_ =	shalt  }
0x6c: {  	_ =	shalt  }
0x6d: {  	_ =	shalt  }
0x6e: {  	_ =	shalt  }
0x6f: {  	_ =	shalt  }
0x70: {  	_ =	shalt  }
0x71: {  	_ =	shalt  }
0x72: {  	_ =	shalt  }
0x73: {  	_ =	shalt  }
0x74: {  	_ =	shalt  }
0x75: {  	_ =	shalt  }
0x76: {  	_ =	shalt  }
0x77: {  	_ =	shalt  }
0x78: {  	_ =	shalt  }
0x79: {  	_ =	shalt  }
0x7a: {  	_ =	shalt  }
0x7b: {  	_ =	shalt  }
0x7c: {  	_ =	shalt  }
0x7d: {  	_ =	shalt  }
0x7e: {  	_ =	shalt  }
0x7f: {  	_ =	shalt  }
0x80: {  	_ =	shalt  }
0x81: {  	_ =	shalt  }
0x82: {  	_ =	shalt  }
0x83: {  	_ =	shalt  }
0x84: {  	_ =	shalt  }
0x85: {  	_ =	shalt  }
0x86: {  	_ =	shalt  }
0x87: {  	_ =	shalt  }
.Lfunc_end0:
.L_simem_size_0:
called_computation.1_lowered:
.L_overlay_start_0:
0x88: {  	s2 =	sld [smem:$0x3FD9]  }
0x89: {  	s3 =	sld [smem:$0x3FFE];
	_ =	sdelay $0x1  }
0x8a: {  	s1 =	srdreg.scid  }
0x8b: {  	s0 =	sand.u32 $0x1, s1  }
0x8c: {  	s16 =	sshll.u32 s0, $0xA;
	s2 =	sadd.s32 s3, s2  }
0x8d: {  	s2 =	sadd.s32 s2, s16  }
0x8e: {  	[smem:$0x3FBA] =	sst s2  }
0x8f: {  	_ = 	snop  }
0x90: {  	(tm) =	ssettm $0x1  }
0x91: {  	s17 =	sld [smem:$0x3FFB];
	_ =	sdelay $0x3  }
0x92: {  	_ =	strace s17  }
0x93: {  	s2 =	sld [smem:$0x3FFC];
	_ =	sdelay $0x3  }
0x94: {  	_ =	strace s2  }
0x95: {  	s2 =	sld [smem:$0x3FFD];
	_ =	sdelay $0x3  }
0x96: {  	_ =	strace s2  }
0x97: {  	_ =	strace $0x8FFFFFFF  }
0x98: {  	s18 =	sld [smem:$0x3FDB];
	_ =	sdelay $0x1  }
0x99: {  	s19 =	simm.s32 $_scs_section_size  }
0x9a: {  	s4 =	simm.s32 $_size__tile_overlayer_lowered;
	s5 =	simm.s32 $_tile_overlayer_lowered  }
0x9b: {  	s22 =	simm.s32 $0x1BFF;
	s21 =	sshll.u32 s5, $0x1;
	s2 =	sadd.s32 s19, s18  }
0x9c: {  	s6 =	simm.s32 $0x0;
	s20 =	sshll.u32 s4, $0x1;
	s4 =	sadd.s32 s21, s2  }
0x9d: {  	[timem:s6], [sflag:s22] =	dma.local [hbm:s4], s20  }
0x9e: {  	_ =	swait.ge [sflag:s22], s20  }
0x9f: {  	s3 =	ssub.s32 $0x0, s20;
	[sflag:s22] =	ssyncset.done $0x0  }
0xa0: {  	[sflag:s22] =	ssyncadd.s32 s3;
	_ =	sdelay $0x1  }
0xa1: {  	s23 =	simm.s32 $0x1B8B  }
0xa2: {  	_ =	swait.ge [sflag:s23], $0x1  }
0xa3: {  	[sflag:s23] =	ssyncset.done $0x0  }
0xa4: {  	s25 =	simm.s32 $0x1B8E;
	s24 =	sld [smem:$0x3FFE];
	[sflag:s23] =	ssyncadd.s32 $0xFFFFFFFF  }
0xa5: {  	s26 =	simm.s32 $execute0_lowered;
	[smem:$0x3FD2] =	sst s25  }
0xa6: {  	s4 =	sshll.u32 s26, $0x1;
	_ =	strace $0x80000049;
	[dreg:$0x1] =	wrdreg $0xFFFFFFFF  }
0xa7: {  	s28 =	simm.s32 $_size_execute0_lowered;
	s2 =	sadd.s32 s2, s4;
	[dreg:$0x0] =	wrdreg $0x0  }
0xa8: {  	s4 =	sshll.u32 s28, $0x1;
	[dreg:$0x2] =	wrdreg s2  }
0xa9: {  	[dreg:$0x3] =	wrdreg s4  }
0xaa: {  	[dreg:$0x4] =	wrdreg $0xC0  }
0xab: {  	_ =	task [dreg:s6], $0x5FFFF  }
0xac: {  	[dreg:$0x1] =	wrdreg $0xFFFFFFFF  }
0xad: {  	[dreg:$0x0] =	wrdreg $0x60  }
0xae: {  	[dreg:$0x2] =	wrdreg s24  }
0xaf: {  	[dreg:$0x3] =	wrdreg $0xA9800  }
0xb0: {  	[dreg:$0x4] =	wrdreg $0x9  }
0xb1: {  	_ =	task.clear_ibuf [dreg:s6], $0x5FFFF;
	_ =	strace $0x90000049  }
0xb2: {  	s29 =	simm.s32 $0x9;
	_ =	strace $0x8000004B  }
0xb3: {  	_ =	swait.ge [sflag:s29], $0x1  }
0xb4: {  	[sflag:s29] =	ssyncadd.s32 $0xFFFFFFFF  }
0xb5: {  	_ =	strace $0x9000004B  }
0xb6: {  	_ =	sfence  }
0xb7: {  	s30 =	sld [smem:$0x0];
	_ =	sdelay $0x2  }
0xb8: {  	s31 =	sshll.u32 s1, $0xD;
	s1 =	sshrl.u32 s1, $0x2  }
0xb9: {  	s3 =	sand.u32 $0x4000, s31;
	s1 =	sadd.s32 s1, s30  }
0xba: {  	s0 =	sor.u32 s3, s0;
	s1 =	sshll.u32 s1, $0x11  }
0xbb: {  	s0 =	sor.u32 s1, s0  }
0xbc: {  	s0 =	sadd.s32 $0x8F2B, s0  }
0xbd: {  	[sflag:s0] =	ssyncadd.remote.s32 $0x1  }
0xbe: {  	_ =	sfence.sel $0xFFFF  }
0xbf: {  	[dreg:$0x0] =	wrdreg $0xFFFFFFFF;
	(pc) =	sbr.abs _section_cstart, $3  }
0xc0: {  	[dreg:$0x1] =	wrdreg $0xFFFFFFFF  }
0xc1: {  	_ =	task.clear_ibuf [dreg:s6], $0x2FFFF;
	_ =	strace $0x9FFFFFFF  }
0xc2: {  	(tm) =	ssettm $0x7FFFFFFF  }
0xc3: {  	_ =	shalt  }
tec
execute0_lowered:
.L_overlay_start_1:
0x0: {  	(tag) =	ssettag $0x1  }
0x1: {  	s0 =	srdreg.scid  }
0x2: {  	s14 =	stileid.u32;
	s1 =	rddreg [dreg:$0x0]  }
0x3: {  	s2 =	rddreg [dreg:$0x1];
	s28 =	simm.s32 $0xA780;
	s29 =	simm.s32 $0x9  }
0x4: {  	s31 =	simm.s32 $0xA880;
	s0 =	sand.u32 $0x1, s0;
	s6 =	smul.u32 $0x13800, s14  }
0x5: {  	s3 =	sshll.u32 s14, $0x1;
	s10 =	smul.u32 $0x4E000, s14;
	s13 =	sadd.s32 $0x65200, s1  }
0x6: {  	s30 =	sshll.u32 s14, $0x6;
	s15 =	sadd.s32 $0x138000, s2;
	s22 =	smul.u32 $0x4E20, s14  }
0x7: {  	p0 =	sne.s32 s14, $0xF;
	s4 =	sor.u32 s0, s3;
	s17 =	smul.u32 $0x138800, s0  }
0x8: {  	s3 =	simm.s32 $0x0;
	s11 =	ssub.s32 $0x2, s0;
	s0 =	smul.u32 $0x2710, s0  }
0x9: {  	s14 =	simm.s32 $0x8;
	s5 =	smul.u32 $0x2710, s4;
	[smem:$0x7FF] =	sst s3  }
0xa: {  	s4 =	sadd.s32 $0x3E000, s1;
	s9 =	sshrl.u32 s6, $0x3;
	s12 =	sshrl.u32 s11, $0x1  }
0xb: {  	s10 =	sshrl.u32 s10, $0x2;
	_ =	strace $0x8000004A;
	s9 =	sadd.s32 s9, s1  }
0xc: {  	s11 =	ssub.s32 s11, s12;
	s10 =	sadd.s32 s10, s2;
	[dreg:$0x4] =	wrdreg s30  }
0xd: {  	s12 =	sor.u32 $0x1C01, s30;
	[dreg:$0x8] =	wrdreg s15;
	s21 =	sadd.s32 s6, s17  }
0xe: {  	s0 =	sadd.s32 s0, s22;
	s15 =	simm.s32 $0x0;
	s7 =	sshrl.u32 s5, $0x3  }
0xf: {  	s5 =	sadd.s32 $0x3200, s1;
	[dreg:$0x3] =	wrdreg s10;
	s9 =	sadd.s32 $0x16E00, s9  }
0x10: {  	[dreg:$0x6] =	wrdreg s12;
	s24 =	smax.u32 s11, $0x1;
	s25 =	sadd.s32 $0x100, s0  }
0x11: {  	s26 =	sadd.s32 $0x140, s0;
	s6 =	sadd.s32 $0x180, s0;
	s0 =	sadd.s32 $0x1C0, s0  }
0x12: {  	s10 =	simm.s32 $0x5;
	s11 =	simm.s32 $0x3;
	[dreg:$0x5] =	wrdreg s9  }
0x13: {  	s8 =	sadd.s32 s7, s1;
	s16 =	sadd.s32 s5, s7;
	[dreg:$0x11] =	wrdreg s24  }
0x14: {  	s1 =	sadd.s32 $0x3DE00, s1;
	s7 =	sshrl.u32 s17, $0x3;
	[dreg:$0x12] =	wrdreg s25  }
0x15: {  	s6 =	sshrl.u32 s6, $0x3;
	s0 =	sshrl.u32 s0, $0x3;
	[dreg:$0xa] =	wrdreg s1  }
0x16: {  	s25 =	simm.s32 $0x1;
	s8 =	sadd.s32 $0xD000, s8;
	[dreg:$0x9] =	wrdreg s16  }
0x17: {  	s9 =	simm.s32 $0x8780;
	s18 =	sadd.s32 $0x4E0, s16;
	[dreg:$0x7] =	wrdreg s8  }
0x18: {  	s19 =	sadd.s32 $0x8, s16;
	s20 =	sadd.s32 $0x10, s16;
	[dreg:$0xb] =	wrdreg s18  }
0x19: {  	s1 =	sshrl.u32 s21, $0x3;
	s23 =	sadd.s32 s13, s7;
	[dreg:$0xc] =	wrdreg s19  }
0x1a: {  	s30 =	sadd.s32 s6, s5;
	s0 =	sadd.s32 s0, s5;
	[dreg:$0xd] =	wrdreg s20  }
0x1b: {  	s6 =	simm.s32 $0x6780;
	s7 =	simm.s32 $0x4;
	[dreg:$0x14] =	wrdreg s30  }
.Ltmp0:
0x1c: {  	s1 =	sadd.s32 s13, s1;
	[dreg:$0x15] =	wrdreg s0;
	(pc) =	sbr.rel .LBB2_1-.Ltmp0, $4  }
0x1d: {  	s8 =	sadd.s32 $0x18, s16;
	[dreg:$0xf] =	wrdreg s1;
	s1 =	sadd.s32 $0x27000, s23  }
0x1e: {  	s0 =	simm.s32 $0x40;
	[dreg:$0x10] =	wrdreg s1;
	s1 =	sshrl.u32 s26, $0x3  }
0x1f: {  	s13 =	simm.s32 $0x7;
	[dreg:$0xe] =	wrdreg s8;
	s1 =	sadd.s32 s1, s5  }
0x20: {  	s8 =	simm.s32 $0xA900;
	[dreg:$0x13] =	wrdreg s1;
	s1 =	simm.s32 $0x2780  }
.LBB2_4:
0x21: {  	_ =	swait.ge [sflag:s7], $0x2000  }
0x22: {  	[sflag:s7] =	ssyncset.done $0x0  }
0x23: {  	[sflag:s7] =	ssyncadd.s32 $0xFFFFE000  }
0x24: {  	_ =	swait.ge [sflag:s14], $0x40  }
0x25: {  	[sflag:s14] =	ssyncset.done $0x0  }
0x26: {  	[sflag:s14] =	ssyncadd.s32 $0xFFFFFFC0  }
0x27: {  	[spmem:s2] =	stream.indirect.scatter.add.f32 [tilespmem:s9], [sflag:$0x9], $0x80, s8, s0, $0xb8;
	[tilespmem:$0x1E200] =	vst v63  }
0x28: {  	_ =	swait.ge [sflag:s29], $0x2000  }
0x29: {  	[sflag:s29] =	ssyncset.done $0x0  }
0x2a: {  	[sflag:s29] =	ssyncadd.s32 $0xFFFFE000  }
0x2b: {  	[bflag:$0x0] =	sbarrier.arrive $0xFFFF  }
0x2c: {  	s12 =	rddreg [dreg:$0x4]  }
0x2d: {  	s16 =	rddreg [dreg:$0xf];
	s12 =	sor.u32 $0x1C09, s12  }
0x2e: {  	[hbm:s16], [sflag:s12] =	dma.local [spmem:s17], $0x2700  }
0x2f: {  	_ =	swait.ge [sflag:s29], $0x2700  }
0x30: {  	[sflag:s29] =	ssyncset.done $0x0;
	s16 =	rddreg [dreg:$0x10]  }
0x31: {  	s17 =	rddreg [dreg:$0x16];
	[sflag:s29] =	ssyncadd.s32 $0xFFFFD900  }
0x32: {  	[hbm:s16], [sflag:s12] =	dma.local @!p0 [spmem:s17], $0x100  }
0x33: {  	s12 =	simm.s32 @!p0 $0x9  }
0x34: {  	_ =	swait.ge @!p0 [sflag:s12], $0x100  }
0x35: {  	s15 =	sadd.s32 $0x1, s15;
	s30 =	rddreg [dreg:$0x11]  }
0x36: {  	p1 =	sne.s32 s15, s30  }
.Ltmp1:
0x37: {  	_ = 	snop;
	(pc) =	sbr.rel @!p1 .LBB2_5-.Ltmp1, $3  }
0x38: {  	_ =	sdelay $0x1  }
0x39: {  	[sflag:s12] =	ssyncset.done @!p0 $0x0  }
0x3a: {  	[sflag:s12] =	ssyncadd.s32 @!p0 $0xFFFFFF00  }
.LBB2_1:
0x3b: {  	s12 =	rddreg [dreg:$0x3]  }
0x3c: {  	s23 =	rddreg [dreg:$0x5]  }
0x3d: {  	s16 =	rddreg [dreg:$0x6];
	s17 =	sshrl.u32 s12, $0x3  }
0x3e: {  	[spmem:s17], [sflag:s16] =	dma.local [hbm:s23], $0x2700  }
0x3f: {  	s12 =	rddreg [dreg:$0x7]  }
0x40: {  	[tilespmem:s3], [sflag:$0x2] =	stream.linear.gather [hbm4b:s12+s3], $0x2710, $0x38;
	[tilespmem:$0x1E200] =	vst v63  }
0x41: {  	s12 =	rddreg [dreg:$0x8]  }
0x42: {  	s16 =	sshrl.u32 @!p0 s12, $0x3;
	s12 =	rddreg [dreg:$0xa]  }
0x43: {  	s20 =	simm.s32 @!p0 $0x1FC3;
	[dreg:$0x16] =	wrdreg s16  }
0x44: {  	[spmem:s16], [sflag:s20] =	dma.local @!p0 [hbm:s12], $0x100  }
0x45: {  	s20 =	simm.s32 @!p0 $0x3  }
0x46: {  	_ =	swait.ge @!p0 [sflag:s20], $0x100  }
0x47: {  	[sflag:s20] =	ssyncset.done @!p0 $0x0  }
0x48: {  	[sflag:s20] =	ssyncadd.s32 @!p0 $0xFFFFFF00  }
0x49: {  	_ =	swait.ge [sflag:s25], $0x2700  }
0x4a: {  	[sflag:s25] =	ssyncset.done $0x0  }
0x4b: {  	s24 =	simm.s32 $0x2;
	[sflag:s25] =	ssyncadd.s32 $0xFFFFD900  }
0x4c: {  	_ =	swait.ge [sflag:s24], $0x2710  }
0x4d: {  	[sflag:s24] =	ssyncset.done $0x0  }
0x4e: {  	[sflag:s24] =	ssyncadd.s32 $0xFFFFD8F0  }
0x4f: {  	[bflag:$0x0] =	sbarrier.arrive $0xFFFF  }
0x50: {  	s26 =	rddreg [dreg:$0xb]  }
0x51: {  	[tilespmem:s28], [sflag:$0x9] =	stream.linear.gather [hbm4b:s26+s3], $0x10, $0x38;
	[tilespmem:$0x1E200] =	vst v63  }
0x52: {  	_ =	swait.ge [sflag:s29], $0x10  }
0x53: {  	[sflag:s29] =	ssyncset.done $0x0  }
0x54: {  	s30 =	simm.s32 $0x10;
	s18 =	simm.s32 $0x2700;
	[sflag:s29] =	ssyncadd.s32 $0xFFFFFFF0  }
0x55: {  	[tilespmem:s1], [sflag:$0x1] =	stream.indirect.gather [hbm4b:s4+s30], $0x80, s18, s30, $0xb8;
	[tilespmem:$0x1E200] =	vst v63  }
0x56: {  	_ =	swait.ge [sflag:s25], $0x800  }
0x57: {  	[sflag:s25] =	ssyncset.done $0x0  }
0x58: {  	[sflag:s25] =	ssyncadd.s32 $0xFFFFF800  }
0x59: {  	[spmem:s2] =	stream.indirect.scatter.add.f32 [tilespmem:s1], [sflag:$0x9], $0x80, s28, s30, $0xb8;
	[tilespmem:$0x1E200] =	vst v63  }
0x5a: {  	_ =	swait.ge [sflag:s29], $0x800  }
0x5b: {  	[sflag:s29] =	ssyncset.done $0x0  }
0x5c: {  	s19 =	rddreg [dreg:$0x9];
	[sflag:s29] =	ssyncadd.s32 $0xFFFFF800  }
0x5d: {  	[tilespmem:s28], [sflag:$0x5] =	stream.linear.gather [hbm4b:s19+s3], $0x40, $0x38;
	[tilespmem:$0x1E200] =	vst v63  }
0x5e: {  	s20 =	rddreg [dreg:$0xc]  }
0x5f: {  	[tilespmem:s1], [sflag:$0x1] =	stream.indirect.gather [hbm4b:s4+s0], $0x80, s3, s0, $0xb8;
	[tilespmem:$0x1E200] =	vst v63  }
0x60: {  	s21 =	simm.s32 $0xA800;
	s23 =	rddreg [dreg:$0xd]  }
0x61: {  	[tilespmem:s21], [sflag:$0x6] =	stream.linear.gather [hbm4b:s20+s3], $0x40, $0x38;
	[tilespmem:$0x1E200] =	vst v63  }
0x62: {  	s22 =	simm.s32 $0x4780;
	s26 =	rddreg [dreg:$0xe]  }
0x63: {  	[tilespmem:s22], [sflag:$0x2] =	stream.indirect.gather [hbm4b:s4+s0], $0x80, s0, s0, $0xb8;
	[tilespmem:$0x1E200] =	vst v63  }
0x64: {  	s21 =	rddreg [dreg:$0x12]  }
0x65: {  	[tilespmem:s31], [sflag:$0x7] =	stream.linear.gather [hbm4b:s23+s3], $0x40, $0x38;
	[tilespmem:$0x1E200] =	vst v63  }
0x66: {  	s24 =	simm.s32 $0x80;
	s22 =	rddreg [dreg:$0x13]  }
0x67: {  	[tilespmem:s6], [sflag:$0x3] =	stream.indirect.gather [hbm4b:s4+s0], $0x80, s24, s0, $0xb8;
	[tilespmem:$0x1E200] =	vst v63  }
0x68: {  	s23 =	rddreg [dreg:$0x14]  }
0x69: {  	[tilespmem:s8], [sflag:$0x8] =	stream.linear.gather [hbm4b:s26+s3], $0x40, $0x38;
	[tilespmem:$0x1E200] =	vst v63  }
0x6a: {  	s30 =	simm.s32 $0xC0;
	s20 =	simm.s32 $0x0;
	s24 =	rddreg [dreg:$0x15]  }
0x6b: {  	[tilespmem:s9], [sflag:$0x4] =	stream.indirect.gather [hbm4b:s4+s0], $0x80, s30, s0, $0xb8;
	[tilespmem:$0x1E200] =	vst v63  }
.LBB2_2:
0x6c: {  	_ =	swait.ge [sflag:s25], $0x2000  }
0x6d: {  	[sflag:s25] =	ssyncset.done $0x0  }
0x6e: {  	[sflag:s25] =	ssyncadd.s32 $0xFFFFE000  }
0x6f: {  	_ =	swait.ge [sflag:s10], $0x40  }
0x70: {  	[sflag:s10] =	ssyncset.done $0x0  }
0x71: {  	[sflag:s10] =	ssyncadd.s32 $0xFFFFFFC0  }
0x72: {  	[spmem:s2] =	stream.indirect.scatter.add.f32 [tilespmem:s1], [sflag:$0x9], $0x80, s28, s0, $0xb8;
	[tilespmem:$0x1E200] =	vst v63  }
0x73: {  	_ =	swait.ge [sflag:s29], $0x2000  }
0x74: {  	p1 =	seq.s32 s20, $0x9800;
	[sflag:s29] =	ssyncset.done $0x0  }
0x75: {  	s12 =	simm.s32 @p1 $0x2;
	[sflag:s29] =	ssyncadd.s32 $0xFFFFE000  }
0x76: {  	_ =	swait.ge @p1 [sflag:s12], $0x2000  }
0x77: {  	[sflag:s12] =	ssyncset.done @p1 $0x0  }
0x78: {  	[sflag:s12] =	ssyncadd.s32 @p1 $0xFFFFE000;
	s12 =	simm.s32 @p1 $0x6  }
0x79: {  	_ =	swait.ge @p1 [sflag:s12], $0x40  }
0x7a: {  	s19 =	simm.s32 @p1 $0xA800;
	[sflag:s12] =	ssyncset.done @p1 $0x0  }
0x7b: {  	s18 =	simm.s32 @p1 $0x4780;
	[sflag:s12] =	ssyncadd.s32 @p1 $0xFFFFFFC0;
	s12 =	simm.s32 @p1 $0x40  }
0x7c: {  	[spmem:s2] =	stream.indirect.scatter.add.f32 @p1 [tilespmem:s18], [sflag:$0x9], $0x80, s19, s12, $0xb8;
	[tilespmem:$0x1E200] =	vst v63  }
0x7d: {  	s12 =	simm.s32 @p1 $0x9  }
0x7e: {  	_ =	swait.ge @p1 [sflag:s12], $0x2000  }
0x7f: {  	[sflag:s12] =	ssyncset.done @p1 $0x0  }
0x80: {  	[sflag:s12] =	ssyncadd.s32 @p1 $0xFFFFE000;
	s12 =	sshrl.u32 @!p1 s21, $0x3  }
0x81: {  	s18 =	simm.s32 @!p1 $0x0;
	s19 =	simm.s32 @!p1 $0xA780;
	s12 =	sadd.s32 @!p1 s5, s12  }
0x82: {  	[tilespmem:s19], [sflag:$0x5] =	stream.linear.gather @!p1 [hbm4b:s12+s18], $0x40, $0x38;
	[tilespmem:$0x1E200] =	vst v63  }
0x83: {  	s12 =	sshra.s32 @!p1 s20, $0x2  }
0x84: {  	s30 =	simm.s32 @!p1 $0x40;
	s26 =	simm.s32 @!p1 $0x2780;
	s19 =	sadd.s32 @!p1 $0x100, s12  }
0x85: {  	[tilespmem:s26], [sflag:$0x1] =	stream.indirect.gather @!p1 [hbm4b:s4+s30], $0x80, s19, s30, $0xb8;
	[tilespmem:$0x1E200] =	vst v63  }
0x86: {  	s19 =	simm.s32 @!p1 $0x2  }
0x87: {  	_ =	swait.ge @!p1 [sflag:s19], $0x2000  }
0x88: {  	[sflag:s19] =	ssyncset.done @!p1 $0x0  }
0x89: {  	[sflag:s19] =	ssyncadd.s32 @!p1 $0xFFFFE000;
	s19 =	simm.s32 @!p1 $0x6  }
0x8a: {  	_ =	swait.ge @!p1 [sflag:s19], $0x40  }
0x8b: {  	s16 =	simm.s32 @!p1 $0x9;
	[sflag:s19] =	ssyncset.done @!p1 $0x0  }
0x8c: {  	s26 =	simm.s32 @!p1 $0x4780;
	[sflag:s19] =	ssyncadd.s32 @!p1 $0xFFFFFFC0;
	s19 =	simm.s32 @!p1 $0xA800  }
0x8d: {  	[spmem:s2] =	stream.indirect.scatter.add.f32 @!p1 [tilespmem:s26], [sflag:$0x9], $0x80, s19, s30, $0xb8;
	[tilespmem:$0x1E200] =	vst v63  }
0x8e: {  	_ =	swait.ge @!p1 [sflag:s16], $0x2000  }
0x8f: {  	[sflag:s16] =	ssyncset.done @!p1 $0x0  }
0x90: {  	[sflag:s16] =	ssyncadd.s32 @!p1 $0xFFFFE000  }
0x91: {  	[tilespmem:s19], [sflag:$0x6] =	stream.linear.gather @!p1 [hbm4b:s22+s18], $0x40, $0x38;
	[tilespmem:$0x1E200] =	vst v63  }
0x92: {  	s12 =	sadd.s32 @!p1 $0x140, s12  }
0x93: {  	[tilespmem:s26], [sflag:$0x2] =	stream.indirect.gather @!p1 [hbm4b:s4+s30], $0x80, s12, s30, $0xb8;
	[tilespmem:$0x1E200] =	vst v63  }
0x94: {  	_ =	swait.ge [sflag:s11], $0x2000  }
0x95: {  	[sflag:s11] =	ssyncset.done $0x0  }
0x96: {  	[sflag:s11] =	ssyncadd.s32 $0xFFFFE000  }
0x97: {  	_ =	swait.ge [sflag:s13], $0x40  }
0x98: {  	[sflag:s13] =	ssyncset.done $0x0  }
.Ltmp2:
0x99: {  	[sflag:s13] =	ssyncadd.s32 $0xFFFFFFC0;
	(pc) =	sbr.rel @p1 .LBB2_4-.Ltmp2, $4  }
0x9a: {  	[spmem:s2] =	stream.indirect.scatter.add.f32 [tilespmem:s6], [sflag:$0x9], $0x80, s31, s0, $0xb8;
	[tilespmem:$0x1E200] =	vst v63  }
0x9b: {  	_ =	swait.ge [sflag:s29], $0x2000  }
0x9c: {  	[sflag:s29] =	ssyncset.done $0x0  }
0x9d: {  	[sflag:s29] =	ssyncadd.s32 $0xFFFFE000  }
0x9e: {  	[tilespmem:s31], [sflag:$0x7] =	stream.linear.gather [hbm4b:s23+s3], $0x40, $0x38;
	[tilespmem:$0x1E200] =	vst v63  }
0x9f: {  	s12 =	sshra.s32 s20, $0x2  }
0xa0: {  	s16 =	sadd.s32 $0x180, s12  }
0xa1: {  	[tilespmem:s6], [sflag:$0x3] =	stream.indirect.gather [hbm4b:s4+s0], $0x80, s16, s0, $0xb8;
	[tilespmem:$0x1E200] =	vst v63  }
0xa2: {  	_ =	swait.ge [sflag:s7], $0x2000  }
0xa3: {  	[sflag:s7] =	ssyncset.done $0x0  }
0xa4: {  	[sflag:s7] =	ssyncadd.s32 $0xFFFFE000  }
0xa5: {  	_ =	swait.ge [sflag:s14], $0x40  }
0xa6: {  	[sflag:s14] =	ssyncset.done $0x0  }
0xa7: {  	[sflag:s14] =	ssyncadd.s32 $0xFFFFFFC0  }
0xa8: {  	[spmem:s2] =	stream.indirect.scatter.add.f32 [tilespmem:s9], [sflag:$0x9], $0x80, s8, s0, $0xb8;
	[tilespmem:$0x1E200] =	vst v63  }
0xa9: {  	_ =	swait.ge [sflag:s29], $0x2000  }
.Ltmp3:
0xaa: {  	s20 =	sadd.s32 $0x400, s20;
	[sflag:s29] =	ssyncset.done $0x0;
	(pc) =	sbr.rel .LBB2_2-.Ltmp3, $4  }
0xab: {  	s21 =	sadd.s32 $0x100, s21;
	s22 =	sadd.s32 $0x20, s22;
	[sflag:s29] =	ssyncadd.s32 $0xFFFFE000  }
0xac: {  	[tilespmem:s8], [sflag:$0x8] =	stream.linear.gather [hbm4b:s24+s3], $0x40, $0x38;
	[tilespmem:$0x1E200] =	vst v63  }
0xad: {  	s23 =	sadd.s32 $0x20, s23;
	s12 =	sadd.s32 $0x1C0, s12;
	s24 =	sadd.s32 $0x20, s24  }
0xae: {  	[tilespmem:s9], [sflag:$0x4] =	stream.indirect.gather [hbm4b:s4+s0], $0x80, s12, s0, $0xb8;
	[tilespmem:$0x1E200] =	vst v63  }
.LBB2_5:
0xaf: {  	_ =	sfence.sel $0x180000  }
0xb0: {  	[bflag:$0x0] =	sbarrier.arrive $0xFFFF  }
0xb1: {  	_ =	strace $0x9000004A  }
0xb2: {  	s0 =	stileid.u32;
	[bflag:$0x2] =	sbarrier.arrive $0xFFFF  }
0xb3: {  	p0 =	sne.s32 s0, $0x0;
	s0 =	rddreg [dreg:$0x2]  }
0xb4: {  	s0 =	sadd.s32 @!p0 $0x100000, s0  }
0xb5: {  	[sflag:s0] =	ssyncadd.tile.s32 @!p0 $0x1;
	_ =	shalt  }
.Lfunc_end2:
_tile_overlayer_lowered:
.L_overlay_start_2:
0xb6: {  	(tag) =	ssettag $0x2  }
0xb7: {  	s0 =	rddreg [dreg:$0x0];
	s2 =	stileid.u32  }
0xb8: {  	s1 =	rddreg [dreg:$0x1];
	p0 =	sne.s32 s2, $0x0  }
0xb9: {  	s3 =	rddreg [dreg:$0x2];
	[bflag:$0x3] =	sbarrier.arrive $0xFFFF;
	s2 =	simm.s32 @!p0 $0x1C09  }
0xba: {  	[timem:s3], [sflag:s2] =	dma.local @!p0 [hbm:s0], s1  }
0xbb: {  	s0 =	simm.s32 @!p0 $0x9  }
0xbc: {  	_ =	swait.ge @!p0 [sflag:s0], s1  }
0xbd: {  	s1 =	ssub.s32 @!p0 $0x0, s1;
	[sflag:s0] =	ssyncset.done @!p0 $0x0  }
0xbe: {  	[sflag:s0] =	ssyncadd.s32 @!p0 s1  }
0xbf: {  	[bflag:$0x3] =	sbarrier.arrive $0xFFFF  }
0xc0: {  	_ =	shalt  }

// kernel: kernel.14.cloned.1.call-start
scs
__scs_entry_jumppad:
0x0: {  	(pc) =	sbr.rel $0x88, $3  }
0x1: {  	(tag) =	ssettag $0x0;
	lr =	simm.s32 $0x1  }
0x2: {  	[smem:$0x3F93] =	sst lr;
	_ =	strace $0xD0000000  }
0x3: {  	_ = 	snop  }
0x4: {  	_ = 	snop  }
0x5: {  	_ = 	snop  }
0x6: {  	_ = 	snop  }
0x7: {  	_ = 	snop  }
__scs_overlays_trampoline_lowered:
0x8: {  	[smem:$0x3FA2] =	sst s0  }
0x9: {  	[smem:$0x3FA3] =	sst s1  }
0xa: {  	[smem:$0x3FA4] =	sst s2  }
0xb: {  	[smem:$0x3FA5] =	sst s3  }
0xc: {  	[smem:$0x3FA6] =	sst s4  }
0xd: {  	[smem:$0x3FA7] =	sst s5  }
0xe: {  	[smem:$0x3FA8] =	sst s6  }
0xf: {  	[smem:$0x3FA9] =	sst s7  }
0x10: {  	[smem:$0x3FAA] =	sst s8  }
0x11: {  	[smem:$0x3FAB] =	sst s9;
	s0 =	simm.s32 @!p0 $0x0  }
0x12: {  	s1 =	sld [smem:$0x3F91];
	s0 =	simm.s32 @p0 $0x1  }
0x13: {  	[smem:$0x3FAC] =	sst s0;
	s0 =	simm.s32 @!p1 $0x0  }
0x14: {  	s2 =	sld [smem:$0x3F90];
	s0 =	simm.s32 @p1 $0x1  }
0x15: {  	[smem:$0x3FAD] =	sst s0;
	s0 =	simm.s32 @!p2 $0x0  }
0x16: {  	s3 =	sld [smem:$0x3FDB];
	s0 =	simm.s32 @p2 $0x1  }
0x17: {  	s4 =	simm.s32 $0x1BF5;
	[smem:$0x3FAF] =	sst s0  }
0x18: {  	s0 =	sld [smem:$0x3F92];
	_ =	swait.ge [sflag:s4], $0x0  }
0x19: {  	s7 =	sld [smem:$0x3F93]  }
0x1a: {  	s8 =	sadd.s32 $0xFFFFE003, lr  }
0x1b: {  	s9 =	sadd.s32 $0xFFFFFEF7, lr;
	s5 =	simm.s32 $0xFFFFFFFF;
	p2 =	slt.u32 s8, $0xFFFFF086  }
0x1c: {  	p1 =	slt.u32 s9, $0xF7A;
	s5 =	simm.s32 @!p2 $0x0  }
0x1d: {  	s5 =	simm.s32 @p1 $0x1;
	p0 =	seq.s32 s7, s2  }
0x1e: {  	s7 =	smul.u32 @!p0 $0xF7A, s2;
	p2 =	seq.s32 @!p0 s5, $0x0  }
0x1f: {  	s9 =	smul.u32 $0xF7A, s1;
	s8 =	simm.s32 @!p0 $0x1BF5;
	p2 =	por !p2, p0  }
0x20: {  	[sflag:s8] =	ssyncset.s32 @!p0 $0xFFFFF086;
	s6 =	sadd.s32 @!p0 s3, s7;
	s7 =	simm.s32 @!p0 $0x108  }
0x21: {  	s3 =	sadd.s32 s3, s9;
	s6 =	sadd.s32 @!p0 $0x88, s6;
	s7 =	simm.s32 @p2 $0x1082  }
0x22: {  	[simem:s7], [sflag:s8] =	dma.local @!p0 [hbm:s6], $0xF7A  }
0x23: {  	s9 =	sor.u32 $0xD0000000, s2;
	s6 =	simm.s32 $0x108;
	_ =	swait.ge @!p0 [sflag:s8], $0x0  }
0x24: {  	s3 =	sadd.s32 $0x88, s3;
	s6 =	simm.s32 @!p1 $0x1082;
	[sflag:s4] =	ssyncset.s32 $0xFFFFF086  }
0x25: {  	[simem:s6], [sflag:s4] =	dma.local [hbm:s3], $0xF7A  }
0x26: {  	[smem:$0x3F93] =	sst s1;
	(tag) =	ssettag s2;
	_ =	strace s9  }
0x27: {  	s1 =	sld [smem:$0x3FA3]  }
0x28: {  	s2 =	sld [smem:$0x3FA4]  }
0x29: {  	s4 =	sld [smem:$0x3FA6]  }
0x2a: {  	p0 =	seq.s32 s5, $0x0;
	s5 =	sld [smem:$0x3FA7]  }
0x2b: {  	s6 =	sld [smem:$0x3FA8]  }
0x2c: {  	s7 =	sld [smem:$0x3FA9]  }
0x2d: {  	s3 =	simm.s32 $0x108;
	s8 =	sld [smem:$0x3FAA]  }
0x2e: {  	s3 =	simm.s32 @!p0 $0x1082;
	s9 =	sld [smem:$0x3FAB]  }
0x2f: {  	lr =	sadd.s32 s0, s3;
	s0 =	sld [smem:$0x3FA2]  }
0x30: {  	s3 =	sld [smem:$0x3FA5]  }
0x31: {  	[smem:$0x3FAE] =	sst s10  }
0x32: {  	s10 =	sld [smem:$0x3FAC];
	_ =	sdelay $0x3  }
0x33: {  	p0 =	seq.s32 s10, $0x1;
	s10 =	sld [smem:$0x3FAE];
	_ =	sdelay $0x3  }
0x34: {  	[smem:$0x3FAE] =	sst s10  }
0x35: {  	s10 =	sld [smem:$0x3FAD];
	_ =	sdelay $0x3  }
0x36: {  	p1 =	seq.s32 s10, $0x1;
	s10 =	sld [smem:$0x3FAE];
	_ =	sdelay $0x3  }
0x37: {  	[smem:$0x3FAE] =	sst s10  }
0x38: {  	s10 =	sld [smem:$0x3FAF]  }
0x39: {  	_ = 	snop;
	(pc) =	sbr.ind lr, $3  }
0x3a: {  	_ = 	snop  }
0x3b: {  	_ = 	snop  }
0x3c: {  	p2 =	seq.s32 s10, $0x1;
	s10 =	sld [smem:$0x3FAE]  }
0x3d: {  	_ =	shalt  }
0x3e: {  	_ =	shalt  }
0x3f: {  	_ =	shalt  }
0x40: {  	_ =	shalt  }
0x41: {  	_ =	shalt  }
0x42: {  	_ =	shalt  }
0x43: {  	_ =	shalt  }
0x44: {  	_ =	shalt  }
0x45: {  	_ =	shalt  }
0x46: {  	_ =	shalt  }
0x47: {  	_ =	shalt  }
0x48: {  	_ =	shalt  }
0x49: {  	_ =	shalt  }
0x4a: {  	_ =	shalt  }
0x4b: {  	_ =	shalt  }
0x4c: {  	_ =	shalt  }
0x4d: {  	_ =	shalt  }
0x4e: {  	_ =	shalt  }
0x4f: {  	_ =	shalt  }
0x50: {  	_ =	shalt  }
0x51: {  	_ =	shalt  }
0x52: {  	_ =	shalt  }
0x53: {  	_ =	shalt  }
0x54: {  	_ =	shalt  }
0x55: {  	_ =	shalt  }
0x56: {  	_ =	shalt  }
0x57: {  	_ =	shalt  }
0x58: {  	_ =	shalt  }
0x59: {  	_ =	shalt  }
0x5a: {  	_ =	shalt  }
0x5b: {  	_ =	shalt  }
0x5c: {  	_ =	shalt  }
0x5d: {  	_ =	shalt  }
0x5e: {  	_ =	shalt  }
0x5f: {  	_ =	shalt  }
0x60: {  	_ =	shalt  }
0x61: {  	_ =	shalt  }
0x62: {  	_ =	shalt  }
0x63: {  	_ =	shalt  }
0x64: {  	_ =	shalt  }
0x65: {  	_ =	shalt  }
0x66: {  	_ =	shalt  }
0x67: {  	_ =	shalt  }
0x68: {  	_ =	shalt  }
0x69: {  	_ =	shalt  }
0x6a: {  	_ =	shalt  }
0x6b: {  	_ =	shalt  }
0x6c: {  	_ =	shalt  }
0x6d: {  	_ =	shalt  }
0x6e: {  	_ =	shalt  }
0x6f: {  	_ =	shalt  }
0x70: {  	_ =	shalt  }
0x71: {  	_ =	shalt  }
0x72: {  	_ =	shalt  }
0x73: {  	_ =	shalt  }
0x74: {  	_ =	shalt  }
0x75: {  	_ =	shalt  }
0x76: {  	_ =	shalt  }
0x77: {  	_ =	shalt  }
0x78: {  	_ =	shalt  }
0x79: {  	_ =	shalt  }
0x7a: {  	_ =	shalt  }
0x7b: {  	_ =	shalt  }
0x7c: {  	_ =	shalt  }
0x7d: {  	_ =	shalt  }
0x7e: {  	_ =	shalt  }
0x7f: {  	_ =	shalt  }
0x80: {  	_ =	shalt  }
0x81: {  	_ =	shalt  }
0x82: {  	_ =	shalt  }
0x83: {  	_ =	shalt  }
0x84: {  	_ =	shalt  }
0x85: {  	_ =	shalt  }
0x86: {  	_ =	shalt  }
0x87: {  	_ =	shalt  }
.Lfunc_end0:
.L_simem_size_0:
called_computation.2_lowered:
.L_overlay_start_0:
0x88: {  	s2 =	sld [smem:$0x3FD9]  }
0x89: {  	s3 =	sld [smem:$0x3FFE];
	_ =	sdelay $0x1  }
0x8a: {  	s1 =	srdreg.scid  }
0x8b: {  	s0 =	sand.u32 $0x1, s1  }
0x8c: {  	s16 =	sshll.u32 s0, $0xA;
	s2 =	sadd.s32 s3, s2  }
0x8d: {  	s2 =	sadd.s32 s2, s16  }
0x8e: {  	[smem:$0x3FBA] =	sst s2  }
0x8f: {  	_ = 	snop  }
0x90: {  	(tm) =	ssettm $0x1  }
0x91: {  	s17 =	sld [smem:$0x3FFB];
	_ =	sdelay $0x3  }
0x92: {  	_ =	strace s17  }
0x93: {  	s2 =	sld [smem:$0x3FFC];
	_ =	sdelay $0x3  }
0x94: {  	_ =	strace s2  }
0x95: {  	s2 =	sld [smem:$0x3FFD];
	_ =	sdelay $0x3  }
0x96: {  	_ =	strace s2  }
0x97: {  	_ =	strace $0x8FFFFFFF  }
0x98: {  	s18 =	sld [smem:$0x3FDB];
	_ =	sdelay $0x1  }
0x99: {  	s19 =	simm.s32 $_scs_section_size  }
0x9a: {  	s4 =	simm.s32 $_size__tile_overlayer_lowered;
	s5 =	simm.s32 $_tile_overlayer_lowered  }
0x9b: {  	s22 =	simm.s32 $0x1BFF;
	s21 =	sshll.u32 s5, $0x1;
	s2 =	sadd.s32 s19, s18  }
0x9c: {  	s6 =	simm.s32 $0x0;
	s20 =	sshll.u32 s4, $0x1;
	s4 =	sadd.s32 s21, s2  }
0x9d: {  	[timem:s6], [sflag:s22] =	dma.local [hbm:s4], s20  }
0x9e: {  	_ =	swait.ge [sflag:s22], s20  }
0x9f: {  	s3 =	ssub.s32 $0x0, s20;
	[sflag:s22] =	ssyncset.done $0x0  }
0xa0: {  	[sflag:s22] =	ssyncadd.s32 s3;
	_ =	sdelay $0x1  }
0xa1: {  	s23 =	simm.s32 $0x1B8B  }
0xa2: {  	_ =	swait.ge [sflag:s23], $0x1  }
0xa3: {  	[sflag:s23] =	ssyncset.done $0x0  }
0xa4: {  	s25 =	simm.s32 $0x1B8E;
	s24 =	sld [smem:$0x3FFE];
	[sflag:s23] =	ssyncadd.s32 $0xFFFFFFFF  }
0xa5: {  	s26 =	simm.s32 $execute0_lowered;
	[smem:$0x3FD2] =	sst s25  }
0xa6: {  	s4 =	sshll.u32 s26, $0x1;
	_ =	strace $0x8000004C;
	[dreg:$0x1] =	wrdreg $0xFFFFFFFF  }
0xa7: {  	s28 =	simm.s32 $_size_execute0_lowered;
	s2 =	sadd.s32 s2, s4;
	[dreg:$0x0] =	wrdreg $0x0  }
0xa8: {  	s4 =	sshll.u32 s28, $0x1;
	[dreg:$0x2] =	wrdreg s2  }
0xa9: {  	[dreg:$0x3] =	wrdreg s4  }
0xaa: {  	[dreg:$0x4] =	wrdreg $0xC0  }
0xab: {  	_ =	task [dreg:s6], $0x5FFFF  }
0xac: {  	[dreg:$0x1] =	wrdreg $0xFFFFFFFF  }
0xad: {  	[dreg:$0x0] =	wrdreg $0x60  }
0xae: {  	[dreg:$0x2] =	wrdreg s24  }
0xaf: {  	[dreg:$0x3] =	wrdreg $0xA9800  }
0xb0: {  	[dreg:$0x4] =	wrdreg $0x9  }
0xb1: {  	_ =	task.clear_ibuf [dreg:s6], $0x5FFFF;
	_ =	strace $0x9000004C  }
0xb2: {  	s29 =	simm.s32 $0x9;
	_ =	strace $0x8000004E  }
0xb3: {  	_ =	swait.ge [sflag:s29], $0x1  }
0xb4: {  	[sflag:s29] =	ssyncadd.s32 $0xFFFFFFFF  }
0xb5: {  	_ =	strace $0x9000004E  }
0xb6: {  	_ =	sfence  }
0xb7: {  	s30 =	sld [smem:$0x0];
	_ =	sdelay $0x2  }
0xb8: {  	s31 =	sshll.u32 s1, $0xD;
	s1 =	sshrl.u32 s1, $0x2  }
0xb9: {  	s3 =	sand.u32 $0x4000, s31;
	s1 =	sadd.s32 s1, s30  }
0xba: {  	s0 =	sor.u32 s3, s0;
	s1 =	sshll.u32 s1, $0x11  }
0xbb: {  	s0 =	sor.u32 s1, s0  }
0xbc: {  	s0 =	sadd.s32 $0x8F2B, s0  }
0xbd: {  	[sflag:s0] =	ssyncadd.remote.s32 $0x1  }
0xbe: {  	_ =	sfence.sel $0xFFFF  }
0xbf: {  	[dreg:$0x0] =	wrdreg $0xFFFFFFFF;
	(pc) =	sbr.abs _section_cstart, $3  }
0xc0: {  	[dreg:$0x1] =	wrdreg $0xFFFFFFFF  }
0xc1: {  	_ =	task.clear_ibuf [dreg:s6], $0x2FFFF;
	_ =	strace $0x9FFFFFFF  }
0xc2: {  	(tm) =	ssettm $0x7FFFFFFF  }
0xc3: {  	_ =	shalt  }
tec
execute0_lowered:
.L_overlay_start_1:
0x0: {  	(tag) =	ssettag $0x1  }
0x1: {  	s0 =	srdreg.scid  }
0x2: {  	s14 =	stileid.u32;
	s1 =	rddreg [dreg:$0x0]  }
0x3: {  	s2 =	rddreg [dreg:$0x1];
	s28 =	simm.s32 $0xA780;
	s29 =	simm.s32 $0x9  }
0x4: {  	s31 =	simm.s32 $0xA880;
	s0 =	sand.u32 $0x1, s0;
	s6 =	smul.u32 $0x13800, s14  }
0x5: {  	s3 =	sshll.u32 s14, $0x1;
	s10 =	smul.u32 $0x4E000, s14;
	s13 =	sadd.s32 $0x65200, s1  }
0x6: {  	s30 =	sshll.u32 s14, $0x6;
	s15 =	sadd.s32 $0x138000, s2;
	s22 =	smul.u32 $0x4E20, s14  }
0x7: {  	p0 =	sne.s32 s14, $0xF;
	s4 =	sor.u32 s0, s3;
	s17 =	smul.u32 $0x138800, s0  }
0x8: {  	s3 =	simm.s32 $0x0;
	s11 =	ssub.s32 $0x2, s0;
	s0 =	smul.u32 $0x2710, s0  }
0x9: {  	s14 =	simm.s32 $0x8;
	s5 =	smul.u32 $0x2710, s4;
	[smem:$0x7FF] =	sst s3  }
0xa: {  	s4 =	sadd.s32 $0x3E000, s1;
	s9 =	sshrl.u32 s6, $0x3;
	s12 =	sshrl.u32 s11, $0x1  }
0xb: {  	s10 =	sshrl.u32 s10, $0x2;
	_ =	strace $0x8000004D;
	s9 =	sadd.s32 s9, s1  }
0xc: {  	s11 =	ssub.s32 s11, s12;
	s10 =	sadd.s32 s10, s2;
	[dreg:$0x4] =	wrdreg s30  }
0xd: {  	s12 =	sor.u32 $0x1C01, s30;
	[dreg:$0x8] =	wrdreg s15;
	s21 =	sadd.s32 s6, s17  }
0xe: {  	s0 =	sadd.s32 s0, s22;
	s15 =	simm.s32 $0x0;
	s7 =	sshrl.u32 s5, $0x3  }
0xf: {  	s5 =	sadd.s32 $0x3200, s1;
	[dreg:$0x3] =	wrdreg s10;
	s9 =	sadd.s32 $0x16E00, s9  }
0x10: {  	[dreg:$0x6] =	wrdreg s12;
	s24 =	smax.u32 s11, $0x1;
	s25 =	sadd.s32 $0x100, s0  }
0x11: {  	s26 =	sadd.s32 $0x140, s0;
	s6 =	sadd.s32 $0x180, s0;
	s0 =	sadd.s32 $0x1C0, s0  }
0x12: {  	s10 =	simm.s32 $0x5;
	s11 =	simm.s32 $0x3;
	[dreg:$0x5] =	wrdreg s9  }
0x13: {  	s8 =	sadd.s32 s7, s1;
	s16 =	sadd.s32 s5, s7;
	[dreg:$0x11] =	wrdreg s24  }
0x14: {  	s1 =	sadd.s32 $0x3DE00, s1;
	s7 =	sshrl.u32 s17, $0x3;
	[dreg:$0x12] =	wrdreg s25  }
0x15: {  	s6 =	sshrl.u32 s6, $0x3;
	s0 =	sshrl.u32 s0, $0x3;
	[dreg:$0xa] =	wrdreg s1  }
0x16: {  	s25 =	simm.s32 $0x1;
	s8 =	sadd.s32 $0xD000, s8;
	[dreg:$0x9] =	wrdreg s16  }
0x17: {  	s9 =	simm.s32 $0x8780;
	s18 =	sadd.s32 $0x4E0, s16;
	[dreg:$0x7] =	wrdreg s8  }
0x18: {  	s19 =	sadd.s32 $0x8, s16;
	s20 =	sadd.s32 $0x10, s16;
	[dreg:$0xb] =	wrdreg s18  }
0x19: {  	s1 =	sshrl.u32 s21, $0x3;
	s23 =	sadd.s32 s13, s7;
	[dreg:$0xc] =	wrdreg s19  }
0x1a: {  	s30 =	sadd.s32 s6, s5;
	s0 =	sadd.s32 s0, s5;
	[dreg:$0xd] =	wrdreg s20  }
0x1b: {  	s6 =	simm.s32 $0x6780;
	s7 =	simm.s32 $0x4;
	[dreg:$0x14] =	wrdreg s30  }
.Ltmp0:
0x1c: {  	s1 =	sadd.s32 s13, s1;
	[dreg:$0x15] =	wrdreg s0;
	(pc) =	sbr.rel .LBB2_1-.Ltmp0, $4  }
0x1d: {  	s8 =	sadd.s32 $0x18, s16;
	[dreg:$0xf] =	wrdreg s1;
	s1 =	sadd.s32 $0x27000, s23  }
0x1e: {  	s0 =	simm.s32 $0x40;
	[dreg:$0x10] =	wrdreg s1;
	s1 =	sshrl.u32 s26, $0x3  }
0x1f: {  	s13 =	simm.s32 $0x7;
	[dreg:$0xe] =	wrdreg s8;
	s1 =	sadd.s32 s1, s5  }
0x20: {  	s8 =	simm.s32 $0xA900;
	[dreg:$0x13] =	wrdreg s1;
	s1 =	simm.s32 $0x2780  }
.LBB2_4:
0x21: {  	_ =	swait.ge [sflag:s7], $0x2000  }
0x22: {  	[sflag:s7] =	ssyncset.done $0x0  }
0x23: {  	[sflag:s7] =	ssyncadd.s32 $0xFFFFE000  }
0x24: {  	_ =	swait.ge [sflag:s14], $0x40  }
0x25: {  	[sflag:s14] =	ssyncset.done $0x0  }
0x26: {  	[sflag:s14] =	ssyncadd.s32 $0xFFFFFFC0  }
0x27: {  	[spmem:s2] =	stream.indirect.scatter.add.f32 [tilespmem:s9], [sflag:$0x9], $0x80, s8, s0, $0xb8;
	[tilespmem:$0x1E200] =	vst v63  }
0x28: {  	_ =	swait.ge [sflag:s29], $0x2000  }
0x29: {  	[sflag:s29] =	ssyncset.done $0x0  }
0x2a: {  	[sflag:s29] =	ssyncadd.s32 $0xFFFFE000  }
0x2b: {  	[bflag:$0x0] =	sbarrier.arrive $0xFFFF  }
0x2c: {  	s12 =	rddreg [dreg:$0x4]  }
0x2d: {  	s16 =	rddreg [dreg:$0xf];
	s12 =	sor.u32 $0x1C09, s12  }
0x2e: {  	[hbm:s16], [sflag:s12] =	dma.local [spmem:s17], $0x2700  }
0x2f: {  	_ =	swait.ge [sflag:s29], $0x2700  }
0x30: {  	[sflag:s29] =	ssyncset.done $0x0;
	s16 =	rddreg [dreg:$0x10]  }
0x31: {  	s17 =	rddreg [dreg:$0x16];
	[sflag:s29] =	ssyncadd.s32 $0xFFFFD900  }
0x32: {  	[hbm:s16], [sflag:s12] =	dma.local @!p0 [spmem:s17], $0x100  }
0x33: {  	s12 =	simm.s32 @!p0 $0x9  }
0x34: {  	_ =	swait.ge @!p0 [sflag:s12], $0x100  }
0x35: {  	s15 =	sadd.s32 $0x1, s15;
	s30 =	rddreg [dreg:$0x11]  }
0x36: {  	p1 =	sne.s32 s15, s30  }
.Ltmp1:
0x37: {  	_ = 	snop;
	(pc) =	sbr.rel @!p1 .LBB2_5-.Ltmp1, $3  }
0x38: {  	_ =	sdelay $0x1  }
0x39: {  	[sflag:s12] =	ssyncset.done @!p0 $0x0  }
0x3a: {  	[sflag:s12] =	ssyncadd.s32 @!p0 $0xFFFFFF00  }
.LBB2_1:
0x3b: {  	s12 =	rddreg [dreg:$0x3]  }
0x3c: {  	s23 =	rddreg [dreg:$0x5]  }
0x3d: {  	s16 =	rddreg [dreg:$0x6];
	s17 =	sshrl.u32 s12, $0x3  }
0x3e: {  	[spmem:s17], [sflag:s16] =	dma.local [hbm:s23], $0x2700  }
0x3f: {  	s12 =	rddreg [dreg:$0x7]  }
0x40: {  	[tilespmem:s3], [sflag:$0x2] =	stream.linear.gather [hbm4b:s12+s3], $0x2710, $0x38;
	[tilespmem:$0x1E200] =	vst v63  }
0x41: {  	s12 =	rddreg [dreg:$0x8]  }
0x42: {  	s16 =	sshrl.u32 @!p0 s12, $0x3;
	s12 =	rddreg [dreg:$0xa]  }
0x43: {  	s20 =	simm.s32 @!p0 $0x1FC3;
	[dreg:$0x16] =	wrdreg s16  }
0x44: {  	[spmem:s16], [sflag:s20] =	dma.local @!p0 [hbm:s12], $0x100  }
0x45: {  	s20 =	simm.s32 @!p0 $0x3  }
0x46: {  	_ =	swait.ge @!p0 [sflag:s20], $0x100  }
0x47: {  	[sflag:s20] =	ssyncset.done @!p0 $0x0  }
0x48: {  	[sflag:s20] =	ssyncadd.s32 @!p0 $0xFFFFFF00  }
0x49: {  	_ =	swait.ge [sflag:s25], $0x2700  }
0x4a: {  	[sflag:s25] =	ssyncset.done $0x0  }
0x4b: {  	s24 =	simm.s32 $0x2;
	[sflag:s25] =	ssyncadd.s32 $0xFFFFD900  }
0x4c: {  	_ =	swait.ge [sflag:s24], $0x2710  }
0x4d: {  	[sflag:s24] =	ssyncset.done $0x0  }
0x4e: {  	[sflag:s24] =	ssyncadd.s32 $0xFFFFD8F0  }
0x4f: {  	[bflag:$0x0] =	sbarrier.arrive $0xFFFF  }
0x50: {  	s26 =	rddreg [dreg:$0xb]  }
0x51: {  	[tilespmem:s28], [sflag:$0x9] =	stream.linear.gather [hbm4b:s26+s3], $0x10, $0x38;
	[tilespmem:$0x1E200] =	vst v63  }
0x52: {  	_ =	swait.ge [sflag:s29], $0x10  }
0x53: {  	[sflag:s29] =	ssyncset.done $0x0  }
0x54: {  	s30 =	simm.s32 $0x10;
	s18 =	simm.s32 $0x2700;
	[sflag:s29] =	ssyncadd.s32 $0xFFFFFFF0  }
0x55: {  	[tilespmem:s1], [sflag:$0x1] =	stream.indirect.gather [hbm4b:s4+s30], $0x80, s18, s30, $0xb8;
	[tilespmem:$0x1E200] =	vst v63  }
0x56: {  	_ =	swait.ge [sflag:s25], $0x800  }
0x57: {  	[sflag:s25] =	ssyncset.done $0x0  }
0x58: {  	[sflag:s25] =	ssyncadd.s32 $0xFFFFF800  }
0x59: {  	[spmem:s2] =	stream.indirect.scatter.add.f32 [tilespmem:s1], [sflag:$0x9], $0x80, s28, s30, $0xb8;
	[tilespmem:$0x1E200] =	vst v63  }
0x5a: {  	_ =	swait.ge [sflag:s29], $0x800  }
0x5b: {  	[sflag:s29] =	ssyncset.done $0x0  }
0x5c: {  	s19 =	rddreg [dreg:$0x9];
	[sflag:s29] =	ssyncadd.s32 $0xFFFFF800  }
0x5d: {  	[tilespmem:s28], [sflag:$0x5] =	stream.linear.gather [hbm4b:s19+s3], $0x40, $0x38;
	[tilespmem:$0x1E200] =	vst v63  }
0x5e: {  	s20 =	rddreg [dreg:$0xc]  }
0x5f: {  	[tilespmem:s1], [sflag:$0x1] =	stream.indirect.gather [hbm4b:s4+s0], $0x80, s3, s0, $0xb8;
	[tilespmem:$0x1E200] =	vst v63  }
0x60: {  	s21 =	simm.s32 $0xA800;
	s23 =	rddreg [dreg:$0xd]  }
0x61: {  	[tilespmem:s21], [sflag:$0x6] =	stream.linear.gather [hbm4b:s20+s3], $0x40, $0x38;
	[tilespmem:$0x1E200] =	vst v63  }
0x62: {  	s22 =	simm.s32 $0x4780;
	s26 =	rddreg [dreg:$0xe]  }
0x63: {  	[tilespmem:s22], [sflag:$0x2] =	stream.indirect.gather [hbm4b:s4+s0], $0x80, s0, s0, $0xb8;
	[tilespmem:$0x1E200] =	vst v63  }
0x64: {  	s21 =	rddreg [dreg:$0x12]  }
0x65: {  	[tilespmem:s31], [sflag:$0x7] =	stream.linear.gather [hbm4b:s23+s3], $0x40, $0x38;
	[tilespmem:$0x1E200] =	vst v63  }
0x66: {  	s24 =	simm.s32 $0x80;
	s22 =	rddreg [dreg:$0x13]  }
0x67: {  	[tilespmem:s6], [sflag:$0x3] =	stream.indirect.gather [hbm4b:s4+s0], $0x80, s24, s0, $0xb8;
	[tilespmem:$0x1E200] =	vst v63  }
0x68: {  	s23 =	rddreg [dreg:$0x14]  }
0x69: {  	[tilespmem:s8], [sflag:$0x8] =	stream.linear.gather [hbm4b:s26+s3], $0x40, $0x38;
	[tilespmem:$0x1E200] =	vst v63  }
0x6a: {  	s30 =	simm.s32 $0xC0;
	s20 =	simm.s32 $0x0;
	s24 =	rddreg [dreg:$0x15]  }
0x6b: {  	[tilespmem:s9], [sflag:$0x4] =	stream.indirect.gather [hbm4b:s4+s0], $0x80, s30, s0, $0xb8;
	[tilespmem:$0x1E200] =	vst v63  }
.LBB2_2:
0x6c: {  	_ =	swait.ge [sflag:s25], $0x2000  }
0x6d: {  	[sflag:s25] =	ssyncset.done $0x0  }
0x6e: {  	[sflag:s25] =	ssyncadd.s32 $0xFFFFE000  }
0x6f: {  	_ =	swait.ge [sflag:s10], $0x40  }
0x70: {  	[sflag:s10] =	ssyncset.done $0x0  }
0x71: {  	[sflag:s10] =	ssyncadd.s32 $0xFFFFFFC0  }
0x72: {  	[spmem:s2] =	stream.indirect.scatter.add.f32 [tilespmem:s1], [sflag:$0x9], $0x80, s28, s0, $0xb8;
	[tilespmem:$0x1E200] =	vst v63  }
0x73: {  	_ =	swait.ge [sflag:s29], $0x2000  }
0x74: {  	p1 =	seq.s32 s20, $0x9800;
	[sflag:s29] =	ssyncset.done $0x0  }
0x75: {  	s12 =	simm.s32 @p1 $0x2;
	[sflag:s29] =	ssyncadd.s32 $0xFFFFE000  }
0x76: {  	_ =	swait.ge @p1 [sflag:s12], $0x2000  }
0x77: {  	[sflag:s12] =	ssyncset.done @p1 $0x0  }
0x78: {  	[sflag:s12] =	ssyncadd.s32 @p1 $0xFFFFE000;
	s12 =	simm.s32 @p1 $0x6  }
0x79: {  	_ =	swait.ge @p1 [sflag:s12], $0x40  }
0x7a: {  	s19 =	simm.s32 @p1 $0xA800;
	[sflag:s12] =	ssyncset.done @p1 $0x0  }
0x7b: {  	s18 =	simm.s32 @p1 $0x4780;
	[sflag:s12] =	ssyncadd.s32 @p1 $0xFFFFFFC0;
	s12 =	simm.s32 @p1 $0x40  }
0x7c: {  	[spmem:s2] =	stream.indirect.scatter.add.f32 @p1 [tilespmem:s18], [sflag:$0x9], $0x80, s19, s12, $0xb8;
	[tilespmem:$0x1E200] =	vst v63  }
0x7d: {  	s12 =	simm.s32 @p1 $0x9  }
0x7e: {  	_ =	swait.ge @p1 [sflag:s12], $0x2000  }
0x7f: {  	[sflag:s12] =	ssyncset.done @p1 $0x0  }
0x80: {  	[sflag:s12] =	ssyncadd.s32 @p1 $0xFFFFE000;
	s12 =	sshrl.u32 @!p1 s21, $0x3  }
0x81: {  	s18 =	simm.s32 @!p1 $0x0;
	s19 =	simm.s32 @!p1 $0xA780;
	s12 =	sadd.s32 @!p1 s5, s12  }
0x82: {  	[tilespmem:s19], [sflag:$0x5] =	stream.linear.gather @!p1 [hbm4b:s12+s18], $0x40, $0x38;
	[tilespmem:$0x1E200] =	vst v63  }
0x83: {  	s12 =	sshra.s32 @!p1 s20, $0x2  }
0x84: {  	s30 =	simm.s32 @!p1 $0x40;
	s26 =	simm.s32 @!p1 $0x2780;
	s19 =	sadd.s32 @!p1 $0x100, s12  }
0x85: {  	[tilespmem:s26], [sflag:$0x1] =	stream.indirect.gather @!p1 [hbm4b:s4+s30], $0x80, s19, s30, $0xb8;
	[tilespmem:$0x1E200] =	vst v63  }
0x86: {  	s19 =	simm.s32 @!p1 $0x2  }
0x87: {  	_ =	swait.ge @!p1 [sflag:s19], $0x2000  }
0x88: {  	[sflag:s19] =	ssyncset.done @!p1 $0x0  }
0x89: {  	[sflag:s19] =	ssyncadd.s32 @!p1 $0xFFFFE000;
	s19 =	simm.s32 @!p1 $0x6  }
0x8a: {  	_ =	swait.ge @!p1 [sflag:s19], $0x40  }
0x8b: {  	s16 =	simm.s32 @!p1 $0x9;
	[sflag:s19] =	ssyncset.done @!p1 $0x0  }
0x8c: {  	s26 =	simm.s32 @!p1 $0x4780;
	[sflag:s19] =	ssyncadd.s32 @!p1 $0xFFFFFFC0;
	s19 =	simm.s32 @!p1 $0xA800  }
0x8d: {  	[spmem:s2] =	stream.indirect.scatter.add.f32 @!p1 [tilespmem:s26], [sflag:$0x9], $0x80, s19, s30, $0xb8;
	[tilespmem:$0x1E200] =	vst v63  }
0x8e: {  	_ =	swait.ge @!p1 [sflag:s16], $0x2000  }
0x8f: {  	[sflag:s16] =	ssyncset.done @!p1 $0x0  }
0x90: {  	[sflag:s16] =	ssyncadd.s32 @!p1 $0xFFFFE000  }
0x91: {  	[tilespmem:s19], [sflag:$0x6] =	stream.linear.gather @!p1 [hbm4b:s22+s18], $0x40, $0x38;
	[tilespmem:$0x1E200] =	vst v63  }
0x92: {  	s12 =	sadd.s32 @!p1 $0x140, s12  }
0x93: {  	[tilespmem:s26], [sflag:$0x2] =	stream.indirect.gather @!p1 [hbm4b:s4+s30], $0x80, s12, s30, $0xb8;
	[tilespmem:$0x1E200] =	vst v63  }
0x94: {  	_ =	swait.ge [sflag:s11], $0x2000  }
0x95: {  	[sflag:s11] =	ssyncset.done $0x0  }
0x96: {  	[sflag:s11] =	ssyncadd.s32 $0xFFFFE000  }
0x97: {  	_ =	swait.ge [sflag:s13], $0x40  }
0x98: {  	[sflag:s13] =	ssyncset.done $0x0  }
.Ltmp2:
0x99: {  	[sflag:s13] =	ssyncadd.s32 $0xFFFFFFC0;
	(pc) =	sbr.rel @p1 .LBB2_4-.Ltmp2, $4  }
0x9a: {  	[spmem:s2] =	stream.indirect.scatter.add.f32 [tilespmem:s6], [sflag:$0x9], $0x80, s31, s0, $0xb8;
	[tilespmem:$0x1E200] =	vst v63  }
0x9b: {  	_ =	swait.ge [sflag:s29], $0x2000  }
0x9c: {  	[sflag:s29] =	ssyncset.done $0x0  }
0x9d: {  	[sflag:s29] =	ssyncadd.s32 $0xFFFFE000  }
0x9e: {  	[tilespmem:s31], [sflag:$0x7] =	stream.linear.gather [hbm4b:s23+s3], $0x40, $0x38;
	[tilespmem:$0x1E200] =	vst v63  }
0x9f: {  	s12 =	sshra.s32 s20, $0x2  }
0xa0: {  	s16 =	sadd.s32 $0x180, s12  }
0xa1: {  	[tilespmem:s6], [sflag:$0x3] =	stream.indirect.gather [hbm4b:s4+s0], $0x80, s16, s0, $0xb8;
	[tilespmem:$0x1E200] =	vst v63  }
0xa2: {  	_ =	swait.ge [sflag:s7], $0x2000  }
0xa3: {  	[sflag:s7] =	ssyncset.done $0x0  }
0xa4: {  	[sflag:s7] =	ssyncadd.s32 $0xFFFFE000  }
0xa5: {  	_ =	swait.ge [sflag:s14], $0x40  }
0xa6: {  	[sflag:s14] =	ssyncset.done $0x0  }
0xa7: {  	[sflag:s14] =	ssyncadd.s32 $0xFFFFFFC0  }
0xa8: {  	[spmem:s2] =	stream.indirect.scatter.add.f32 [tilespmem:s9], [sflag:$0x9], $0x80, s8, s0, $0xb8;
	[tilespmem:$0x1E200] =	vst v63  }
0xa9: {  	_ =	swait.ge [sflag:s29], $0x2000  }
.Ltmp3:
0xaa: {  	s20 =	sadd.s32 $0x400, s20;
	[sflag:s29] =	ssyncset.done $0x0;
	(pc) =	sbr.rel .LBB2_2-.Ltmp3, $4  }
0xab: {  	s21 =	sadd.s32 $0x100, s21;
	s22 =	sadd.s32 $0x20, s22;
	[sflag:s29] =	ssyncadd.s32 $0xFFFFE000  }
0xac: {  	[tilespmem:s8], [sflag:$0x8] =	stream.linear.gather [hbm4b:s24+s3], $0x40, $0x38;
	[tilespmem:$0x1E200] =	vst v63  }
0xad: {  	s23 =	sadd.s32 $0x20, s23;
	s12 =	sadd.s32 $0x1C0, s12;
	s24 =	sadd.s32 $0x20, s24  }
0xae: {  	[tilespmem:s9], [sflag:$0x4] =	stream.indirect.gather [hbm4b:s4+s0], $0x80, s12, s0, $0xb8;
	[tilespmem:$0x1E200] =	vst v63  }
.LBB2_5:
0xaf: {  	_ =	sfence.sel $0x180000  }
0xb0: {  	[bflag:$0x0] =	sbarrier.arrive $0xFFFF  }
0xb1: {  	_ =	strace $0x9000004D  }
0xb2: {  	s0 =	stileid.u32;
	[bflag:$0x2] =	sbarrier.arrive $0xFFFF  }
0xb3: {  	p0 =	sne.s32 s0, $0x0;
	s0 =	rddreg [dreg:$0x2]  }
0xb4: {  	s0 =	sadd.s32 @!p0 $0x100000, s0  }
0xb5: {  	[sflag:s0] =	ssyncadd.tile.s32 @!p0 $0x1;
	_ =	shalt  }
.Lfunc_end2:
_tile_overlayer_lowered:
.L_overlay_start_2:
0xb6: {  	(tag) =	ssettag $0x2  }
0xb7: {  	s0 =	rddreg [dreg:$0x0];
	s2 =	stileid.u32  }
0xb8: {  	s1 =	rddreg [dreg:$0x1];
	p0 =	sne.s32 s2, $0x0  }
0xb9: {  	s3 =	rddreg [dreg:$0x2];
	[bflag:$0x3] =	sbarrier.arrive $0xFFFF;
	s2 =	simm.s32 @!p0 $0x1C09  }
0xba: {  	[timem:s3], [sflag:s2] =	dma.local @!p0 [hbm:s0], s1  }
0xbb: {  	s0 =	simm.s32 @!p0 $0x9  }
0xbc: {  	_ =	swait.ge @!p0 [sflag:s0], s1  }
0xbd: {  	s1 =	ssub.s32 @!p0 $0x0, s1;
	[sflag:s0] =	ssyncset.done @!p0 $0x0  }
0xbe: {  	[sflag:s0] =	ssyncadd.s32 @!p0 s1  }
0xbf: {  	[bflag:$0x3] =	sbarrier.arrive $0xFFFF  }
0xc0: {  	_ =	shalt  }

// kernel: kernel.8.cloned.1.call-start
scs
__scs_entry_jumppad:
0x0: {  	(pc) =	sbr.rel $0x88, $3  }
0x1: {  	(tag) =	ssettag $0x0;
	lr =	simm.s32 $0x1  }
0x2: {  	[smem:$0x3F93] =	sst lr;
	_ =	strace $0xD0000000  }
0x3: {  	_ = 	snop  }
0x4: {  	_ = 	snop  }
0x5: {  	_ = 	snop  }
0x6: {  	_ = 	snop  }
0x7: {  	_ = 	snop  }
__scs_overlays_trampoline_lowered:
0x8: {  	[smem:$0x3FA2] =	sst s0  }
0x9: {  	[smem:$0x3FA3] =	sst s1  }
0xa: {  	[smem:$0x3FA4] =	sst s2  }
0xb: {  	[smem:$0x3FA5] =	sst s3  }
0xc: {  	[smem:$0x3FA6] =	sst s4  }
0xd: {  	[smem:$0x3FA7] =	sst s5  }
0xe: {  	[smem:$0x3FA8] =	sst s6  }
0xf: {  	[smem:$0x3FA9] =	sst s7  }
0x10: {  	[smem:$0x3FAA] =	sst s8  }
0x11: {  	[smem:$0x3FAB] =	sst s9;
	s0 =	simm.s32 @!p0 $0x0  }
0x12: {  	s1 =	sld [smem:$0x3F91];
	s0 =	simm.s32 @p0 $0x1  }
0x13: {  	[smem:$0x3FAC] =	sst s0;
	s0 =	simm.s32 @!p1 $0x0  }
0x14: {  	s2 =	sld [smem:$0x3F90];
	s0 =	simm.s32 @p1 $0x1  }
0x15: {  	[smem:$0x3FAD] =	sst s0;
	s0 =	simm.s32 @!p2 $0x0  }
0x16: {  	s3 =	sld [smem:$0x3FDB];
	s0 =	simm.s32 @p2 $0x1  }
0x17: {  	s4 =	simm.s32 $0x1BF5;
	[smem:$0x3FAF] =	sst s0  }
0x18: {  	s0 =	sld [smem:$0x3F92];
	_ =	swait.ge [sflag:s4], $0x0  }
0x19: {  	s7 =	sld [smem:$0x3F93]  }
0x1a: {  	s8 =	sadd.s32 $0xFFFFE003, lr  }
0x1b: {  	s9 =	sadd.s32 $0xFFFFFEF7, lr;
	s5 =	simm.s32 $0xFFFFFFFF;
	p2 =	slt.u32 s8, $0xFFFFF086  }
0x1c: {  	p1 =	slt.u32 s9, $0xF7A;
	s5 =	simm.s32 @!p2 $0x0  }
0x1d: {  	s5 =	simm.s32 @p1 $0x1;
	p0 =	seq.s32 s7, s2  }
0x1e: {  	s7 =	smul.u32 @!p0 $0xF7A, s2;
	p2 =	seq.s32 @!p0 s5, $0x0  }
0x1f: {  	s9 =	smul.u32 $0xF7A, s1;
	s8 =	simm.s32 @!p0 $0x1BF5;
	p2 =	por !p2, p0  }
0x20: {  	[sflag:s8] =	ssyncset.s32 @!p0 $0xFFFFF086;
	s6 =	sadd.s32 @!p0 s3, s7;
	s7 =	simm.s32 @!p0 $0x108  }
0x21: {  	s3 =	sadd.s32 s3, s9;
	s6 =	sadd.s32 @!p0 $0x88, s6;
	s7 =	simm.s32 @p2 $0x1082  }
0x22: {  	[simem:s7], [sflag:s8] =	dma.local @!p0 [hbm:s6], $0xF7A  }
0x23: {  	s9 =	sor.u32 $0xD0000000, s2;
	s6 =	simm.s32 $0x108;
	_ =	swait.ge @!p0 [sflag:s8], $0x0  }
0x24: {  	s3 =	sadd.s32 $0x88, s3;
	s6 =	simm.s32 @!p1 $0x1082;
	[sflag:s4] =	ssyncset.s32 $0xFFFFF086  }
0x25: {  	[simem:s6], [sflag:s4] =	dma.local [hbm:s3], $0xF7A  }
0x26: {  	[smem:$0x3F93] =	sst s1;
	(tag) =	ssettag s2;
	_ =	strace s9  }
0x27: {  	s1 =	sld [smem:$0x3FA3]  }
0x28: {  	s2 =	sld [smem:$0x3FA4]  }
0x29: {  	s4 =	sld [smem:$0x3FA6]  }
0x2a: {  	p0 =	seq.s32 s5, $0x0;
	s5 =	sld [smem:$0x3FA7]  }
0x2b: {  	s6 =	sld [smem:$0x3FA8]  }
0x2c: {  	s7 =	sld [smem:$0x3FA9]  }
0x2d: {  	s3 =	simm.s32 $0x108;
	s8 =	sld [smem:$0x3FAA]  }
0x2e: {  	s3 =	simm.s32 @!p0 $0x1082;
	s9 =	sld [smem:$0x3FAB]  }
0x2f: {  	lr =	sadd.s32 s0, s3;
	s0 =	sld [smem:$0x3FA2]  }
0x30: {  	s3 =	sld [smem:$0x3FA5]  }
0x31: {  	[smem:$0x3FAE] =	sst s10  }
0x32: {  	s10 =	sld [smem:$0x3FAC];
	_ =	sdelay $0x3  }
0x33: {  	p0 =	seq.s32 s10, $0x1;
	s10 =	sld [smem:$0x3FAE];
	_ =	sdelay $0x3  }
0x34: {  	[smem:$0x3FAE] =	sst s10  }
0x35: {  	s10 =	sld [smem:$0x3FAD];
	_ =	sdelay $0x3  }
0x36: {  	p1 =	seq.s32 s10, $0x1;
	s10 =	sld [smem:$0x3FAE];
	_ =	sdelay $0x3  }
0x37: {  	[smem:$0x3FAE] =	sst s10  }
0x38: {  	s10 =	sld [smem:$0x3FAF]  }
0x39: {  	_ = 	snop;
	(pc) =	sbr.ind lr, $3  }
0x3a: {  	_ = 	snop  }
0x3b: {  	_ = 	snop  }
0x3c: {  	p2 =	seq.s32 s10, $0x1;
	s10 =	sld [smem:$0x3FAE]  }
0x3d: {  	_ =	shalt  }
0x3e: {  	_ =	shalt  }
0x3f: {  	_ =	shalt  }
0x40: {  	_ =	shalt  }
0x41: {  	_ =	shalt  }
0x42: {  	_ =	shalt  }
0x43: {  	_ =	shalt  }
0x44: {  	_ =	shalt  }
0x45: {  	_ =	shalt  }
0x46: {  	_ =	shalt  }
0x47: {  	_ =	shalt  }
0x48: {  	_ =	shalt  }
0x49: {  	_ =	shalt  }
0x4a: {  	_ =	shalt  }
0x4b: {  	_ =	shalt  }
0x4c: {  	_ =	shalt  }
0x4d: {  	_ =	shalt  }
0x4e: {  	_ =	shalt  }
0x4f: {  	_ =	shalt  }
0x50: {  	_ =	shalt  }
0x51: {  	_ =	shalt  }
0x52: {  	_ =	shalt  }
0x53: {  	_ =	shalt  }
0x54: {  	_ =	shalt  }
0x55: {  	_ =	shalt  }
0x56: {  	_ =	shalt  }
0x57: {  	_ =	shalt  }
0x58: {  	_ =	shalt  }
0x59: {  	_ =	shalt  }
0x5a: {  	_ =	shalt  }
0x5b: {  	_ =	shalt  }
0x5c: {  	_ =	shalt  }
0x5d: {  	_ =	shalt  }
0x5e: {  	_ =	shalt  }
0x5f: {  	_ =	shalt  }
0x60: {  	_ =	shalt  }
0x61: {  	_ =	shalt  }
0x62: {  	_ =	shalt  }
0x63: {  	_ =	shalt  }
0x64: {  	_ =	shalt  }
0x65: {  	_ =	shalt  }
0x66: {  	_ =	shalt  }
0x67: {  	_ =	shalt  }
0x68: {  	_ =	shalt  }
0x69: {  	_ =	shalt  }
0x6a: {  	_ =	shalt  }
0x6b: {  	_ =	shalt  }
0x6c: {  	_ =	shalt  }
0x6d: {  	_ =	shalt  }
0x6e: {  	_ =	shalt  }
0x6f: {  	_ =	shalt  }
0x70: {  	_ =	shalt  }
0x71: {  	_ =	shalt  }
0x72: {  	_ =	shalt  }
0x73: {  	_ =	shalt  }
0x74: {  	_ =	shalt  }
0x75: {  	_ =	shalt  }
0x76: {  	_ =	shalt  }
0x77: {  	_ =	shalt  }
0x78: {  	_ =	shalt  }
0x79: {  	_ =	shalt  }
0x7a: {  	_ =	shalt  }
0x7b: {  	_ =	shalt  }
0x7c: {  	_ =	shalt  }
0x7d: {  	_ =	shalt  }
0x7e: {  	_ =	shalt  }
0x7f: {  	_ =	shalt  }
0x80: {  	_ =	shalt  }
0x81: {  	_ =	shalt  }
0x82: {  	_ =	shalt  }
0x83: {  	_ =	shalt  }
0x84: {  	_ =	shalt  }
0x85: {  	_ =	shalt  }
0x86: {  	_ =	shalt  }
0x87: {  	_ =	shalt  }
.Lfunc_end0:
.L_simem_size_0:
called_computation_lowered:
.L_overlay_start_0:
0x88: {  	s2 =	sld [smem:$0x3FD9]  }
0x89: {  	s3 =	sld [smem:$0x3FFE];
	_ =	sdelay $0x1  }
0x8a: {  	s1 =	srdreg.scid  }
0x8b: {  	s0 =	sand.u32 $0x1, s1  }
0x8c: {  	s17 =	sshll.u32 s0, $0xA;
	s2 =	sadd.s32 s3, s2  }
0x8d: {  	s2 =	sadd.s32 s2, s17  }
0x8e: {  	[smem:$0x3FBA] =	sst s2  }
0x8f: {  	_ = 	snop  }
0x90: {  	s2 =	sld [smem:$0x3FC9];
	(tm) =	ssettm $0x1  }
0x91: {  	s18 =	sld [smem:$0x3FFB];
	_ =	sdelay $0x3  }
0x92: {  	_ =	strace s18  }
0x93: {  	s3 =	sld [smem:$0x3FFC];
	_ =	sdelay $0x3  }
0x94: {  	_ =	strace s3  }
0x95: {  	s3 =	sld [smem:$0x3FFD];
	_ =	sdelay $0x3  }
0x96: {  	_ =	strace s3  }
0x97: {  	_ =	strace $0x8FFFFFFF  }
0x98: {  	s19 =	sld [smem:$0x3FDB];
	_ =	sdelay $0x1  }
0x99: {  	s4 =	simm.s32 $_scs_section_size  }
0x9a: {  	s5 =	simm.s32 $_size__tile_overlayer_lowered;
	s6 =	simm.s32 $_tile_overlayer_lowered  }
0x9b: {  	s22 =	simm.s32 $0x1BFF;
	s21 =	sshll.u32 s6, $0x1;
	s3 =	sadd.s32 s4, s19  }
0x9c: {  	s7 =	simm.s32 $0x0;
	s20 =	sshll.u32 s5, $0x1;
	s5 =	sadd.s32 s21, s3  }
0x9d: {  	[timem:s7], [sflag:s22] =	dma.local [hbm:s5], s20  }
0x9e: {  	_ =	swait.ge [sflag:s22], s20  }
0x9f: {  	s4 =	ssub.s32 $0x0, s20;
	[sflag:s22] =	ssyncset.done $0x0  }
0xa0: {  	[sflag:s22] =	ssyncadd.s32 s4;
	_ =	sdelay $0x1  }
0xa1: {  	s23 =	simm.s32 $0x1B8B  }
0xa2: {  	_ =	swait.ge [sflag:s23], $0x1  }
0xa3: {  	[sflag:s23] =	ssyncset.done $0x0  }
0xa4: {  	s25 =	simm.s32 $0x1B8E;
	s24 =	sld [smem:$0x3FFE];
	[sflag:s23] =	ssyncadd.s32 $0xFFFFFFFF  }
0xa5: {  	s26 =	simm.s32 $execute0_lowered;
	[smem:$0x3FD2] =	sst s25  }
0xa6: {  	s5 =	sshll.u32 s26, $0x1;
	_ =	strace $0x80000046;
	[dreg:$0x1] =	wrdreg $0xFFFFFFFF  }
0xa7: {  	s28 =	simm.s32 $_size_execute0_lowered;
	s3 =	sadd.s32 s3, s5;
	[dreg:$0x0] =	wrdreg $0x0  }
0xa8: {  	s5 =	sshll.u32 s28, $0x1;
	[dreg:$0x2] =	wrdreg s3  }
0xa9: {  	[dreg:$0x3] =	wrdreg s5  }
0xaa: {  	[dreg:$0x4] =	wrdreg $0xC0  }
0xab: {  	_ =	task [dreg:s7], $0x5FFFF  }
0xac: {  	[dreg:$0x1] =	wrdreg $0xFFFFFFFF  }
0xad: {  	[dreg:$0x0] =	wrdreg $0x60  }
0xae: {  	[dreg:$0x2] =	wrdreg s2  }
0xaf: {  	[dreg:$0x3] =	wrdreg s24  }
0xb0: {  	[dreg:$0x4] =	wrdreg $0xA9800  }
0xb1: {  	[dreg:$0x5] =	wrdreg $0x9  }
0xb2: {  	_ =	task.clear_ibuf [dreg:s7], $0x6FFFF;
	_ =	strace $0x90000046  }
0xb3: {  	s29 =	simm.s32 $0x9;
	_ =	strace $0x80000048  }
0xb4: {  	_ =	swait.ge [sflag:s29], $0x1  }
0xb5: {  	[sflag:s29] =	ssyncadd.s32 $0xFFFFFFFF  }
0xb6: {  	_ =	strace $0x90000048  }
0xb7: {  	_ =	sfence  }
0xb8: {  	s30 =	sld [smem:$0x0];
	_ =	sdelay $0x2  }
0xb9: {  	s31 =	sshll.u32 s1, $0xD;
	s1 =	sshrl.u32 s1, $0x2  }
0xba: {  	s3 =	sand.u32 $0x4000, s31;
	s1 =	sadd.s32 s1, s30  }
0xbb: {  	s0 =	sor.u32 s3, s0;
	s1 =	sshll.u32 s1, $0x11  }
0xbc: {  	s0 =	sor.u32 s1, s0  }
0xbd: {  	s0 =	sadd.s32 $0x8F2B, s0  }
0xbe: {  	[sflag:s0] =	ssyncadd.remote.s32 $0x1  }
0xbf: {  	_ =	sfence.sel $0xFFFF  }
0xc0: {  	[dreg:$0x0] =	wrdreg $0xFFFFFFFF;
	(pc) =	sbr.abs _section_cstart, $3  }
0xc1: {  	[dreg:$0x1] =	wrdreg $0xFFFFFFFF  }
0xc2: {  	_ =	task.clear_ibuf [dreg:s7], $0x2FFFF;
	_ =	strace $0x9FFFFFFF  }
0xc3: {  	(tm) =	ssettm $0x7FFFFFFF  }
tec
execute0_lowered:
.L_overlay_start_1:
0x0: {  	(tag) =	ssettag $0x1  }
0x1: {  	s1 =	rddreg [dreg:$0x0]  }
0x2: {  	s0 =	srdreg.scid;
	s2 =	rddreg [dreg:$0x1]  }
0x3: {  	s14 =	stileid.u32;
	s3 =	rddreg [dreg:$0x2];
	s28 =	simm.s32 $0xA780  }
0x4: {  	s29 =	simm.s32 $0x9;
	s31 =	simm.s32 $0xA880;
	s6 =	smul.u32 $0x13800, s14  }
0x5: {  	s0 =	sand.u32 $0x1, s0;
	s4 =	sshll.u32 s14, $0x1;
	s10 =	smul.u32 $0x4E000, s14  }
0x6: {  	s13 =	sadd.s32 $0x3E000, s2;
	s30 =	sshll.u32 s14, $0x6;
	s22 =	smul.u32 $0x4E20, s14  }
0x7: {  	s15 =	sadd.s32 $0x138000, s3;
	p0 =	sne.s32 s14, $0xF;
	s17 =	smul.u32 $0x138800, s0  }
0x8: {  	s5 =	sor.u32 s0, s4;
	s11 =	ssub.s32 $0x2, s0;
	s0 =	smul.u32 $0x2710, s0  }
0x9: {  	s14 =	simm.s32 $0x8;
	s4 =	simm.s32 $0x0;
	s5 =	smul.u32 $0x2710, s5  }
0xa: {  	[smem:$0x7FF] =	sst s4;
	s9 =	sshrl.u32 s6, $0x3;
	s12 =	sshrl.u32 s11, $0x1  }
0xb: {  	s10 =	sshrl.u32 s10, $0x2;
	_ =	strace $0x80000047;
	s9 =	sadd.s32 s9, s2  }
0xc: {  	s11 =	ssub.s32 s11, s12;
	s10 =	sadd.s32 s10, s3;
	[dreg:$0x5] =	wrdreg s30  }
0xd: {  	s12 =	sor.u32 $0x1C01, s30;
	[dreg:$0x9] =	wrdreg s15;
	s21 =	sadd.s32 s6, s17  }
0xe: {  	s0 =	sadd.s32 s0, s22;
	s15 =	simm.s32 $0x0;
	s7 =	sshrl.u32 s5, $0x3  }
0xf: {  	s5 =	sadd.s32 $0x3200, s2;
	[dreg:$0x4] =	wrdreg s10;
	s9 =	sadd.s32 $0x16E00, s9  }
0x10: {  	[dreg:$0x7] =	wrdreg s12;
	s24 =	smax.u32 s11, $0x1;
	s25 =	sadd.s32 $0x100, s0  }
0x11: {  	s26 =	sadd.s32 $0x140, s0;
	s6 =	sadd.s32 $0x180, s0;
	s0 =	sadd.s32 $0x1C0, s0  }
0x12: {  	s10 =	simm.s32 $0x5;
	s11 =	simm.s32 $0x3;
	[dreg:$0x6] =	wrdreg s9  }
0x13: {  	s8 =	sadd.s32 s7, s2;
	s16 =	sadd.s32 s5, s7;
	[dreg:$0x12] =	wrdreg s24  }
0x14: {  	s2 =	sadd.s32 $0x3DE00, s2;
	s7 =	sshrl.u32 s17, $0x3;
	[dreg:$0x13] =	wrdreg s25  }
0x15: {  	s6 =	sshrl.u32 s6, $0x3;
	s0 =	sshrl.u32 s0, $0x3;
	[dreg:$0xb] =	wrdreg s2  }
0x16: {  	s25 =	simm.s32 $0x1;
	s8 =	sadd.s32 $0xD000, s8;
	[dreg:$0xa] =	wrdreg s16  }
0x17: {  	s9 =	simm.s32 $0x8780;
	s18 =	sadd.s32 $0x4E0, s16;
	[dreg:$0x8] =	wrdreg s8  }
0x18: {  	s19 =	sadd.s32 $0x8, s16;
	s20 =	sadd.s32 $0x10, s16;
	[dreg:$0xc] =	wrdreg s18  }
0x19: {  	s2 =	sshrl.u32 s21, $0x3;
	s23 =	sadd.s32 s13, s7;
	[dreg:$0xd] =	wrdreg s19  }
0x1a: {  	s30 =	sadd.s32 s6, s5;
	s0 =	sadd.s32 s0, s5;
	[dreg:$0xe] =	wrdreg s20  }
0x1b: {  	s6 =	simm.s32 $0x6780;
	s7 =	simm.s32 $0x4;
	[dreg:$0x15] =	wrdreg s30  }
.Ltmp0:
0x1c: {  	s2 =	sadd.s32 s13, s2;
	[dreg:$0x16] =	wrdreg s0;
	(pc) =	sbr.rel .LBB2_1-.Ltmp0, $4  }
0x1d: {  	s8 =	sadd.s32 $0x18, s16;
	[dreg:$0x10] =	wrdreg s2;
	s2 =	sadd.s32 $0x27000, s23  }
0x1e: {  	s0 =	simm.s32 $0x40;
	[dreg:$0x11] =	wrdreg s2;
	s2 =	sshrl.u32 s26, $0x3  }
0x1f: {  	s13 =	simm.s32 $0x7;
	[dreg:$0xf] =	wrdreg s8;
	s2 =	sadd.s32 s2, s5  }
0x20: {  	s8 =	simm.s32 $0xA900;
	[dreg:$0x14] =	wrdreg s2;
	s2 =	simm.s32 $0x2780  }
.LBB2_4:
0x21: {  	_ =	swait.ge [sflag:s7], $0x2000  }
0x22: {  	[sflag:s7] =	ssyncset.done $0x0  }
0x23: {  	[sflag:s7] =	ssyncadd.s32 $0xFFFFE000  }
0x24: {  	_ =	swait.ge [sflag:s14], $0x40  }
0x25: {  	[sflag:s14] =	ssyncset.done $0x0  }
0x26: {  	[sflag:s14] =	ssyncadd.s32 $0xFFFFFFC0  }
0x27: {  	[spmem:s3] =	stream.indirect.scatter.add.f32 [tilespmem:s9], [sflag:$0x9], $0x80, s8, s0, $0xb8;
	[tilespmem:$0x1E200] =	vst v63  }
0x28: {  	_ =	swait.ge [sflag:s29], $0x2000  }
0x29: {  	[sflag:s29] =	ssyncset.done $0x0  }
0x2a: {  	[sflag:s29] =	ssyncadd.s32 $0xFFFFE000  }
0x2b: {  	[bflag:$0x0] =	sbarrier.arrive $0xFFFF  }
0x2c: {  	s12 =	rddreg [dreg:$0x5]  }
0x2d: {  	s16 =	rddreg [dreg:$0x10];
	s12 =	sor.u32 $0x1C09, s12  }
0x2e: {  	[hbm:s16], [sflag:s12] =	dma.local [spmem:s17], $0x2700  }
0x2f: {  	_ =	swait.ge [sflag:s29], $0x2700  }
0x30: {  	[sflag:s29] =	ssyncset.done $0x0;
	s16 =	rddreg [dreg:$0x11]  }
0x31: {  	s17 =	rddreg [dreg:$0x17];
	[sflag:s29] =	ssyncadd.s32 $0xFFFFD900  }
0x32: {  	[hbm:s16], [sflag:s12] =	dma.local @!p0 [spmem:s17], $0x100  }
0x33: {  	s12 =	simm.s32 @!p0 $0x9  }
0x34: {  	_ =	swait.ge @!p0 [sflag:s12], $0x100  }
0x35: {  	s15 =	sadd.s32 $0x1, s15;
	s30 =	rddreg [dreg:$0x12]  }
0x36: {  	p1 =	sne.s32 s15, s30  }
.Ltmp1:
0x37: {  	_ = 	snop;
	(pc) =	sbr.rel @!p1 .LBB2_5-.Ltmp1, $3  }
0x38: {  	_ =	sdelay $0x1  }
0x39: {  	[sflag:s12] =	ssyncset.done @!p0 $0x0  }
0x3a: {  	[sflag:s12] =	ssyncadd.s32 @!p0 $0xFFFFFF00  }
.LBB2_1:
0x3b: {  	s12 =	rddreg [dreg:$0x4]  }
0x3c: {  	s23 =	rddreg [dreg:$0x6]  }
0x3d: {  	s16 =	rddreg [dreg:$0x7];
	s17 =	sshrl.u32 s12, $0x3  }
0x3e: {  	[spmem:s17], [sflag:s16] =	dma.local [hbm:s23], $0x2700  }
0x3f: {  	s12 =	rddreg [dreg:$0x8]  }
0x40: {  	[tilespmem:s4], [sflag:$0x2] =	stream.linear.gather [hbm4b:s12+s4], $0x2710, $0x38;
	[tilespmem:$0x1E200] =	vst v63  }
0x41: {  	s12 =	rddreg [dreg:$0x9]  }
0x42: {  	s16 =	sshrl.u32 @!p0 s12, $0x3;
	s12 =	rddreg [dreg:$0xb]  }
0x43: {  	s20 =	simm.s32 @!p0 $0x1FC3;
	[dreg:$0x17] =	wrdreg s16  }
0x44: {  	[spmem:s16], [sflag:s20] =	dma.local @!p0 [hbm:s12], $0x100  }
0x45: {  	s20 =	simm.s32 @!p0 $0x3  }
0x46: {  	_ =	swait.ge @!p0 [sflag:s20], $0x100  }
0x47: {  	[sflag:s20] =	ssyncset.done @!p0 $0x0  }
0x48: {  	[sflag:s20] =	ssyncadd.s32 @!p0 $0xFFFFFF00  }
0x49: {  	_ =	swait.ge [sflag:s25], $0x2700  }
0x4a: {  	[sflag:s25] =	ssyncset.done $0x0  }
0x4b: {  	s24 =	simm.s32 $0x2;
	[sflag:s25] =	ssyncadd.s32 $0xFFFFD900  }
0x4c: {  	_ =	swait.ge [sflag:s24], $0x2710  }
0x4d: {  	[sflag:s24] =	ssyncset.done $0x0  }
0x4e: {  	[sflag:s24] =	ssyncadd.s32 $0xFFFFD8F0  }
0x4f: {  	[bflag:$0x0] =	sbarrier.arrive $0xFFFF  }
0x50: {  	s26 =	rddreg [dreg:$0xc]  }
0x51: {  	[tilespmem:s28], [sflag:$0x9] =	stream.linear.gather [hbm4b:s26+s4], $0x10, $0x38;
	[tilespmem:$0x1E200] =	vst v63  }
0x52: {  	_ =	swait.ge [sflag:s29], $0x10  }
0x53: {  	[sflag:s29] =	ssyncset.done $0x0  }
0x54: {  	s30 =	simm.s32 $0x10;
	s18 =	simm.s32 $0x2700;
	[sflag:s29] =	ssyncadd.s32 $0xFFFFFFF0  }
0x55: {  	[tilespmem:s2], [sflag:$0x1] =	stream.indirect.gather [hbm4b:s1+s30], $0x80, s18, s30, $0xb8;
	[tilespmem:$0x1E200] =	vst v63  }
0x56: {  	_ =	swait.ge [sflag:s25], $0x800  }
0x57: {  	[sflag:s25] =	ssyncset.done $0x0  }
0x58: {  	[sflag:s25] =	ssyncadd.s32 $0xFFFFF800  }
0x59: {  	[spmem:s3] =	stream.indirect.scatter.add.f32 [tilespmem:s2], [sflag:$0x9], $0x80, s28, s30, $0xb8;
	[tilespmem:$0x1E200] =	vst v63  }
0x5a: {  	_ =	swait.ge [sflag:s29], $0x800  }
0x5b: {  	[sflag:s29] =	ssyncset.done $0x0  }
0x5c: {  	s19 =	rddreg [dreg:$0xa];
	[sflag:s29] =	ssyncadd.s32 $0xFFFFF800  }
0x5d: {  	[tilespmem:s28], [sflag:$0x5] =	stream.linear.gather [hbm4b:s19+s4], $0x40, $0x38;
	[tilespmem:$0x1E200] =	vst v63  }
0x5e: {  	s20 =	rddreg [dreg:$0xd]  }
0x5f: {  	[tilespmem:s2], [sflag:$0x1] =	stream.indirect.gather [hbm4b:s1+s0], $0x80, s4, s0, $0xb8;
	[tilespmem:$0x1E200] =	vst v63  }
0x60: {  	s21 =	simm.s32 $0xA800;
	s23 =	rddreg [dreg:$0xe]  }
0x61: {  	[tilespmem:s21], [sflag:$0x6] =	stream.linear.gather [hbm4b:s20+s4], $0x40, $0x38;
	[tilespmem:$0x1E200] =	vst v63  }
0x62: {  	s22 =	simm.s32 $0x4780;
	s26 =	rddreg [dreg:$0xf]  }
0x63: {  	[tilespmem:s22], [sflag:$0x2] =	stream.indirect.gather [hbm4b:s1+s0], $0x80, s0, s0, $0xb8;
	[tilespmem:$0x1E200] =	vst v63  }
0x64: {  	s21 =	rddreg [dreg:$0x13]  }
0x65: {  	[tilespmem:s31], [sflag:$0x7] =	stream.linear.gather [hbm4b:s23+s4], $0x40, $0x38;
	[tilespmem:$0x1E200] =	vst v63  }
0x66: {  	s24 =	simm.s32 $0x80;
	s22 =	rddreg [dreg:$0x14]  }
0x67: {  	[tilespmem:s6], [sflag:$0x3] =	stream.indirect.gather [hbm4b:s1+s0], $0x80, s24, s0, $0xb8;
	[tilespmem:$0x1E200] =	vst v63  }
0x68: {  	s23 =	rddreg [dreg:$0x15]  }
0x69: {  	[tilespmem:s8], [sflag:$0x8] =	stream.linear.gather [hbm4b:s26+s4], $0x40, $0x38;
	[tilespmem:$0x1E200] =	vst v63  }
0x6a: {  	s30 =	simm.s32 $0xC0;
	s20 =	simm.s32 $0x0;
	s24 =	rddreg [dreg:$0x16]  }
0x6b: {  	[tilespmem:s9], [sflag:$0x4] =	stream.indirect.gather [hbm4b:s1+s0], $0x80, s30, s0, $0xb8;
	[tilespmem:$0x1E200] =	vst v63  }
.LBB2_2:
0x6c: {  	_ =	swait.ge [sflag:s25], $0x2000  }
0x6d: {  	[sflag:s25] =	ssyncset.done $0x0  }
0x6e: {  	[sflag:s25] =	ssyncadd.s32 $0xFFFFE000  }
0x6f: {  	_ =	swait.ge [sflag:s10], $0x40  }
0x70: {  	[sflag:s10] =	ssyncset.done $0x0  }
0x71: {  	[sflag:s10] =	ssyncadd.s32 $0xFFFFFFC0  }
0x72: {  	[spmem:s3] =	stream.indirect.scatter.add.f32 [tilespmem:s2], [sflag:$0x9], $0x80, s28, s0, $0xb8;
	[tilespmem:$0x1E200] =	vst v63  }
0x73: {  	_ =	swait.ge [sflag:s29], $0x2000  }
0x74: {  	p1 =	seq.s32 s20, $0x9800;
	[sflag:s29] =	ssyncset.done $0x0  }
0x75: {  	s12 =	simm.s32 @p1 $0x2;
	[sflag:s29] =	ssyncadd.s32 $0xFFFFE000  }
0x76: {  	_ =	swait.ge @p1 [sflag:s12], $0x2000  }
0x77: {  	[sflag:s12] =	ssyncset.done @p1 $0x0  }
0x78: {  	[sflag:s12] =	ssyncadd.s32 @p1 $0xFFFFE000;
	s12 =	simm.s32 @p1 $0x6  }
0x79: {  	_ =	swait.ge @p1 [sflag:s12], $0x40  }
0x7a: {  	s19 =	simm.s32 @p1 $0xA800;
	[sflag:s12] =	ssyncset.done @p1 $0x0  }
0x7b: {  	s18 =	simm.s32 @p1 $0x4780;
	[sflag:s12] =	ssyncadd.s32 @p1 $0xFFFFFFC0;
	s12 =	simm.s32 @p1 $0x40  }
0x7c: {  	[spmem:s3] =	stream.indirect.scatter.add.f32 @p1 [tilespmem:s18], [sflag:$0x9], $0x80, s19, s12, $0xb8;
	[tilespmem:$0x1E200] =	vst v63  }
0x7d: {  	s12 =	simm.s32 @p1 $0x9  }
0x7e: {  	_ =	swait.ge @p1 [sflag:s12], $0x2000  }
0x7f: {  	[sflag:s12] =	ssyncset.done @p1 $0x0  }
0x80: {  	[sflag:s12] =	ssyncadd.s32 @p1 $0xFFFFE000;
	s12 =	sshrl.u32 @!p1 s21, $0x3  }
0x81: {  	s18 =	simm.s32 @!p1 $0x0;
	s19 =	simm.s32 @!p1 $0xA780;
	s12 =	sadd.s32 @!p1 s5, s12  }
0x82: {  	[tilespmem:s19], [sflag:$0x5] =	stream.linear.gather @!p1 [hbm4b:s12+s18], $0x40, $0x38;
	[tilespmem:$0x1E200] =	vst v63  }
0x83: {  	s12 =	sshra.s32 @!p1 s20, $0x2  }
0x84: {  	s30 =	simm.s32 @!p1 $0x40;
	s26 =	simm.s32 @!p1 $0x2780;
	s19 =	sadd.s32 @!p1 $0x100, s12  }
0x85: {  	[tilespmem:s26], [sflag:$0x1] =	stream.indirect.gather @!p1 [hbm4b:s1+s30], $0x80, s19, s30, $0xb8;
	[tilespmem:$0x1E200] =	vst v63  }
0x86: {  	s19 =	simm.s32 @!p1 $0x2  }
0x87: {  	_ =	swait.ge @!p1 [sflag:s19], $0x2000  }
0x88: {  	[sflag:s19] =	ssyncset.done @!p1 $0x0  }
0x89: {  	[sflag:s19] =	ssyncadd.s32 @!p1 $0xFFFFE000;
	s19 =	simm.s32 @!p1 $0x6  }
0x8a: {  	_ =	swait.ge @!p1 [sflag:s19], $0x40  }
0x8b: {  	s16 =	simm.s32 @!p1 $0x9;
	[sflag:s19] =	ssyncset.done @!p1 $0x0  }
0x8c: {  	s26 =	simm.s32 @!p1 $0x4780;
	[sflag:s19] =	ssyncadd.s32 @!p1 $0xFFFFFFC0;
	s19 =	simm.s32 @!p1 $0xA800  }
0x8d: {  	[spmem:s3] =	stream.indirect.scatter.add.f32 @!p1 [tilespmem:s26], [sflag:$0x9], $0x80, s19, s30, $0xb8;
	[tilespmem:$0x1E200] =	vst v63  }
0x8e: {  	_ =	swait.ge @!p1 [sflag:s16], $0x2000  }
0x8f: {  	[sflag:s16] =	ssyncset.done @!p1 $0x0  }
0x90: {  	[sflag:s16] =	ssyncadd.s32 @!p1 $0xFFFFE000  }
0x91: {  	[tilespmem:s19], [sflag:$0x6] =	stream.linear.gather @!p1 [hbm4b:s22+s18], $0x40, $0x38;
	[tilespmem:$0x1E200] =	vst v63  }
0x92: {  	s12 =	sadd.s32 @!p1 $0x140, s12  }
0x93: {  	[tilespmem:s26], [sflag:$0x2] =	stream.indirect.gather @!p1 [hbm4b:s1+s30], $0x80, s12, s30, $0xb8;
	[tilespmem:$0x1E200] =	vst v63  }
0x94: {  	_ =	swait.ge [sflag:s11], $0x2000  }
0x95: {  	[sflag:s11] =	ssyncset.done $0x0  }
0x96: {  	[sflag:s11] =	ssyncadd.s32 $0xFFFFE000  }
0x97: {  	_ =	swait.ge [sflag:s13], $0x40  }
0x98: {  	[sflag:s13] =	ssyncset.done $0x0  }
.Ltmp2:
0x99: {  	[sflag:s13] =	ssyncadd.s32 $0xFFFFFFC0;
	(pc) =	sbr.rel @p1 .LBB2_4-.Ltmp2, $4  }
0x9a: {  	[spmem:s3] =	stream.indirect.scatter.add.f32 [tilespmem:s6], [sflag:$0x9], $0x80, s31, s0, $0xb8;
	[tilespmem:$0x1E200] =	vst v63  }
0x9b: {  	_ =	swait.ge [sflag:s29], $0x2000  }
0x9c: {  	[sflag:s29] =	ssyncset.done $0x0  }
0x9d: {  	[sflag:s29] =	ssyncadd.s32 $0xFFFFE000  }
0x9e: {  	[tilespmem:s31], [sflag:$0x7] =	stream.linear.gather [hbm4b:s23+s4], $0x40, $0x38;
	[tilespmem:$0x1E200] =	vst v63  }
0x9f: {  	s12 =	sshra.s32 s20, $0x2  }
0xa0: {  	s16 =	sadd.s32 $0x180, s12  }
0xa1: {  	[tilespmem:s6], [sflag:$0x3] =	stream.indirect.gather [hbm4b:s1+s0], $0x80, s16, s0, $0xb8;
	[tilespmem:$0x1E200] =	vst v63  }
0xa2: {  	_ =	swait.ge [sflag:s7], $0x2000  }
0xa3: {  	[sflag:s7] =	ssyncset.done $0x0  }
0xa4: {  	[sflag:s7] =	ssyncadd.s32 $0xFFFFE000  }
0xa5: {  	_ =	swait.ge [sflag:s14], $0x40  }
0xa6: {  	[sflag:s14] =	ssyncset.done $0x0  }
0xa7: {  	[sflag:s14] =	ssyncadd.s32 $0xFFFFFFC0  }
0xa8: {  	[spmem:s3] =	stream.indirect.scatter.add.f32 [tilespmem:s9], [sflag:$0x9], $0x80, s8, s0, $0xb8;
	[tilespmem:$0x1E200] =	vst v63  }
0xa9: {  	_ =	swait.ge [sflag:s29], $0x2000  }
.Ltmp3:
0xaa: {  	s20 =	sadd.s32 $0x400, s20;
	[sflag:s29] =	ssyncset.done $0x0;
	(pc) =	sbr.rel .LBB2_2-.Ltmp3, $4  }
0xab: {  	s21 =	sadd.s32 $0x100, s21;
	s22 =	sadd.s32 $0x20, s22;
	[sflag:s29] =	ssyncadd.s32 $0xFFFFE000  }
0xac: {  	[tilespmem:s8], [sflag:$0x8] =	stream.linear.gather [hbm4b:s24+s4], $0x40, $0x38;
	[tilespmem:$0x1E200] =	vst v63  }
0xad: {  	s23 =	sadd.s32 $0x20, s23;
	s12 =	sadd.s32 $0x1C0, s12;
	s24 =	sadd.s32 $0x20, s24  }
0xae: {  	[tilespmem:s9], [sflag:$0x4] =	stream.indirect.gather [hbm4b:s1+s0], $0x80, s12, s0, $0xb8;
	[tilespmem:$0x1E200] =	vst v63  }
.LBB2_5:
0xaf: {  	_ =	sfence.sel $0x180000  }
0xb0: {  	[bflag:$0x0] =	sbarrier.arrive $0xFFFF  }
0xb1: {  	_ =	strace $0x90000047  }
0xb2: {  	s0 =	stileid.u32;
	[bflag:$0x2] =	sbarrier.arrive $0xFFFF  }
0xb3: {  	p0 =	sne.s32 s0, $0x0;
	s0 =	rddreg [dreg:$0x3]  }
0xb4: {  	s0 =	sadd.s32 @!p0 $0x100000, s0  }
0xb5: {  	[sflag:s0] =	ssyncadd.tile.s32 @!p0 $0x1;
	_ =	shalt  }
.Lfunc_end2:
_tile_overlayer_lowered:
.L_overlay_start_2:
0xb6: {  	(tag) =	ssettag $0x2  }
0xb7: {  	s0 =	rddreg [dreg:$0x0];
	s2 =	stileid.u32  }
0xb8: {  	s1 =	rddreg [dreg:$0x1];
	p0 =	sne.s32 s2, $0x0  }
0xb9: {  	s3 =	rddreg [dreg:$0x2];
	[bflag:$0x3] =	sbarrier.arrive $0xFFFF;
	s2 =	simm.s32 @!p0 $0x1C09  }
0xba: {  	[timem:s3], [sflag:s2] =	dma.local @!p0 [hbm:s0], s1  }
0xbb: {  	s0 =	simm.s32 @!p0 $0x9  }
0xbc: {  	_ =	swait.ge @!p0 [sflag:s0], s1  }
0xbd: {  	s1 =	ssub.s32 @!p0 $0x0, s1;
	[sflag:s0] =	ssyncset.done @!p0 $0x0  }
0xbe: {  	[sflag:s0] =	ssyncadd.s32 @!p0 s1  }
0xbf: {  	[bflag:$0x3] =	sbarrier.arrive $0xFFFF  }
0xc0: {  	_ =	shalt  }

</sc_bundles>
